<compile_context>
chip_gen: v7x
topology: tpu7x:2x2x1
jax: 0.10.2.dev20260603
libtpu: 0.0.44.dev20260713+nightly
codegen_flags: <defaults>
</compile_context>

<pallas_src>
import functools

import jax
import jax.numpy as jnp
from jax.experimental import pallas as pl
from jax.experimental.pallas import tpu as pltpu
from jax.experimental.pallas import tpu_sc as plsc

_B, _N = 4096, 128
_R = _B * _N
_KIN_DIM = 128
_EMB_DIM = 64
_BB = 32
_BR = _BB * _N

_NW = 32
_RW = _R // _NW
_CH = 256
_NCH = _RW // _CH

_sc_mesh = plsc.VectorSubcoreMesh(core_axis_name="c", subcore_axis_name="s")


@functools.partial(
    pl.kernel,
    out_type=jax.ShapeDtypeStruct((_R, 256), jnp.float32),
    mesh=_sc_mesh,
    compiler_params=pltpu.CompilerParams(needs_layout_passes=False),
    scratch_types=[
        pltpu.VMEM((_RW,), jnp.int32),
        pltpu.VMEM((64 * 128,), jnp.float32),
        pltpu.VMEM((_CH, 128), jnp.float32),
        pltpu.VMEM((_CH, 128), jnp.float32),
        pltpu.SemaphoreType.DMA,
    ],
)
def _sc_emb(key_hbm, tab_hbm, out_hbm, keyv, tabv, buf0, buf1, sem_o):
    c = jax.lax.axis_index("c")
    s = jax.lax.axis_index("s")
    base = (s * 2 + c) * _RW

    pltpu.sync_copy(key_hbm.at[pl.ds(base, _RW)], keyv)
    pltpu.sync_copy(tab_hbm, tabv)
    iot = jax.lax.iota(jnp.int32, 16)

    def build(j, buf):
        def grp(t, carry):
            kv = keyv[pl.ds(j * _CH + t * 16, 16)]
            rows16 = iot + t * 16
            base = kv * 128
            for col in range(128):
                plsc.store_scatter(
                    buf, [rows16, jnp.full((16,), col, jnp.int32)],
                    plsc.load_gather(tabv, [base + col]))
            return carry

        jax.lax.fori_loop(0, _CH // 16, grp, 0)

    def outcp(j, buf):
        dst = out_hbm.at[pl.ds(base + j * _CH, _CH), pl.ds(128, 128)]
        return pltpu.make_async_copy(buf, dst, sem_o)

    def group(g, carry):
        for b, buf in ((0, buf0), (1, buf1)):
            j = g * 2 + b

            @pl.when(j >= 2)
            def _():
                outcp(j - 2, buf).wait()

            build(j, buf)
            outcp(j, buf).start()
        return carry

    jax.lax.fori_loop(0, _NCH // 2, group, 0)
    outcp(_NCH - 2, buf0).wait()
    outcp(_NCH - 1, buf1).wait()


def _tc_body(kin_ref, w_ref, b_ref, emb_ref, out_ref):
    del emb_ref
    for i in range(_BB):
        kin_emb = jax.lax.dot_general(
            kin_ref[i], w_ref[...], (((0,), (0,)), ((), ())),
            preferred_element_type=jnp.float32)
        out_ref[i * _N:(i + 1) * _N, :] = kin_emb + b_ref[...]


@functools.partial(jax.jit, static_argnames=("interpret",))
def _run(kinematics, particle_ids, charges, W, b, pid_table, charge_table,
         interpret=False):
    kin_t = jnp.transpose(kinematics, (0, 2, 1))
    ids = particle_ids.reshape(_R)
    ch = charges.reshape(_R)
    b2 = b.reshape(1, _KIN_DIM)
    k = jnp.arange(60)
    ctab = jnp.zeros((64, 2 * _EMB_DIM), jnp.float32)
    ctab = ctab.at[:60, :_EMB_DIM].set(pid_table[k // 3])
    ctab = ctab.at[:60, _EMB_DIM:].set(charge_table[k % 3])
    keys = ids * 3 + ch + 1

    emb_out = _sc_emb(keys, ctab.reshape(-1))

    out = pl.pallas_call(
        _tc_body,
        grid=(_B // _BB,),
        in_specs=[
            pl.BlockSpec((_BB, 4, _N), lambda i: (i, 0, 0)),
            pl.BlockSpec((4, _KIN_DIM), lambda i: (0, 0)),
            pl.BlockSpec((1, _KIN_DIM), lambda i: (0, 0)),
            pl.BlockSpec(memory_space=pltpu.MemorySpace.HBM),
        ],
        out_specs=pl.BlockSpec((_BR, _KIN_DIM), lambda i: (i, 0)),
        out_shape=jax.ShapeDtypeStruct((_R, 256), jnp.float32),
        input_output_aliases={3: 0},
        compiler_params=pltpu.CompilerParams(
            dimension_semantics=("parallel",)),
        interpret=interpret,
    )(kin_t, W, b2, emb_out)
    return out.reshape(_B, _N, 256)


def kernel(kinematics, particle_ids, charges, W, b, pid_table, charge_table):
    return _run(kinematics, particle_ids, charges, W, b, pid_table,
                charge_table)

# --- scband reference (transcript-rebuilt; emitter-appended) ---
"""Pipeline reference for scband-particle-feature-embedding-35897336660493 (READ-ONLY COPY).

The authoritative reference and input builder live on the scoring server;
editing this copy changes nothing except your own understanding.
"""

import jax, jax.numpy as jnp
import numpy as np

B, N = 4096, 128
HID = 256
KIN_DIM = HID // 2   # 128
EMB_DIM = HID // 4   # 64

def setup_inputs(seed: int = 0) -> dict:
    key = jax.random.key(seed)
    ks = jax.random.split(key, 7)
    kinematics = jax.random.normal(ks[0], (B, N, 4), dtype=jnp.float32)
    particle_ids = jax.random.randint(ks[1], (B, N), 0, 20, dtype=jnp.int32)
    # charges in {-1, 0, 1} semantics; harness fills 0..1, forward adds 1 -> in-range [1,2]
    charges = jax.random.randint(ks[2], (B, N), 0, 2, dtype=jnp.int32)
    # learned params: nn.Linear(4, 128), nn.Embedding(20, 64), nn.Embedding(3, 64)
    W = jax.random.normal(ks[3], (4, KIN_DIM), dtype=jnp.float32) * 0.5
    b = jax.random.normal(ks[4], (KIN_DIM,), dtype=jnp.float32) * 0.1
    pid_table = jax.random.normal(ks[5], (20, EMB_DIM), dtype=jnp.float32)
    charge_table = jax.random.normal(ks[6], (3, EMB_DIM), dtype=jnp.float32)
    return {"kinematics": kinematics, "particle_ids": particle_ids, "charges": charges,
            "W": W, "b": b, "pid_table": pid_table, "charge_table": charge_table}

def reference(kinematics, particle_ids, charges, W, b, pid_table, charge_table):
    kin_emb = kinematics @ W + b                                  # [B, N, 128]
    pid_emb = jnp.take(pid_table, particle_ids, axis=0)           # [B, N, 64]
    charge_emb = jnp.take(charge_table, charges + 1, axis=0)      # [B, N, 64]
    return jnp.concatenate([kin_emb, pid_emb, charge_emb], axis=-1)  # [B, N, 256]

if __name__ == "__main__":
    import jax
    _d = setup_inputs()
    print(jax.jit(kernel)(*tuple(_d.values())))

</pallas_src>

<mosaic_0001>
#map = affine_map<(d0, d1) -> (0)>
#map1 = affine_map<(d0, d1) -> (0, 0)>
module attributes {stable_mosaic.version = 14 : i64} {
  func.func @_sc_emb(%arg0: i32, %arg1: i32, %arg2: memref<524288xi32, #tpu.memory_space<hbm>>, %arg3: memref<8192xf32, #tpu.memory_space<hbm>>, %arg4: memref<524288x256xf32, #tpu.memory_space<hbm>>, %arg5: memref<16384xi32, #tpu.memory_space<vmem>>, %arg6: memref<8192xf32, #tpu.memory_space<vmem>>, %arg7: memref<256x128xf32, #tpu.memory_space<vmem>>, %arg8: memref<256x128xf32, #tpu.memory_space<vmem>>, %arg9: memref<!tpu.dma_semaphore, #tpu.memory_space<semaphore_mem>>) attributes {dimension_semantics = [#tpu.dimension_semantics<core_parallel>, #tpu.dimension_semantics<subcore_parallel>], iteration_bounds = array<i64: 2, 16>, scalar_prefetch = 0 : i64, scratch_operands = 5 : i64, tpu.core_type = #tpu.core_type<sc_vector_subcore>, window_params = [{transform_indices = #map}, {transform_indices = #map}, {transform_indices = #map1}]} {
    %mul3A = arith.constant 2 : i32
    %mul3A_0 = arith.muli %arg1, %mul3A : i32
    %add3A = arith.addi %mul3A_0, %arg0 : i32
    %mul3A_1 = arith.constant 16384 : i32
    %mul3A_2 = arith.muli %add3A, %mul3A_1 : i32
    "tpu.region"() ({
      %run_scoped3A = tpu.sem_alloc : memref<!tpu.dma_semaphore, #tpu.memory_space<semaphore_mem>>
      %dma_start3A = tpu.memref_slice %arg2[%mul3A_2] : memref<524288xi32, #tpu.memory_space<hbm>> -> memref<16384xi32, #tpu.memory_space<hbm>>
      %dma_start3A_19 = tpu.memref_slice %arg2[%mul3A_2] : memref<524288xi32, #tpu.memory_space<hbm>> -> memref<16384xi32, #tpu.memory_space<hbm>>
      tpu.enqueue_dma source(%dma_start3A_19 : memref<16384xi32, #tpu.memory_space<hbm>>) target(%arg5 : memref<16384xi32, #tpu.memory_space<vmem>>) target_semaphore(%run_scoped3A : memref<!tpu.dma_semaphore, #tpu.memory_space<semaphore_mem>>)
      %dma_wait3A_20 = tpu.memref_slice %arg2[%mul3A_2] : memref<524288xi32, #tpu.memory_space<hbm>> -> memref<16384xi32, #tpu.memory_space<hbm>>
      %dma_wait3A_21 = tpu.memref_slice %arg2[%mul3A_2] : memref<524288xi32, #tpu.memory_space<hbm>> -> memref<16384xi32, #tpu.memory_space<hbm>>
      tpu.wait_dma2 semaphore(%run_scoped3A : memref<!tpu.dma_semaphore, #tpu.memory_space<semaphore_mem>>) src(%dma_wait3A_21 : memref<16384xi32, #tpu.memory_space<hbm>>) dst(%arg5 : memref<16384xi32, #tpu.memory_space<vmem>>)
      tpu.yield
    }) : () -> ()
    "tpu.region"() ({
      %run_scoped3A = tpu.sem_alloc : memref<!tpu.dma_semaphore, #tpu.memory_space<semaphore_mem>>
      tpu.enqueue_dma source(%arg3 : memref<8192xf32, #tpu.memory_space<hbm>>) target(%arg6 : memref<8192xf32, #tpu.memory_space<vmem>>) target_semaphore(%run_scoped3A : memref<!tpu.dma_semaphore, #tpu.memory_space<semaphore_mem>>)
      tpu.wait_dma2 semaphore(%run_scoped3A : memref<!tpu.dma_semaphore, #tpu.memory_space<semaphore_mem>>) src(%arg3 : memref<8192xf32, #tpu.memory_space<hbm>>) dst(%arg6 : memref<8192xf32, #tpu.memory_space<vmem>>)
      tpu.yield
    }) : () -> ()
    %iota3A = tpu.iota {dimensions = array<i32: 0>} : vector<16xi32>
    %scan3A = arith.constant 0 : i32
    %scan3A_3 = arith.constant 0 : i32
    %scan3A_4 = arith.constant 32 : i32
    %scan3A_5 = arith.addi %scan3A_3, %scan3A_4 : i32
    %scan3A_6 = arith.constant 1 : i32
    scf.for %scan3A_19 = %scan3A_3 to %scan3A_5 step %scan3A_6  : i32 {
      %mul3A_20 = arith.constant 2 : i32
      %mul3A_21 = arith.muli %scan3A_19, %mul3A_20 : i32
      %add3A_22 = arith.constant 0 : i32
      %add3A_23 = arith.addi %mul3A_21, %add3A_22 : i32
      %ge3A = arith.constant 2 : i32
      %ge3A_24 = arith.cmpi sge, %add3A_23, %ge3A : i32
      %convert_element_type3A = arith.extui %ge3A_24 : i1 to i32
      %cond3A = arith.constant 0 : i32
      %cond3A_25 = arith.cmpi ne, %convert_element_type3A, %cond3A : i32
      scf.if %cond3A_25 {
        %sub3A = arith.constant 2 : i32
        %sub3A_60 = arith.subi %add3A_23, %sub3A : i32
        %mul3A_61 = arith.constant 256 : i32
        %mul3A_62 = arith.muli %sub3A_60, %mul3A_61 : i32
        %add3A_63 = arith.addi %mul3A_2, %mul3A_62 : i32
        %dma_wait3A_64 = arith.constant 128 : i32
        %dma_wait3A_65 = tpu.memref_slice %arg4[%add3A_63, %dma_wait3A_64] : memref<524288x256xf32, #tpu.memory_space<hbm>> -> memref<256x128xf32, #tpu.memory_space<hbm>>
        %dma_wait3A_66 = arith.constant 128 : i32
        %dma_wait3A_67 = tpu.memref_slice %arg4[%add3A_63, %dma_wait3A_66] : memref<524288x256xf32, #tpu.memory_space<hbm>> -> memref<256x128xf32, #tpu.memory_space<hbm>>
        tpu.wait_dma2 semaphore(%arg9 : memref<!tpu.dma_semaphore, #tpu.memory_space<semaphore_mem>>) src(%arg7 : memref<256x128xf32, #tpu.memory_space<vmem>>) dst(%dma_wait3A_67 : memref<256x128xf32, #tpu.memory_space<hbm>>)
      } else {
      }
      %scan3A_26 = arith.constant 0 : i32
      %scan3A_27 = arith.constant 0 : i32
      %scan3A_28 = arith.constant 16 : i32
      %scan3A_29 = arith.addi %scan3A_27, %scan3A_28 : i32
      %scan3A_30 = arith.constant 1 : i32
      scf.for %scan3A_60 = %scan3A_27 to %scan3A_29 step %scan3A_30  : i32 {
        %mul3A_61 = arith.constant 256 : i32
        %mul3A_62 = arith.muli %add3A_23, %mul3A_61 : i32
        %mul3A_63 = arith.constant 16 : i32
        %mul3A_64 = arith.muli %scan3A_60, %mul3A_63 : i32
        %add3A_65 = arith.addi %mul3A_62, %mul3A_64 : i32
        %get3A = arith.index_cast %add3A_65 : i32 to index
        %get3A_66 = tpu.vector_load %arg5[%get3A] {strides = array<i32>} : memref<16384xi32, #tpu.memory_space<vmem>>, vector<16xi32>,
        %mul3A_67 = arith.constant 16 : i32
        %mul3A_68 = arith.muli %scan3A_60, %mul3A_67 : i32
        %add3A_69 = vector.broadcast %mul3A_68 : i32 to vector<16xi32>
        %add3A_70 = arith.addi %iota3A, %add3A_69 : vector<16xi32>
        %mul3A_71 = arith.constant 128 : i32
        %mul3A_72 = vector.broadcast %mul3A_71 : i32 to vector<16xi32>
        %mul3A_73 = arith.muli %get3A_66, %mul3A_72 : vector<16xi32>
        %broadcast_in_dim3A = arith.constant 0 : i32
        %broadcast_in_dim3A_74 = vector.broadcast %broadcast_in_dim3A : i32 to vector<16xi32>
        %add3A_75 = arith.constant 0 : i32
        %add3A_76 = vector.broadcast %add3A_75 : i32 to vector<16xi32>
        %add3A_77 = arith.addi %mul3A_73, %add3A_76 : vector<16xi32>
        %gather3A = tpu.vector_load_idx %arg6[%add3A_77] : memref<8192xf32, #tpu.memory_space<vmem>>[vector<16xi32>], vector<16xf32>,
        tpu.vector_store_idx %arg7[%add3A_70, %broadcast_in_dim3A_74], %gather3A : memref<256x128xf32, #tpu.memory_space<vmem>>[vector<16xi32>, vector<16xi32>], vector<16xf32>,
        %broadcast_in_dim3A_78 = arith.constant 1 : i32
        %broadcast_in_dim3A_79 = vector.broadcast %broadcast_in_dim3A_78 : i32 to vector<16xi32>
        %add3A_80 = arith.constant 1 : i32
        %add3A_81 = vector.broadcast %add3A_80 : i32 to vector<16xi32>
        %add3A_82 = arith.addi %mul3A_73, %add3A_81 : vector<16xi32>
        %gather3A_83 = tpu.vector_load_idx %arg6[%add3A_82] : memref<8192xf32, #tpu.memory_space<vmem>>[vector<16xi32>], vector<16xf32>,
        tpu.vector_store_idx %arg7[%add3A_70, %broadcast_in_dim3A_79], %gather3A_83 : memref<256x128xf32, #tpu.memory_space<vmem>>[vector<16xi32>, vector<16xi32>], vector<16xf32>,
        %broadcast_in_dim3A_84 = arith.constant 2 : i32
        %broadcast_in_dim3A_85 = vector.broadcast %broadcast_in_dim3A_84 : i32 to vector<16xi32>
        %add3A_86 = arith.constant 2 : i32
        %add3A_87 = vector.broadcast %add3A_86 : i32 to vector<16xi32>
        %add3A_88 = arith.addi %mul3A_73, %add3A_87 : vector<16xi32>
        %gather3A_89 = tpu.vector_load_idx %arg6[%add3A_88] : memref<8192xf32, #tpu.memory_space<vmem>>[vector<16xi32>], vector<16xf32>,
        tpu.vector_store_idx %arg7[%add3A_70, %broadcast_in_dim3A_85], %gather3A_89 : memref<256x128xf32, #tpu.memory_space<vmem>>[vector<16xi32>, vector<16xi32>], vector<16xf32>,
        %broadcast_in_dim3A_90 = arith.constant 3 : i32
        %broadcast_in_dim3A_91 = vector.broadcast %broadcast_in_dim3A_90 : i32 to vector<16xi32>
        %add3A_92 = arith.constant 3 : i32
        %add3A_93 = vector.broadcast %add3A_92 : i32 to vector<16xi32>
        %add3A_94 = arith.addi %mul3A_73, %add3A_93 : vector<16xi32>
        %gather3A_95 = tpu.vector_load_idx %arg6[%add3A_94] : memref<8192xf32, #tpu.memory_space<vmem>>[vector<16xi32>], vector<16xf32>,
        tpu.vector_store_idx %arg7[%add3A_70, %broadcast_in_dim3A_91], %gather3A_95 : memref<256x128xf32, #tpu.memory_space<vmem>>[vector<16xi32>, vector<16xi32>], vector<16xf32>,
        %broadcast_in_dim3A_96 = arith.constant 4 : i32
        %broadcast_in_dim3A_97 = vector.broadcast %broadcast_in_dim3A_96 : i32 to vector<16xi32>
        %add3A_98 = arith.constant 4 : i32
        %add3A_99 = vector.broadcast %add3A_98 : i32 to vector<16xi32>
        %add3A_100 = arith.addi %mul3A_73, %add3A_99 : vector<16xi32>
        %gather3A_101 = tpu.vector_load_idx %arg6[%add3A_100] : memref<8192xf32, #tpu.memory_space<vmem>>[vector<16xi32>], vector<16xf32>,
        tpu.vector_store_idx %arg7[%add3A_70, %broadcast_in_dim3A_97], %gather3A_101 : memref<256x128xf32, #tpu.memory_space<vmem>>[vector<16xi32>, vector<16xi32>], vector<16xf32>,
        %broadcast_in_dim3A_102 = arith.constant 5 : i32
        %broadcast_in_dim3A_103 = vector.broadcast %broadcast_in_dim3A_102 : i32 to vector<16xi32>
        %add3A_104 = arith.constant 5 : i32
        %add3A_105 = vector.broadcast %add3A_104 : i32 to vector<16xi32>
        %add3A_106 = arith.addi %mul3A_73, %add3A_105 : vector<16xi32>
        %gather3A_107 = tpu.vector_load_idx %arg6[%add3A_106] : memref<8192xf32, #tpu.memory_space<vmem>>[vector<16xi32>], vector<16xf32>,
        tpu.vector_store_idx %arg7[%add3A_70, %broadcast_in_dim3A_103], %gather3A_107 : memref<256x128xf32, #tpu.memory_space<vmem>>[vector<16xi32>, vector<16xi32>], vector<16xf32>,
        %broadcast_in_dim3A_108 = arith.constant 6 : i32
        %broadcast_in_dim3A_109 = vector.broadcast %broadcast_in_dim3A_108 : i32 to vector<16xi32>
        %add3A_110 = arith.constant 6 : i32
        %add3A_111 = vector.broadcast %add3A_110 : i32 to vector<16xi32>
        %add3A_112 = arith.addi %mul3A_73, %add3A_111 : vector<16xi32>
        %gather3A_113 = tpu.vector_load_idx %arg6[%add3A_112] : memref<8192xf32, #tpu.memory_space<vmem>>[vector<16xi32>], vector<16xf32>,
        tpu.vector_store_idx %arg7[%add3A_70, %broadcast_in_dim3A_109], %gather3A_113 : memref<256x128xf32, #tpu.memory_space<vmem>>[vector<16xi32>, vector<16xi32>], vector<16xf32>,
        %broadcast_in_dim3A_114 = arith.constant 7 : i32
        %broadcast_in_dim3A_115 = vector.broadcast %broadcast_in_dim3A_114 : i32 to vector<16xi32>
        %add3A_116 = arith.constant 7 : i32
        %add3A_117 = vector.broadcast %add3A_116 : i32 to vector<16xi32>
        %add3A_118 = arith.addi %mul3A_73, %add3A_117 : vector<16xi32>
        %gather3A_119 = tpu.vector_load_idx %arg6[%add3A_118] : memref<8192xf32, #tpu.memory_space<vmem>>[vector<16xi32>], vector<16xf32>,
        tpu.vector_store_idx %arg7[%add3A_70, %broadcast_in_dim3A_115], %gather3A_119 : memref<256x128xf32, #tpu.memory_space<vmem>>[vector<16xi32>, vector<16xi32>], vector<16xf32>,
        %broadcast_in_dim3A_120 = arith.constant 8 : i32
        %broadcast_in_dim3A_121 = vector.broadcast %broadcast_in_dim3A_120 : i32 to vector<16xi32>
        %add3A_122 = arith.constant 8 : i32
        %add3A_123 = vector.broadcast %add3A_122 : i32 to vector<16xi32>
        %add3A_124 = arith.addi %mul3A_73, %add3A_123 : vector<16xi32>
        %gather3A_125 = tpu.vector_load_idx %arg6[%add3A_124] : memref<8192xf32, #tpu.memory_space<vmem>>[vector<16xi32>], vector<16xf32>,
        tpu.vector_store_idx %arg7[%add3A_70, %broadcast_in_dim3A_121], %gather3A_125 : memref<256x128xf32, #tpu.memory_space<vmem>>[vector<16xi32>, vector<16xi32>], vector<16xf32>,
        %broadcast_in_dim3A_126 = arith.constant 9 : i32
        %broadcast_in_dim3A_127 = vector.broadcast %broadcast_in_dim3A_126 : i32 to vector<16xi32>
        %add3A_128 = arith.constant 9 : i32
        %add3A_129 = vector.broadcast %add3A_128 : i32 to vector<16xi32>
        %add3A_130 = arith.addi %mul3A_73, %add3A_129 : vector<16xi32>
        %gather3A_131 = tpu.vector_load_idx %arg6[%add3A_130] : memref<8192xf32, #tpu.memory_space<vmem>>[vector<16xi32>], vector<16xf32>,
        tpu.vector_store_idx %arg7[%add3A_70, %broadcast_in_dim3A_127], %gather3A_131 : memref<256x128xf32, #tpu.memory_space<vmem>>[vector<16xi32>, vector<16xi32>], vector<16xf32>,
        %broadcast_in_dim3A_132 = arith.constant 10 : i32
        %broadcast_in_dim3A_133 = vector.broadcast %broadcast_in_dim3A_132 : i32 to vector<16xi32>
        %add3A_134 = arith.constant 10 : i32
        %add3A_135 = vector.broadcast %add3A_134 : i32 to vector<16xi32>
        %add3A_136 = arith.addi %mul3A_73, %add3A_135 : vector<16xi32>
        %gather3A_137 = tpu.vector_load_idx %arg6[%add3A_136] : memref<8192xf32, #tpu.memory_space<vmem>>[vector<16xi32>], vector<16xf32>,
        tpu.vector_store_idx %arg7[%add3A_70, %broadcast_in_dim3A_133], %gather3A_137 : memref<256x128xf32, #tpu.memory_space<vmem>>[vector<16xi32>, vector<16xi32>], vector<16xf32>,
        %broadcast_in_dim3A_138 = arith.constant 11 : i32
        %broadcast_in_dim3A_139 = vector.broadcast %broadcast_in_dim3A_138 : i32 to vector<16xi32>
        %add3A_140 = arith.constant 11 : i32
        %add3A_141 = vector.broadcast %add3A_140 : i32 to vector<16xi32>
        %add3A_142 = arith.addi %mul3A_73, %add3A_141 : vector<16xi32>
        %gather3A_143 = tpu.vector_load_idx %arg6[%add3A_142] : memref<8192xf32, #tpu.memory_space<vmem>>[vector<16xi32>], vector<16xf32>,
        tpu.vector_store_idx %arg7[%add3A_70, %broadcast_in_dim3A_139], %gather3A_143 : memref<256x128xf32, #tpu.memory_space<vmem>>[vector<16xi32>, vector<16xi32>], vector<16xf32>,
        %broadcast_in_dim3A_144 = arith.constant 12 : i32
        %broadcast_in_dim3A_145 = vector.broadcast %broadcast_in_dim3A_144 : i32 to vector<16xi32>
        %add3A_146 = arith.constant 12 : i32
        %add3A_147 = vector.broadcast %add3A_146 : i32 to vector<16xi32>
        %add3A_148 = arith.addi %mul3A_73, %add3A_147 : vector<16xi32>
        %gather3A_149 = tpu.vector_load_idx %arg6[%add3A_148] : memref<8192xf32, #tpu.memory_space<vmem>>[vector<16xi32>], vector<16xf32>,
        tpu.vector_store_idx %arg7[%add3A_70, %broadcast_in_dim3A_145], %gather3A_149 : memref<256x128xf32, #tpu.memory_space<vmem>>[vector<16xi32>, vector<16xi32>], vector<16xf32>,
        %broadcast_in_dim3A_150 = arith.constant 13 : i32
        %broadcast_in_dim3A_151 = vector.broadcast %broadcast_in_dim3A_150 : i32 to vector<16xi32>
        %add3A_152 = arith.constant 13 : i32
        %add3A_153 = vector.broadcast %add3A_152 : i32 to vector<16xi32>
        %add3A_154 = arith.addi %mul3A_73, %add3A_153 : vector<16xi32>
        %gather3A_155 = tpu.vector_load_idx %arg6[%add3A_154] : memref<8192xf32, #tpu.memory_space<vmem>>[vector<16xi32>], vector<16xf32>,
        tpu.vector_store_idx %arg7[%add3A_70, %broadcast_in_dim3A_151], %gather3A_155 : memref<256x128xf32, #tpu.memory_space<vmem>>[vector<16xi32>, vector<16xi32>], vector<16xf32>,
        %broadcast_in_dim3A_156 = arith.constant 14 : i32
        %broadcast_in_dim3A_157 = vector.broadcast %broadcast_in_dim3A_156 : i32 to vector<16xi32>
        %add3A_158 = arith.constant 14 : i32
        %add3A_159 = vector.broadcast %add3A_158 : i32 to vector<16xi32>
        %add3A_160 = arith.addi %mul3A_73, %add3A_159 : vector<16xi32>
        %gather3A_161 = tpu.vector_load_idx %arg6[%add3A_160] : memref<8192xf32, #tpu.memory_space<vmem>>[vector<16xi32>], vector<16xf32>,
        tpu.vector_store_idx %arg7[%add3A_70, %broadcast_in_dim3A_157], %gather3A_161 : memref<256x128xf32, #tpu.memory_space<vmem>>[vector<16xi32>, vector<16xi32>], vector<16xf32>,
        %broadcast_in_dim3A_162 = arith.constant 15 : i32
        %broadcast_in_dim3A_163 = vector.broadcast %broadcast_in_dim3A_162 : i32 to vector<16xi32>
        %add3A_164 = arith.constant 15 : i32
        %add3A_165 = vector.broadcast %add3A_164 : i32 to vector<16xi32>
        %add3A_166 = arith.addi %mul3A_73, %add3A_165 : vector<16xi32>
        %gather3A_167 = tpu.vector_load_idx %arg6[%add3A_166] : memref<8192xf32, #tpu.memory_space<vmem>>[vector<16xi32>], vector<16xf32>,
        tpu.vector_store_idx %arg7[%add3A_70, %broadcast_in_dim3A_163], %gather3A_167 : memref<256x128xf32, #tpu.memory_space<vmem>>[vector<16xi32>, vector<16xi32>], vector<16xf32>,
        %broadcast_in_dim3A_168 = arith.constant 16 : i32
        %broadcast_in_dim3A_169 = vector.broadcast %broadcast_in_dim3A_168 : i32 to vector<16xi32>
        %add3A_170 = arith.constant 16 : i32
        %add3A_171 = vector.broadcast %add3A_170 : i32 to vector<16xi32>
        %add3A_172 = arith.addi %mul3A_73, %add3A_171 : vector<16xi32>
        %gather3A_173 = tpu.vector_load_idx %arg6[%add3A_172] : memref<8192xf32, #tpu.memory_space<vmem>>[vector<16xi32>], vector<16xf32>,
        tpu.vector_store_idx %arg7[%add3A_70, %broadcast_in_dim3A_169], %gather3A_173 : memref<256x128xf32, #tpu.memory_space<vmem>>[vector<16xi32>, vector<16xi32>], vector<16xf32>,
        %broadcast_in_dim3A_174 = arith.constant 17 : i32
        %broadcast_in_dim3A_175 = vector.broadcast %broadcast_in_dim3A_174 : i32 to vector<16xi32>
        %add3A_176 = arith.constant 17 : i32
        %add3A_177 = vector.broadcast %add3A_176 : i32 to vector<16xi32>
        %add3A_178 = arith.addi %mul3A_73, %add3A_177 : vector<16xi32>
        %gather3A_179 = tpu.vector_load_idx %arg6[%add3A_178] : memref<8192xf32, #tpu.memory_space<vmem>>[vector<16xi32>], vector<16xf32>,
        tpu.vector_store_idx %arg7[%add3A_70, %broadcast_in_dim3A_175], %gather3A_179 : memref<256x128xf32, #tpu.memory_space<vmem>>[vector<16xi32>, vector<16xi32>], vector<16xf32>,
        %broadcast_in_dim3A_180 = arith.constant 18 : i32
        %broadcast_in_dim3A_181 = vector.broadcast %broadcast_in_dim3A_180 : i32 to vector<16xi32>
        %add3A_182 = arith.constant 18 : i32
        %add3A_183 = vector.broadcast %add3A_182 : i32 to vector<16xi32>
        %add3A_184 = arith.addi %mul3A_73, %add3A_183 : vector<16xi32>
        %gather3A_185 = tpu.vector_load_idx %arg6[%add3A_184] : memref<8192xf32, #tpu.memory_space<vmem>>[vector<16xi32>], vector<16xf32>,
        tpu.vector_store_idx %arg7[%add3A_70, %broadcast_in_dim3A_181], %gather3A_185 : memref<256x128xf32, #tpu.memory_space<vmem>>[vector<16xi32>, vector<16xi32>], vector<16xf32>,
        %broadcast_in_dim3A_186 = arith.constant 19 : i32
        %broadcast_in_dim3A_187 = vector.broadcast %broadcast_in_dim3A_186 : i32 to vector<16xi32>
        %add3A_188 = arith.constant 19 : i32
        %add3A_189 = vector.broadcast %add3A_188 : i32 to vector<16xi32>
        %add3A_190 = arith.addi %mul3A_73, %add3A_189 : vector<16xi32>
        %gather3A_191 = tpu.vector_load_idx %arg6[%add3A_190] : memref<8192xf32, #tpu.memory_space<vmem>>[vector<16xi32>], vector<16xf32>,
        tpu.vector_store_idx %arg7[%add3A_70, %broadcast_in_dim3A_187], %gather3A_191 : memref<256x128xf32, #tpu.memory_space<vmem>>[vector<16xi32>, vector<16xi32>], vector<16xf32>,
        %broadcast_in_dim3A_192 = arith.constant 20 : i32
        %broadcast_in_dim3A_193 = vector.broadcast %broadcast_in_dim3A_192 : i32 to vector<16xi32>
        %add3A_194 = arith.constant 20 : i32
        %add3A_195 = vector.broadcast %add3A_194 : i32 to vector<16xi32>
        %add3A_196 = arith.addi %mul3A_73, %add3A_195 : vector<16xi32>
        %gather3A_197 = tpu.vector_load_idx %arg6[%add3A_196] : memref<8192xf32, #tpu.memory_space<vmem>>[vector<16xi32>], vector<16xf32>,
        tpu.vector_store_idx %arg7[%add3A_70, %broadcast_in_dim3A_193], %gather3A_197 : memref<256x128xf32, #tpu.memory_space<vmem>>[vector<16xi32>, vector<16xi32>], vector<16xf32>,
        %broadcast_in_dim3A_198 = arith.constant 21 : i32
        %broadcast_in_dim3A_199 = vector.broadcast %broadcast_in_dim3A_198 : i32 to vector<16xi32>
        %add3A_200 = arith.constant 21 : i32
        %add3A_201 = vector.broadcast %add3A_200 : i32 to vector<16xi32>
        %add3A_202 = arith.addi %mul3A_73, %add3A_201 : vector<16xi32>
        %gather3A_203 = tpu.vector_load_idx %arg6[%add3A_202] : memref<8192xf32, #tpu.memory_space<vmem>>[vector<16xi32>], vector<16xf32>,
        tpu.vector_store_idx %arg7[%add3A_70, %broadcast_in_dim3A_199], %gather3A_203 : memref<256x128xf32, #tpu.memory_space<vmem>>[vector<16xi32>, vector<16xi32>], vector<16xf32>,
        %broadcast_in_dim3A_204 = arith.constant 22 : i32
        %broadcast_in_dim3A_205 = vector.broadcast %broadcast_in_dim3A_204 : i32 to vector<16xi32>
        %add3A_206 = arith.constant 22 : i32
        %add3A_207 = vector.broadcast %add3A_206 : i32 to vector<16xi32>
        %add3A_208 = arith.addi %mul3A_73, %add3A_207 : vector<16xi32>
        %gather3A_209 = tpu.vector_load_idx %arg6[%add3A_208] : memref<8192xf32, #tpu.memory_space<vmem>>[vector<16xi32>], vector<16xf32>,
        tpu.vector_store_idx %arg7[%add3A_70, %broadcast_in_dim3A_205], %gather3A_209 : memref<256x128xf32, #tpu.memory_space<vmem>>[vector<16xi32>, vector<16xi32>], vector<16xf32>,
        %broadcast_in_dim3A_210 = arith.constant 23 : i32
        %broadcast_in_dim3A_211 = vector.broadcast %broadcast_in_dim3A_210 : i32 to vector<16xi32>
        %add3A_212 = arith.constant 23 : i32
        %add3A_213 = vector.broadcast %add3A_212 : i32 to vector<16xi32>
        %add3A_214 = arith.addi %mul3A_73, %add3A_213 : vector<16xi32>
        %gather3A_215 = tpu.vector_load_idx %arg6[%add3A_214] : memref<8192xf32, #tpu.memory_space<vmem>>[vector<16xi32>], vector<16xf32>,
        tpu.vector_store_idx %arg7[%add3A_70, %broadcast_in_dim3A_211], %gather3A_215 : memref<256x128xf32, #tpu.memory_space<vmem>>[vector<16xi32>, vector<16xi32>], vector<16xf32>,
        %broadcast_in_dim3A_216 = arith.constant 24 : i32
        %broadcast_in_dim3A_217 = vector.broadcast %broadcast_in_dim3A_216 : i32 to vector<16xi32>
        %add3A_218 = arith.constant 24 : i32
        %add3A_219 = vector.broadcast %add3A_218 : i32 to vector<16xi32>
        %add3A_220 = arith.addi %mul3A_73, %add3A_219 : vector<16xi32>
        %gather3A_221 = tpu.vector_load_idx %arg6[%add3A_220] : memref<8192xf32, #tpu.memory_space<vmem>>[vector<16xi32>], vector<16xf32>,
        tpu.vector_store_idx %arg7[%add3A_70, %broadcast_in_dim3A_217], %gather3A_221 : memref<256x128xf32, #tpu.memory_space<vmem>>[vector<16xi32>, vector<16xi32>], vector<16xf32>,
        %broadcast_in_dim3A_222 = arith.constant 25 : i32
        %broadcast_in_dim3A_223 = vector.broadcast %broadcast_in_dim3A_222 : i32 to vector<16xi32>
        %add3A_224 = arith.constant 25 : i32
        %add3A_225 = vector.broadcast %add3A_224 : i32 to vector<16xi32>
        %add3A_226 = arith.addi %mul3A_73, %add3A_225 : vector<16xi32>
        %gather3A_227 = tpu.vector_load_idx %arg6[%add3A_226] : memref<8192xf32, #tpu.memory_space<vmem>>[vector<16xi32>], vector<16xf32>,
        tpu.vector_store_idx %arg7[%add3A_70, %broadcast_in_dim3A_223], %gather3A_227 : memref<256x128xf32, #tpu.memory_space<vmem>>[vector<16xi32>, vector<16xi32>], vector<16xf32>,
        %broadcast_in_dim3A_228 = arith.constant 26 : i32
        %broadcast_in_dim3A_229 = vector.broadcast %broadcast_in_dim3A_228 : i32 to vector<16xi32>
        %add3A_230 = arith.constant 26 : i32
        %add3A_231 = vector.broadcast %add3A_230 : i32 to vector<16xi32>
        %add3A_232 = arith.addi %mul3A_73, %add3A_231 : vector<16xi32>
        %gather3A_233 = tpu.vector_load_idx %arg6[%add3A_232] : memref<8192xf32, #tpu.memory_space<vmem>>[vector<16xi32>], vector<16xf32>,
        tpu.vector_store_idx %arg7[%add3A_70, %broadcast_in_dim3A_229], %gather3A_233 : memref<256x128xf32, #tpu.memory_space<vmem>>[vector<16xi32>, vector<16xi32>], vector<16xf32>,
        %broadcast_in_dim3A_234 = arith.constant 27 : i32
        %broadcast_in_dim3A_235 = vector.broadcast %broadcast_in_dim3A_234 : i32 to vector<16xi32>
        %add3A_236 = arith.constant 27 : i32
        %add3A_237 = vector.broadcast %add3A_236 : i32 to vector<16xi32>
        %add3A_238 = arith.addi %mul3A_73, %add3A_237 : vector<16xi32>
        %gather3A_239 = tpu.vector_load_idx %arg6[%add3A_238] : memref<8192xf32, #tpu.memory_space<vmem>>[vector<16xi32>], vector<16xf32>,
        tpu.vector_store_idx %arg7[%add3A_70, %broadcast_in_dim3A_235], %gather3A_239 : memref<256x128xf32, #tpu.memory_space<vmem>>[vector<16xi32>, vector<16xi32>], vector<16xf32>,
        %broadcast_in_dim3A_240 = arith.constant 28 : i32
        %broadcast_in_dim3A_241 = vector.broadcast %broadcast_in_dim3A_240 : i32 to vector<16xi32>
        %add3A_242 = arith.constant 28 : i32
        %add3A_243 = vector.broadcast %add3A_242 : i32 to vector<16xi32>
        %add3A_244 = arith.addi %mul3A_73, %add3A_243 : vector<16xi32>
        %gather3A_245 = tpu.vector_load_idx %arg6[%add3A_244] : memref<8192xf32, #tpu.memory_space<vmem>>[vector<16xi32>], vector<16xf32>,
        tpu.vector_store_idx %arg7[%add3A_70, %broadcast_in_dim3A_241], %gather3A_245 : memref<256x128xf32, #tpu.memory_space<vmem>>[vector<16xi32>, vector<16xi32>], vector<16xf32>,
        %broadcast_in_dim3A_246 = arith.constant 29 : i32
        %broadcast_in_dim3A_247 = vector.broadcast %broadcast_in_dim3A_246 : i32 to vector<16xi32>
        %add3A_248 = arith.constant 29 : i32
        %add3A_249 = vector.broadcast %add3A_248 : i32 to vector<16xi32>
        %add3A_250 = arith.addi %mul3A_73, %add3A_249 : vector<16xi32>
        %gather3A_251 = tpu.vector_load_idx %arg6[%add3A_250] : memref<8192xf32, #tpu.memory_space<vmem>>[vector<16xi32>], vector<16xf32>,
        tpu.vector_store_idx %arg7[%add3A_70, %broadcast_in_dim3A_247], %gather3A_251 : memref<256x128xf32, #tpu.memory_space<vmem>>[vector<16xi32>, vector<16xi32>], vector<16xf32>,
        %broadcast_in_dim3A_252 = arith.constant 30 : i32
        %broadcast_in_dim3A_253 = vector.broadcast %broadcast_in_dim3A_252 : i32 to vector<16xi32>
        %add3A_254 = arith.constant 30 : i32
        %add3A_255 = vector.broadcast %add3A_254 : i32 to vector<16xi32>
        %add3A_256 = arith.addi %mul3A_73, %add3A_255 : vector<16xi32>
        %gather3A_257 = tpu.vector_load_idx %arg6[%add3A_256] : memref<8192xf32, #tpu.memory_space<vmem>>[vector<16xi32>], vector<16xf32>,
        tpu.vector_store_idx %arg7[%add3A_70, %broadcast_in_dim3A_253], %gather3A_257 : memref<256x128xf32, #tpu.memory_space<vmem>>[vector<16xi32>, vector<16xi32>], vector<16xf32>,
        %broadcast_in_dim3A_258 = arith.constant 31 : i32
        %broadcast_in_dim3A_259 = vector.broadcast %broadcast_in_dim3A_258 : i32 to vector<16xi32>
        %add3A_260 = arith.constant 31 : i32
        %add3A_261 = vector.broadcast %add3A_260 : i32 to vector<16xi32>
        %add3A_262 = arith.addi %mul3A_73, %add3A_261 : vector<16xi32>
        %gather3A_263 = tpu.vector_load_idx %arg6[%add3A_262] : memref<8192xf32, #tpu.memory_space<vmem>>[vector<16xi32>], vector<16xf32>,
        tpu.vector_store_idx %arg7[%add3A_70, %broadcast_in_dim3A_259], %gather3A_263 : memref<256x128xf32, #tpu.memory_space<vmem>>[vector<16xi32>, vector<16xi32>], vector<16xf32>,
        %broadcast_in_dim3A_264 = arith.constant 32 : i32
        %broadcast_in_dim3A_265 = vector.broadcast %broadcast_in_dim3A_264 : i32 to vector<16xi32>
        %add3A_266 = arith.constant 32 : i32
        %add3A_267 = vector.broadcast %add3A_266 : i32 to vector<16xi32>
        %add3A_268 = arith.addi %mul3A_73, %add3A_267 : vector<16xi32>
        %gather3A_269 = tpu.vector_load_idx %arg6[%add3A_268] : memref<8192xf32, #tpu.memory_space<vmem>>[vector<16xi32>], vector<16xf32>,
        tpu.vector_store_idx %arg7[%add3A_70, %broadcast_in_dim3A_265], %gather3A_269 : memref<256x128xf32, #tpu.memory_space<vmem>>[vector<16xi32>, vector<16xi32>], vector<16xf32>,
        %broadcast_in_dim3A_270 = arith.constant 33 : i32
        %broadcast_in_dim3A_271 = vector.broadcast %broadcast_in_dim3A_270 : i32 to vector<16xi32>
        %add3A_272 = arith.constant 33 : i32
        %add3A_273 = vector.broadcast %add3A_272 : i32 to vector<16xi32>
        %add3A_274 = arith.addi %mul3A_73, %add3A_273 : vector<16xi32>
        %gather3A_275 = tpu.vector_load_idx %arg6[%add3A_274] : memref<8192xf32, #tpu.memory_space<vmem>>[vector<16xi32>], vector<16xf32>,
        tpu.vector_store_idx %arg7[%add3A_70, %broadcast_in_dim3A_271], %gather3A_275 : memref<256x128xf32, #tpu.memory_space<vmem>>[vector<16xi32>, vector<16xi32>], vector<16xf32>,
        %broadcast_in_dim3A_276 = arith.constant 34 : i32
        %broadcast_in_dim3A_277 = vector.broadcast %broadcast_in_dim3A_276 : i32 to vector<16xi32>
        %add3A_278 = arith.constant 34 : i32
        %add3A_279 = vector.broadcast %add3A_278 : i32 to vector<16xi32>
        %add3A_280 = arith.addi %mul3A_73, %add3A_279 : vector<16xi32>
        %gather3A_281 = tpu.vector_load_idx %arg6[%add3A_280] : memref<8192xf32, #tpu.memory_space<vmem>>[vector<16xi32>], vector<16xf32>,
        tpu.vector_store_idx %arg7[%add3A_70, %broadcast_in_dim3A_277], %gather3A_281 : memref<256x128xf32, #tpu.memory_space<vmem>>[vector<16xi32>, vector<16xi32>], vector<16xf32>,
        %broadcast_in_dim3A_282 = arith.constant 35 : i32
        %broadcast_in_dim3A_283 = vector.broadcast %broadcast_in_dim3A_282 : i32 to vector<16xi32>
        %add3A_284 = arith.constant 35 : i32
        %add3A_285 = vector.broadcast %add3A_284 : i32 to vector<16xi32>
        %add3A_286 = arith.addi %mul3A_73, %add3A_285 : vector<16xi32>
        %gather3A_287 = tpu.vector_load_idx %arg6[%add3A_286] : memref<8192xf32, #tpu.memory_space<vmem>>[vector<16xi32>], vector<16xf32>,
        tpu.vector_store_idx %arg7[%add3A_70, %broadcast_in_dim3A_283], %gather3A_287 : memref<256x128xf32, #tpu.memory_space<vmem>>[vector<16xi32>, vector<16xi32>], vector<16xf32>,
        %broadcast_in_dim3A_288 = arith.constant 36 : i32
        %broadcast_in_dim3A_289 = vector.broadcast %broadcast_in_dim3A_288 : i32 to vector<16xi32>
        %add3A_290 = arith.constant 36 : i32
        %add3A_291 = vector.broadcast %add3A_290 : i32 to vector<16xi32>
        %add3A_292 = arith.addi %mul3A_73, %add3A_291 : vector<16xi32>
        %gather3A_293 = tpu.vector_load_idx %arg6[%add3A_292] : memref<8192xf32, #tpu.memory_space<vmem>>[vector<16xi32>], vector<16xf32>,
        tpu.vector_store_idx %arg7[%add3A_70, %broadcast_in_dim3A_289], %gather3A_293 : memref<256x128xf32, #tpu.memory_space<vmem>>[vector<16xi32>, vector<16xi32>], vector<16xf32>,
        %broadcast_in_dim3A_294 = arith.constant 37 : i32
        %broadcast_in_dim3A_295 = vector.broadcast %broadcast_in_dim3A_294 : i32 to vector<16xi32>
        %add3A_296 = arith.constant 37 : i32
        %add3A_297 = vector.broadcast %add3A_296 : i32 to vector<16xi32>
        %add3A_298 = arith.addi %mul3A_73, %add3A_297 : vector<16xi32>
        %gather3A_299 = tpu.vector_load_idx %arg6[%add3A_298] : memref<8192xf32, #tpu.memory_space<vmem>>[vector<16xi32>], vector<16xf32>,
        tpu.vector_store_idx %arg7[%add3A_70, %broadcast_in_dim3A_295], %gather3A_299 : memref<256x128xf32, #tpu.memory_space<vmem>>[vector<16xi32>, vector<16xi32>], vector<16xf32>,
        %broadcast_in_dim3A_300 = arith.constant 38 : i32
        %broadcast_in_dim3A_301 = vector.broadcast %broadcast_in_dim3A_300 : i32 to vector<16xi32>
        %add3A_302 = arith.constant 38 : i32
        %add3A_303 = vector.broadcast %add3A_302 : i32 to vector<16xi32>
        %add3A_304 = arith.addi %mul3A_73, %add3A_303 : vector<16xi32>
        %gather3A_305 = tpu.vector_load_idx %arg6[%add3A_304] : memref<8192xf32, #tpu.memory_space<vmem>>[vector<16xi32>], vector<16xf32>,
        tpu.vector_store_idx %arg7[%add3A_70, %broadcast_in_dim3A_301], %gather3A_305 : memref<256x128xf32, #tpu.memory_space<vmem>>[vector<16xi32>, vector<16xi32>], vector<16xf32>,
        %broadcast_in_dim3A_306 = arith.constant 39 : i32
        %broadcast_in_dim3A_307 = vector.broadcast %broadcast_in_dim3A_306 : i32 to vector<16xi32>
        %add3A_308 = arith.constant 39 : i32
        %add3A_309 = vector.broadcast %add3A_308 : i32 to vector<16xi32>
        %add3A_310 = arith.addi %mul3A_73, %add3A_309 : vector<16xi32>
        %gather3A_311 = tpu.vector_load_idx %arg6[%add3A_310] : memref<8192xf32, #tpu.memory_space<vmem>>[vector<16xi32>], vector<16xf32>,
        tpu.vector_store_idx %arg7[%add3A_70, %broadcast_in_dim3A_307], %gather3A_311 : memref<256x128xf32, #tpu.memory_space<vmem>>[vector<16xi32>, vector<16xi32>], vector<16xf32>,
        %broadcast_in_dim3A_312 = arith.constant 40 : i32
        %broadcast_in_dim3A_313 = vector.broadcast %broadcast_in_dim3A_312 : i32 to vector<16xi32>
        %add3A_314 = arith.constant 40 : i32
        %add3A_315 = vector.broadcast %add3A_314 : i32 to vector<16xi32>
        %add3A_316 = arith.addi %mul3A_73, %add3A_315 : vector<16xi32>
        %gather3A_317 = tpu.vector_load_idx %arg6[%add3A_316] : memref<8192xf32, #tpu.memory_space<vmem>>[vector<16xi32>], vector<16xf32>,
        tpu.vector_store_idx %arg7[%add3A_70, %broadcast_in_dim3A_313], %gather3A_317 : memref<256x128xf32, #tpu.memory_space<vmem>>[vector<16xi32>, vector<16xi32>], vector<16xf32>,
        %broadcast_in_dim3A_318 = arith.constant 41 : i32
        %broadcast_in_dim3A_319 = vector.broadcast %broadcast_in_dim3A_318 : i32 to vector<16xi32>
        %add3A_320 = arith.constant 41 : i32
        %add3A_321 = vector.broadcast %add3A_320 : i32 to vector<16xi32>
        %add3A_322 = arith.addi %mul3A_73, %add3A_321 : vector<16xi32>
        %gather3A_323 = tpu.vector_load_idx %arg6[%add3A_322] : memref<8192xf32, #tpu.memory_space<vmem>>[vector<16xi32>], vector<16xf32>,
        tpu.vector_store_idx %arg7[%add3A_70, %broadcast_in_dim3A_319], %gather3A_323 : memref<256x128xf32, #tpu.memory_space<vmem>>[vector<16xi32>, vector<16xi32>], vector<16xf32>,
        %broadcast_in_dim3A_324 = arith.constant 42 : i32
        %broadcast_in_dim3A_325 = vector.broadcast %broadcast_in_dim3A_324 : i32 to vector<16xi32>
        %add3A_326 = arith.constant 42 : i32
        %add3A_327 = vector.broadcast %add3A_326 : i32 to vector<16xi32>
        %add3A_328 = arith.addi %mul3A_73, %add3A_327 : vector<16xi32>
        %gather3A_329 = tpu.vector_load_idx %arg6[%add3A_328] : memref<8192xf32, #tpu.memory_space<vmem>>[vector<16xi32>], vector<16xf32>,
        tpu.vector_store_idx %arg7[%add3A_70, %broadcast_in_dim3A_325], %gather3A_329 : memref<256x128xf32, #tpu.memory_space<vmem>>[vector<16xi32>, vector<16xi32>], vector<16xf32>,
        %broadcast_in_dim3A_330 = arith.constant 43 : i32
        %broadcast_in_dim3A_331 = vector.broadcast %broadcast_in_dim3A_330 : i32 to vector<16xi32>
        %add3A_332 = arith.constant 43 : i32
        %add3A_333 = vector.broadcast %add3A_332 : i32 to vector<16xi32>
        %add3A_334 = arith.addi %mul3A_73, %add3A_333 : vector<16xi32>
        %gather3A_335 = tpu.vector_load_idx %arg6[%add3A_334] : memref<8192xf32, #tpu.memory_space<vmem>>[vector<16xi32>], vector<16xf32>,
        tpu.vector_store_idx %arg7[%add3A_70, %broadcast_in_dim3A_331], %gather3A_335 : memref<256x128xf32, #tpu.memory_space<vmem>>[vector<16xi32>, vector<16xi32>], vector<16xf32>,
        %broadcast_in_dim3A_336 = arith.constant 44 : i32
        %broadcast_in_dim3A_337 = vector.broadcast %broadcast_in_dim3A_336 : i32 to vector<16xi32>
        %add3A_338 = arith.constant 44 : i32
        %add3A_339 = vector.broadcast %add3A_338 : i32 to vector<16xi32>
        %add3A_340 = arith.addi %mul3A_73, %add3A_339 : vector<16xi32>
        %gather3A_341 = tpu.vector_load_idx %arg6[%add3A_340] : memref<8192xf32, #tpu.memory_space<vmem>>[vector<16xi32>], vector<16xf32>,
        tpu.vector_store_idx %arg7[%add3A_70, %broadcast_in_dim3A_337], %gather3A_341 : memref<256x128xf32, #tpu.memory_space<vmem>>[vector<16xi32>, vector<16xi32>], vector<16xf32>,
        %broadcast_in_dim3A_342 = arith.constant 45 : i32
        %broadcast_in_dim3A_343 = vector.broadcast %broadcast_in_dim3A_342 : i32 to vector<16xi32>
        %add3A_344 = arith.constant 45 : i32
        %add3A_345 = vector.broadcast %add3A_344 : i32 to vector<16xi32>
        %add3A_346 = arith.addi %mul3A_73, %add3A_345 : vector<16xi32>
        %gather3A_347 = tpu.vector_load_idx %arg6[%add3A_346] : memref<8192xf32, #tpu.memory_space<vmem>>[vector<16xi32>], vector<16xf32>,
        tpu.vector_store_idx %arg7[%add3A_70, %broadcast_in_dim3A_343], %gather3A_347 : memref<256x128xf32, #tpu.memory_space<vmem>>[vector<16xi32>, vector<16xi32>], vector<16xf32>,
        %broadcast_in_dim3A_348 = arith.constant 46 : i32
        %broadcast_in_dim3A_349 = vector.broadcast %broadcast_in_dim3A_348 : i32 to vector<16xi32>
        %add3A_350 = arith.constant 46 : i32
        %add3A_351 = vector.broadcast %add3A_350 : i32 to vector<16xi32>
        %add3A_352 = arith.addi %mul3A_73, %add3A_351 : vector<16xi32>
        %gather3A_353 = tpu.vector_load_idx %arg6[%add3A_352] : memref<8192xf32, #tpu.memory_space<vmem>>[vector<16xi32>], vector<16xf32>,
        tpu.vector_store_idx %arg7[%add3A_70, %broadcast_in_dim3A_349], %gather3A_353 : memref<256x128xf32, #tpu.memory_space<vmem>>[vector<16xi32>, vector<16xi32>], vector<16xf32>,
        %broadcast_in_dim3A_354 = arith.constant 47 : i32
        %broadcast_in_dim3A_355 = vector.broadcast %broadcast_in_dim3A_354 : i32 to vector<16xi32>
        %add3A_356 = arith.constant 47 : i32
        %add3A_357 = vector.broadcast %add3A_356 : i32 to vector<16xi32>
        %add3A_358 = arith.addi %mul3A_73, %add3A_357 : vector<16xi32>
        %gather3A_359 = tpu.vector_load_idx %arg6[%add3A_358] : memref<8192xf32, #tpu.memory_space<vmem>>[vector<16xi32>], vector<16xf32>,
        tpu.vector_store_idx %arg7[%add3A_70, %broadcast_in_dim3A_355], %gather3A_359 : memref<256x128xf32, #tpu.memory_space<vmem>>[vector<16xi32>, vector<16xi32>], vector<16xf32>,
        %broadcast_in_dim3A_360 = arith.constant 48 : i32
        %broadcast_in_dim3A_361 = vector.broadcast %broadcast_in_dim3A_360 : i32 to vector<16xi32>
        %add3A_362 = arith.constant 48 : i32
        %add3A_363 = vector.broadcast %add3A_362 : i32 to vector<16xi32>
        %add3A_364 = arith.addi %mul3A_73, %add3A_363 : vector<16xi32>
        %gather3A_365 = tpu.vector_load_idx %arg6[%add3A_364] : memref<8192xf32, #tpu.memory_space<vmem>>[vector<16xi32>], vector<16xf32>,
        tpu.vector_store_idx %arg7[%add3A_70, %broadcast_in_dim3A_361], %gather3A_365 : memref<256x128xf32, #tpu.memory_space<vmem>>[vector<16xi32>, vector<16xi32>], vector<16xf32>,
        %broadcast_in_dim3A_366 = arith.constant 49 : i32
        %broadcast_in_dim3A_367 = vector.broadcast %broadcast_in_dim3A_366 : i32 to vector<16xi32>
        %add3A_368 = arith.constant 49 : i32
        %add3A_369 = vector.broadcast %add3A_368 : i32 to vector<16xi32>
        %add3A_370 = arith.addi %mul3A_73, %add3A_369 : vector<16xi32>
        %gather3A_371 = tpu.vector_load_idx %arg6[%add3A_370] : memref<8192xf32, #tpu.memory_space<vmem>>[vector<16xi32>], vector<16xf32>,
        tpu.vector_store_idx %arg7[%add3A_70, %broadcast_in_dim3A_367], %gather3A_371 : memref<256x128xf32, #tpu.memory_space<vmem>>[vector<16xi32>, vector<16xi32>], vector<16xf32>,
        %broadcast_in_dim3A_372 = arith.constant 50 : i32
        %broadcast_in_dim3A_373 = vector.broadcast %broadcast_in_dim3A_372 : i32 to vector<16xi32>
        %add3A_374 = arith.constant 50 : i32
        %add3A_375 = vector.broadcast %add3A_374 : i32 to vector<16xi32>
        %add3A_376 = arith.addi %mul3A_73, %add3A_375 : vector<16xi32>
        %gather3A_377 = tpu.vector_load_idx %arg6[%add3A_376] : memref<8192xf32, #tpu.memory_space<vmem>>[vector<16xi32>], vector<16xf32>,
        tpu.vector_store_idx %arg7[%add3A_70, %broadcast_in_dim3A_373], %gather3A_377 : memref<256x128xf32, #tpu.memory_space<vmem>>[vector<16xi32>, vector<16xi32>], vector<16xf32>,
        %broadcast_in_dim3A_378 = arith.constant 51 : i32
        %broadcast_in_dim3A_379 = vector.broadcast %broadcast_in_dim3A_378 : i32 to vector<16xi32>
        %add3A_380 = arith.constant 51 : i32
        %add3A_381 = vector.broadcast %add3A_380 : i32 to vector<16xi32>
        %add3A_382 = arith.addi %mul3A_73, %add3A_381 : vector<16xi32>
        %gather3A_383 = tpu.vector_load_idx %arg6[%add3A_382] : memref<8192xf32, #tpu.memory_space<vmem>>[vector<16xi32>], vector<16xf32>,
        tpu.vector_store_idx %arg7[%add3A_70, %broadcast_in_dim3A_379], %gather3A_383 : memref<256x128xf32, #tpu.memory_space<vmem>>[vector<16xi32>, vector<16xi32>], vector<16xf32>,
        %broadcast_in_dim3A_384 = arith.constant 52 : i32
        %broadcast_in_dim3A_385 = vector.broadcast %broadcast_in_dim3A_384 : i32 to vector<16xi32>
        %add3A_386 = arith.constant 52 : i32
        %add3A_387 = vector.broadcast %add3A_386 : i32 to vector<16xi32>
        %add3A_388 = arith.addi %mul3A_73, %add3A_387 : vector<16xi32>
        %gather3A_389 = tpu.vector_load_idx %arg6[%add3A_388] : memref<8192xf32, #tpu.memory_space<vmem>>[vector<16xi32>], vector<16xf32>,
        tpu.vector_store_idx %arg7[%add3A_70, %broadcast_in_dim3A_385], %gather3A_389 : memref<256x128xf32, #tpu.memory_space<vmem>>[vector<16xi32>, vector<16xi32>], vector<16xf32>,
        %broadcast_in_dim3A_390 = arith.constant 53 : i32
        %broadcast_in_dim3A_391 = vector.broadcast %broadcast_in_dim3A_390 : i32 to vector<16xi32>
        %add3A_392 = arith.constant 53 : i32
        %add3A_393 = vector.broadcast %add3A_392 : i32 to vector<16xi32>
        %add3A_394 = arith.addi %mul3A_73, %add3A_393 : vector<16xi32>
        %gather3A_395 = tpu.vector_load_idx %arg6[%add3A_394] : memref<8192xf32, #tpu.memory_space<vmem>>[vector<16xi32>], vector<16xf32>,
        tpu.vector_store_idx %arg7[%add3A_70, %broadcast_in_dim3A_391], %gather3A_395 : memref<256x128xf32, #tpu.memory_space<vmem>>[vector<16xi32>, vector<16xi32>], vector<16xf32>,
        %broadcast_in_dim3A_396 = arith.constant 54 : i32
        %broadcast_in_dim3A_397 = vector.broadcast %broadcast_in_dim3A_396 : i32 to vector<16xi32>
        %add3A_398 = arith.constant 54 : i32
        %add3A_399 = vector.broadcast %add3A_398 : i32 to vector<16xi32>
        %add3A_400 = arith.addi %mul3A_73, %add3A_399 : vector<16xi32>
        %gather3A_401 = tpu.vector_load_idx %arg6[%add3A_400] : memref<8192xf32, #tpu.memory_space<vmem>>[vector<16xi32>], vector<16xf32>,
        tpu.vector_store_idx %arg7[%add3A_70, %broadcast_in_dim3A_397], %gather3A_401 : memref<256x128xf32, #tpu.memory_space<vmem>>[vector<16xi32>, vector<16xi32>], vector<16xf32>,
        %broadcast_in_dim3A_402 = arith.constant 55 : i32
        %broadcast_in_dim3A_403 = vector.broadcast %broadcast_in_dim3A_402 : i32 to vector<16xi32>
        %add3A_404 = arith.constant 55 : i32
        %add3A_405 = vector.broadcast %add3A_404 : i32 to vector<16xi32>
        %add3A_406 = arith.addi %mul3A_73, %add3A_405 : vector<16xi32>
        %gather3A_407 = tpu.vector_load_idx %arg6[%add3A_406] : memref<8192xf32, #tpu.memory_space<vmem>>[vector<16xi32>], vector<16xf32>,
        tpu.vector_store_idx %arg7[%add3A_70, %broadcast_in_dim3A_403], %gather3A_407 : memref<256x128xf32, #tpu.memory_space<vmem>>[vector<16xi32>, vector<16xi32>], vector<16xf32>,
        %broadcast_in_dim3A_408 = arith.constant 56 : i32
        %broadcast_in_dim3A_409 = vector.broadcast %broadcast_in_dim3A_408 : i32 to vector<16xi32>
        %add3A_410 = arith.constant 56 : i32
        %add3A_411 = vector.broadcast %add3A_410 : i32 to vector<16xi32>
        %add3A_412 = arith.addi %mul3A_73, %add3A_411 : vector<16xi32>
        %gather3A_413 = tpu.vector_load_idx %arg6[%add3A_412] : memref<8192xf32, #tpu.memory_space<vmem>>[vector<16xi32>], vector<16xf32>,
        tpu.vector_store_idx %arg7[%add3A_70, %broadcast_in_dim3A_409], %gather3A_413 : memref<256x128xf32, #tpu.memory_space<vmem>>[vector<16xi32>, vector<16xi32>], vector<16xf32>,
        %broadcast_in_dim3A_414 = arith.constant 57 : i32
        %broadcast_in_dim3A_415 = vector.broadcast %broadcast_in_dim3A_414 : i32 to vector<16xi32>
        %add3A_416 = arith.constant 57 : i32
        %add3A_417 = vector.broadcast %add3A_416 : i32 to vector<16xi32>
        %add3A_418 = arith.addi %mul3A_73, %add3A_417 : vector<16xi32>
        %gather3A_419 = tpu.vector_load_idx %arg6[%add3A_418] : memref<8192xf32, #tpu.memory_space<vmem>>[vector<16xi32>], vector<16xf32>,
        tpu.vector_store_idx %arg7[%add3A_70, %broadcast_in_dim3A_415], %gather3A_419 : memref<256x128xf32, #tpu.memory_space<vmem>>[vector<16xi32>, vector<16xi32>], vector<16xf32>,
        %broadcast_in_dim3A_420 = arith.constant 58 : i32
        %broadcast_in_dim3A_421 = vector.broadcast %broadcast_in_dim3A_420 : i32 to vector<16xi32>
        %add3A_422 = arith.constant 58 : i32
        %add3A_423 = vector.broadcast %add3A_422 : i32 to vector<16xi32>
        %add3A_424 = arith.addi %mul3A_73, %add3A_423 : vector<16xi32>
        %gather3A_425 = tpu.vector_load_idx %arg6[%add3A_424] : memref<8192xf32, #tpu.memory_space<vmem>>[vector<16xi32>], vector<16xf32>,
        tpu.vector_store_idx %arg7[%add3A_70, %broadcast_in_dim3A_421], %gather3A_425 : memref<256x128xf32, #tpu.memory_space<vmem>>[vector<16xi32>, vector<16xi32>], vector<16xf32>,
        %broadcast_in_dim3A_426 = arith.constant 59 : i32
        %broadcast_in_dim3A_427 = vector.broadcast %broadcast_in_dim3A_426 : i32 to vector<16xi32>
        %add3A_428 = arith.constant 59 : i32
        %add3A_429 = vector.broadcast %add3A_428 : i32 to vector<16xi32>
        %add3A_430 = arith.addi %mul3A_73, %add3A_429 : vector<16xi32>
        %gather3A_431 = tpu.vector_load_idx %arg6[%add3A_430] : memref<8192xf32, #tpu.memory_space<vmem>>[vector<16xi32>], vector<16xf32>,
        tpu.vector_store_idx %arg7[%add3A_70, %broadcast_in_dim3A_427], %gather3A_431 : memref<256x128xf32, #tpu.memory_space<vmem>>[vector<16xi32>, vector<16xi32>], vector<16xf32>,
        %broadcast_in_dim3A_432 = arith.constant 60 : i32
        %broadcast_in_dim3A_433 = vector.broadcast %broadcast_in_dim3A_432 : i32 to vector<16xi32>
        %add3A_434 = arith.constant 60 : i32
        %add3A_435 = vector.broadcast %add3A_434 : i32 to vector<16xi32>
        %add3A_436 = arith.addi %mul3A_73, %add3A_435 : vector<16xi32>
        %gather3A_437 = tpu.vector_load_idx %arg6[%add3A_436] : memref<8192xf32, #tpu.memory_space<vmem>>[vector<16xi32>], vector<16xf32>,
        tpu.vector_store_idx %arg7[%add3A_70, %broadcast_in_dim3A_433], %gather3A_437 : memref<256x128xf32, #tpu.memory_space<vmem>>[vector<16xi32>, vector<16xi32>], vector<16xf32>,
        %broadcast_in_dim3A_438 = arith.constant 61 : i32
        %broadcast_in_dim3A_439 = vector.broadcast %broadcast_in_dim3A_438 : i32 to vector<16xi32>
        %add3A_440 = arith.constant 61 : i32
        %add3A_441 = vector.broadcast %add3A_440 : i32 to vector<16xi32>
        %add3A_442 = arith.addi %mul3A_73, %add3A_441 : vector<16xi32>
        %gather3A_443 = tpu.vector_load_idx %arg6[%add3A_442] : memref<8192xf32, #tpu.memory_space<vmem>>[vector<16xi32>], vector<16xf32>,
        tpu.vector_store_idx %arg7[%add3A_70, %broadcast_in_dim3A_439], %gather3A_443 : memref<256x128xf32, #tpu.memory_space<vmem>>[vector<16xi32>, vector<16xi32>], vector<16xf32>,
        %broadcast_in_dim3A_444 = arith.constant 62 : i32
        %broadcast_in_dim3A_445 = vector.broadcast %broadcast_in_dim3A_444 : i32 to vector<16xi32>
        %add3A_446 = arith.constant 62 : i32
        %add3A_447 = vector.broadcast %add3A_446 : i32 to vector<16xi32>
        %add3A_448 = arith.addi %mul3A_73, %add3A_447 : vector<16xi32>
        %gather3A_449 = tpu.vector_load_idx %arg6[%add3A_448] : memref<8192xf32, #tpu.memory_space<vmem>>[vector<16xi32>], vector<16xf32>,
        tpu.vector_store_idx %arg7[%add3A_70, %broadcast_in_dim3A_445], %gather3A_449 : memref<256x128xf32, #tpu.memory_space<vmem>>[vector<16xi32>, vector<16xi32>], vector<16xf32>,
        %broadcast_in_dim3A_450 = arith.constant 63 : i32
        %broadcast_in_dim3A_451 = vector.broadcast %broadcast_in_dim3A_450 : i32 to vector<16xi32>
        %add3A_452 = arith.constant 63 : i32
        %add3A_453 = vector.broadcast %add3A_452 : i32 to vector<16xi32>
        %add3A_454 = arith.addi %mul3A_73, %add3A_453 : vector<16xi32>
        %gather3A_455 = tpu.vector_load_idx %arg6[%add3A_454] : memref<8192xf32, #tpu.memory_space<vmem>>[vector<16xi32>], vector<16xf32>,
        tpu.vector_store_idx %arg7[%add3A_70, %broadcast_in_dim3A_451], %gather3A_455 : memref<256x128xf32, #tpu.memory_space<vmem>>[vector<16xi32>, vector<16xi32>], vector<16xf32>,
        %broadcast_in_dim3A_456 = arith.constant 64 : i32
        %broadcast_in_dim3A_457 = vector.broadcast %broadcast_in_dim3A_456 : i32 to vector<16xi32>
        %add3A_458 = arith.constant 64 : i32
        %add3A_459 = vector.broadcast %add3A_458 : i32 to vector<16xi32>
        %add3A_460 = arith.addi %mul3A_73, %add3A_459 : vector<16xi32>
        %gather3A_461 = tpu.vector_load_idx %arg6[%add3A_460] : memref<8192xf32, #tpu.memory_space<vmem>>[vector<16xi32>], vector<16xf32>,
        tpu.vector_store_idx %arg7[%add3A_70, %broadcast_in_dim3A_457], %gather3A_461 : memref<256x128xf32, #tpu.memory_space<vmem>>[vector<16xi32>, vector<16xi32>], vector<16xf32>,
        %broadcast_in_dim3A_462 = arith.constant 65 : i32
        %broadcast_in_dim3A_463 = vector.broadcast %broadcast_in_dim3A_462 : i32 to vector<16xi32>
        %add3A_464 = arith.constant 65 : i32
        %add3A_465 = vector.broadcast %add3A_464 : i32 to vector<16xi32>
        %add3A_466 = arith.addi %mul3A_73, %add3A_465 : vector<16xi32>
        %gather3A_467 = tpu.vector_load_idx %arg6[%add3A_466] : memref<8192xf32, #tpu.memory_space<vmem>>[vector<16xi32>], vector<16xf32>,
        tpu.vector_store_idx %arg7[%add3A_70, %broadcast_in_dim3A_463], %gather3A_467 : memref<256x128xf32, #tpu.memory_space<vmem>>[vector<16xi32>, vector<16xi32>], vector<16xf32>,
        %broadcast_in_dim3A_468 = arith.constant 66 : i32
        %broadcast_in_dim3A_469 = vector.broadcast %broadcast_in_dim3A_468 : i32 to vector<16xi32>
        %add3A_470 = arith.constant 66 : i32
        %add3A_471 = vector.broadcast %add3A_470 : i32 to vector<16xi32>
        %add3A_472 = arith.addi %mul3A_73, %add3A_471 : vector<16xi32>
        %gather3A_473 = tpu.vector_load_idx %arg6[%add3A_472] : memref<8192xf32, #tpu.memory_space<vmem>>[vector<16xi32>], vector<16xf32>,
        tpu.vector_store_idx %arg7[%add3A_70, %broadcast_in_dim3A_469], %gather3A_473 : memref<256x128xf32, #tpu.memory_space<vmem>>[vector<16xi32>, vector<16xi32>], vector<16xf32>,
        %broadcast_in_dim3A_474 = arith.constant 67 : i32
        %broadcast_in_dim3A_475 = vector.broadcast %broadcast_in_dim3A_474 : i32 to vector<16xi32>
        %add3A_476 = arith.constant 67 : i32
        %add3A_477 = vector.broadcast %add3A_476 : i32 to vector<16xi32>
        %add3A_478 = arith.addi %mul3A_73, %add3A_477 : vector<16xi32>
        %gather3A_479 = tpu.vector_load_idx %arg6[%add3A_478] : memref<8192xf32, #tpu.memory_space<vmem>>[vector<16xi32>], vector<16xf32>,
        tpu.vector_store_idx %arg7[%add3A_70, %broadcast_in_dim3A_475], %gather3A_479 : memref<256x128xf32, #tpu.memory_space<vmem>>[vector<16xi32>, vector<16xi32>], vector<16xf32>,
        %broadcast_in_dim3A_480 = arith.constant 68 : i32
        %broadcast_in_dim3A_481 = vector.broadcast %broadcast_in_dim3A_480 : i32 to vector<16xi32>
        %add3A_482 = arith.constant 68 : i32
        %add3A_483 = vector.broadcast %add3A_482 : i32 to vector<16xi32>
        %add3A_484 = arith.addi %mul3A_73, %add3A_483 : vector<16xi32>
        %gather3A_485 = tpu.vector_load_idx %arg6[%add3A_484] : memref<8192xf32, #tpu.memory_space<vmem>>[vector<16xi32>], vector<16xf32>,
        tpu.vector_store_idx %arg7[%add3A_70, %broadcast_in_dim3A_481], %gather3A_485 : memref<256x128xf32, #tpu.memory_space<vmem>>[vector<16xi32>, vector<16xi32>], vector<16xf32>,
        %broadcast_in_dim3A_486 = arith.constant 69 : i32
        %broadcast_in_dim3A_487 = vector.broadcast %broadcast_in_dim3A_486 : i32 to vector<16xi32>
        %add3A_488 = arith.constant 69 : i32
        %add3A_489 = vector.broadcast %add3A_488 : i32 to vector<16xi32>
        %add3A_490 = arith.addi %mul3A_73, %add3A_489 : vector<16xi32>
        %gather3A_491 = tpu.vector_load_idx %arg6[%add3A_490] : memref<8192xf32, #tpu.memory_space<vmem>>[vector<16xi32>], vector<16xf32>,
        tpu.vector_store_idx %arg7[%add3A_70, %broadcast_in_dim3A_487], %gather3A_491 : memref<256x128xf32, #tpu.memory_space<vmem>>[vector<16xi32>, vector<16xi32>], vector<16xf32>,
        %broadcast_in_dim3A_492 = arith.constant 70 : i32
        %broadcast_in_dim3A_493 = vector.broadcast %broadcast_in_dim3A_492 : i32 to vector<16xi32>
        %add3A_494 = arith.constant 70 : i32
        %add3A_495 = vector.broadcast %add3A_494 : i32 to vector<16xi32>
        %add3A_496 = arith.addi %mul3A_73, %add3A_495 : vector<16xi32>
        %gather3A_497 = tpu.vector_load_idx %arg6[%add3A_496] : memref<8192xf32, #tpu.memory_space<vmem>>[vector<16xi32>], vector<16xf32>,
        tpu.vector_store_idx %arg7[%add3A_70, %broadcast_in_dim3A_493], %gather3A_497 : memref<256x128xf32, #tpu.memory_space<vmem>>[vector<16xi32>, vector<16xi32>], vector<16xf32>,
        %broadcast_in_dim3A_498 = arith.constant 71 : i32
        %broadcast_in_dim3A_499 = vector.broadcast %broadcast_in_dim3A_498 : i32 to vector<16xi32>
        %add3A_500 = arith.constant 71 : i32
        %add3A_501 = vector.broadcast %add3A_500 : i32 to vector<16xi32>
        %add3A_502 = arith.addi %mul3A_73, %add3A_501 : vector<16xi32>
        %gather3A_503 = tpu.vector_load_idx %arg6[%add3A_502] : memref<8192xf32, #tpu.memory_space<vmem>>[vector<16xi32>], vector<16xf32>,
        tpu.vector_store_idx %arg7[%add3A_70, %broadcast_in_dim3A_499], %gather3A_503 : memref<256x128xf32, #tpu.memory_space<vmem>>[vector<16xi32>, vector<16xi32>], vector<16xf32>,
        %broadcast_in_dim3A_504 = arith.constant 72 : i32
        %broadcast_in_dim3A_505 = vector.broadcast %broadcast_in_dim3A_504 : i32 to vector<16xi32>
        %add3A_506 = arith.constant 72 : i32
        %add3A_507 = vector.broadcast %add3A_506 : i32 to vector<16xi32>
        %add3A_508 = arith.addi %mul3A_73, %add3A_507 : vector<16xi32>
        %gather3A_509 = tpu.vector_load_idx %arg6[%add3A_508] : memref<8192xf32, #tpu.memory_space<vmem>>[vector<16xi32>], vector<16xf32>,
        tpu.vector_store_idx %arg7[%add3A_70, %broadcast_in_dim3A_505], %gather3A_509 : memref<256x128xf32, #tpu.memory_space<vmem>>[vector<16xi32>, vector<16xi32>], vector<16xf32>,
        %broadcast_in_dim3A_510 = arith.constant 73 : i32
        %broadcast_in_dim3A_511 = vector.broadcast %broadcast_in_dim3A_510 : i32 to vector<16xi32>
        %add3A_512 = arith.constant 73 : i32
        %add3A_513 = vector.broadcast %add3A_512 : i32 to vector<16xi32>
        %add3A_514 = arith.addi %mul3A_73, %add3A_513 : vector<16xi32>
        %gather3A_515 = tpu.vector_load_idx %arg6[%add3A_514] : memref<8192xf32, #tpu.memory_space<vmem>>[vector<16xi32>], vector<16xf32>,
        tpu.vector_store_idx %arg7[%add3A_70, %broadcast_in_dim3A_511], %gather3A_515 : memref<256x128xf32, #tpu.memory_space<vmem>>[vector<16xi32>, vector<16xi32>], vector<16xf32>,
        %broadcast_in_dim3A_516 = arith.constant 74 : i32
        %broadcast_in_dim3A_517 = vector.broadcast %broadcast_in_dim3A_516 : i32 to vector<16xi32>
        %add3A_518 = arith.constant 74 : i32
        %add3A_519 = vector.broadcast %add3A_518 : i32 to vector<16xi32>
        %add3A_520 = arith.addi %mul3A_73, %add3A_519 : vector<16xi32>
        %gather3A_521 = tpu.vector_load_idx %arg6[%add3A_520] : memref<8192xf32, #tpu.memory_space<vmem>>[vector<16xi32>], vector<16xf32>,
        tpu.vector_store_idx %arg7[%add3A_70, %broadcast_in_dim3A_517], %gather3A_521 : memref<256x128xf32, #tpu.memory_space<vmem>>[vector<16xi32>, vector<16xi32>], vector<16xf32>,
        %broadcast_in_dim3A_522 = arith.constant 75 : i32
        %broadcast_in_dim3A_523 = vector.broadcast %broadcast_in_dim3A_522 : i32 to vector<16xi32>
        %add3A_524 = arith.constant 75 : i32
        %add3A_525 = vector.broadcast %add3A_524 : i32 to vector<16xi32>
        %add3A_526 = arith.addi %mul3A_73, %add3A_525 : vector<16xi32>
        %gather3A_527 = tpu.vector_load_idx %arg6[%add3A_526] : memref<8192xf32, #tpu.memory_space<vmem>>[vector<16xi32>], vector<16xf32>,
        tpu.vector_store_idx %arg7[%add3A_70, %broadcast_in_dim3A_523], %gather3A_527 : memref<256x128xf32, #tpu.memory_space<vmem>>[vector<16xi32>, vector<16xi32>], vector<16xf32>,
        %broadcast_in_dim3A_528 = arith.constant 76 : i32
        %broadcast_in_dim3A_529 = vector.broadcast %broadcast_in_dim3A_528 : i32 to vector<16xi32>
        %add3A_530 = arith.constant 76 : i32
        %add3A_531 = vector.broadcast %add3A_530 : i32 to vector<16xi32>
        %add3A_532 = arith.addi %mul3A_73, %add3A_531 : vector<16xi32>
        %gather3A_533 = tpu.vector_load_idx %arg6[%add3A_532] : memref<8192xf32, #tpu.memory_space<vmem>>[vector<16xi32>], vector<16xf32>,
        tpu.vector_store_idx %arg7[%add3A_70, %broadcast_in_dim3A_529], %gather3A_533 : memref<256x128xf32, #tpu.memory_space<vmem>>[vector<16xi32>, vector<16xi32>], vector<16xf32>,
        %broadcast_in_dim3A_534 = arith.constant 77 : i32
        %broadcast_in_dim3A_535 = vector.broadcast %broadcast_in_dim3A_534 : i32 to vector<16xi32>
        %add3A_536 = arith.constant 77 : i32
        %add3A_537 = vector.broadcast %add3A_536 : i32 to vector<16xi32>
        %add3A_538 = arith.addi %mul3A_73, %add3A_537 : vector<16xi32>
        %gather3A_539 = tpu.vector_load_idx %arg6[%add3A_538] : memref<8192xf32, #tpu.memory_space<vmem>>[vector<16xi32>], vector<16xf32>,
        tpu.vector_store_idx %arg7[%add3A_70, %broadcast_in_dim3A_535], %gather3A_539 : memref<256x128xf32, #tpu.memory_space<vmem>>[vector<16xi32>, vector<16xi32>], vector<16xf32>,
        %broadcast_in_dim3A_540 = arith.constant 78 : i32
        %broadcast_in_dim3A_541 = vector.broadcast %broadcast_in_dim3A_540 : i32 to vector<16xi32>
        %add3A_542 = arith.constant 78 : i32
        %add3A_543 = vector.broadcast %add3A_542 : i32 to vector<16xi32>
        %add3A_544 = arith.addi %mul3A_73, %add3A_543 : vector<16xi32>
        %gather3A_545 = tpu.vector_load_idx %arg6[%add3A_544] : memref<8192xf32, #tpu.memory_space<vmem>>[vector<16xi32>], vector<16xf32>,
        tpu.vector_store_idx %arg7[%add3A_70, %broadcast_in_dim3A_541], %gather3A_545 : memref<256x128xf32, #tpu.memory_space<vmem>>[vector<16xi32>, vector<16xi32>], vector<16xf32>,
        %broadcast_in_dim3A_546 = arith.constant 79 : i32
        %broadcast_in_dim3A_547 = vector.broadcast %broadcast_in_dim3A_546 : i32 to vector<16xi32>
        %add3A_548 = arith.constant 79 : i32
        %add3A_549 = vector.broadcast %add3A_548 : i32 to vector<16xi32>
        %add3A_550 = arith.addi %mul3A_73, %add3A_549 : vector<16xi32>
        %gather3A_551 = tpu.vector_load_idx %arg6[%add3A_550] : memref<8192xf32, #tpu.memory_space<vmem>>[vector<16xi32>], vector<16xf32>,
        tpu.vector_store_idx %arg7[%add3A_70, %broadcast_in_dim3A_547], %gather3A_551 : memref<256x128xf32, #tpu.memory_space<vmem>>[vector<16xi32>, vector<16xi32>], vector<16xf32>,
        %broadcast_in_dim3A_552 = arith.constant 80 : i32
        %broadcast_in_dim3A_553 = vector.broadcast %broadcast_in_dim3A_552 : i32 to vector<16xi32>
        %add3A_554 = arith.constant 80 : i32
        %add3A_555 = vector.broadcast %add3A_554 : i32 to vector<16xi32>
        %add3A_556 = arith.addi %mul3A_73, %add3A_555 : vector<16xi32>
        %gather3A_557 = tpu.vector_load_idx %arg6[%add3A_556] : memref<8192xf32, #tpu.memory_space<vmem>>[vector<16xi32>], vector<16xf32>,
        tpu.vector_store_idx %arg7[%add3A_70, %broadcast_in_dim3A_553], %gather3A_557 : memref<256x128xf32, #tpu.memory_space<vmem>>[vector<16xi32>, vector<16xi32>], vector<16xf32>,
        %broadcast_in_dim3A_558 = arith.constant 81 : i32
        %broadcast_in_dim3A_559 = vector.broadcast %broadcast_in_dim3A_558 : i32 to vector<16xi32>
        %add3A_560 = arith.constant 81 : i32
        %add3A_561 = vector.broadcast %add3A_560 : i32 to vector<16xi32>
        %add3A_562 = arith.addi %mul3A_73, %add3A_561 : vector<16xi32>
        %gather3A_563 = tpu.vector_load_idx %arg6[%add3A_562] : memref<8192xf32, #tpu.memory_space<vmem>>[vector<16xi32>], vector<16xf32>,
        tpu.vector_store_idx %arg7[%add3A_70, %broadcast_in_dim3A_559], %gather3A_563 : memref<256x128xf32, #tpu.memory_space<vmem>>[vector<16xi32>, vector<16xi32>], vector<16xf32>,
        %broadcast_in_dim3A_564 = arith.constant 82 : i32
        %broadcast_in_dim3A_565 = vector.broadcast %broadcast_in_dim3A_564 : i32 to vector<16xi32>
        %add3A_566 = arith.constant 82 : i32
        %add3A_567 = vector.broadcast %add3A_566 : i32 to vector<16xi32>
        %add3A_568 = arith.addi %mul3A_73, %add3A_567 : vector<16xi32>
        %gather3A_569 = tpu.vector_load_idx %arg6[%add3A_568] : memref<8192xf32, #tpu.memory_space<vmem>>[vector<16xi32>], vector<16xf32>,
        tpu.vector_store_idx %arg7[%add3A_70, %broadcast_in_dim3A_565], %gather3A_569 : memref<256x128xf32, #tpu.memory_space<vmem>>[vector<16xi32>, vector<16xi32>], vector<16xf32>,
        %broadcast_in_dim3A_570 = arith.constant 83 : i32
        %broadcast_in_dim3A_571 = vector.broadcast %broadcast_in_dim3A_570 : i32 to vector<16xi32>
        %add3A_572 = arith.constant 83 : i32
        %add3A_573 = vector.broadcast %add3A_572 : i32 to vector<16xi32>
        %add3A_574 = arith.addi %mul3A_73, %add3A_573 : vector<16xi32>
        %gather3A_575 = tpu.vector_load_idx %arg6[%add3A_574] : memref<8192xf32, #tpu.memory_space<vmem>>[vector<16xi32>], vector<16xf32>,
        tpu.vector_store_idx %arg7[%add3A_70, %broadcast_in_dim3A_571], %gather3A_575 : memref<256x128xf32, #tpu.memory_space<vmem>>[vector<16xi32>, vector<16xi32>], vector<16xf32>,
        %broadcast_in_dim3A_576 = arith.constant 84 : i32
        %broadcast_in_dim3A_577 = vector.broadcast %broadcast_in_dim3A_576 : i32 to vector<16xi32>
        %add3A_578 = arith.constant 84 : i32
        %add3A_579 = vector.broadcast %add3A_578 : i32 to vector<16xi32>
        %add3A_580 = arith.addi %mul3A_73, %add3A_579 : vector<16xi32>
        %gather3A_581 = tpu.vector_load_idx %arg6[%add3A_580] : memref<8192xf32, #tpu.memory_space<vmem>>[vector<16xi32>], vector<16xf32>,
        tpu.vector_store_idx %arg7[%add3A_70, %broadcast_in_dim3A_577], %gather3A_581 : memref<256x128xf32, #tpu.memory_space<vmem>>[vector<16xi32>, vector<16xi32>], vector<16xf32>,
        %broadcast_in_dim3A_582 = arith.constant 85 : i32
        %broadcast_in_dim3A_583 = vector.broadcast %broadcast_in_dim3A_582 : i32 to vector<16xi32>
        %add3A_584 = arith.constant 85 : i32
        %add3A_585 = vector.broadcast %add3A_584 : i32 to vector<16xi32>
        %add3A_586 = arith.addi %mul3A_73, %add3A_585 : vector<16xi32>
        %gather3A_587 = tpu.vector_load_idx %arg6[%add3A_586] : memref<8192xf32, #tpu.memory_space<vmem>>[vector<16xi32>], vector<16xf32>,
        tpu.vector_store_idx %arg7[%add3A_70, %broadcast_in_dim3A_583], %gather3A_587 : memref<256x128xf32, #tpu.memory_space<vmem>>[vector<16xi32>, vector<16xi32>], vector<16xf32>,
        %broadcast_in_dim3A_588 = arith.constant 86 : i32
        %broadcast_in_dim3A_589 = vector.broadcast %broadcast_in_dim3A_588 : i32 to vector<16xi32>
        %add3A_590 = arith.constant 86 : i32
        %add3A_591 = vector.broadcast %add3A_590 : i32 to vector<16xi32>
        %add3A_592 = arith.addi %mul3A_73, %add3A_591 : vector<16xi32>
        %gather3A_593 = tpu.vector_load_idx %arg6[%add3A_592] : memref<8192xf32, #tpu.memory_space<vmem>>[vector<16xi32>], vector<16xf32>,
        tpu.vector_store_idx %arg7[%add3A_70, %broadcast_in_dim3A_589], %gather3A_593 : memref<256x128xf32, #tpu.memory_space<vmem>>[vector<16xi32>, vector<16xi32>], vector<16xf32>,
        %broadcast_in_dim3A_594 = arith.constant 87 : i32
        %broadcast_in_dim3A_595 = vector.broadcast %broadcast_in_dim3A_594 : i32 to vector<16xi32>
        %add3A_596 = arith.constant 87 : i32
        %add3A_597 = vector.broadcast %add3A_596 : i32 to vector<16xi32>
        %add3A_598 = arith.addi %mul3A_73, %add3A_597 : vector<16xi32>
        %gather3A_599 = tpu.vector_load_idx %arg6[%add3A_598] : memref<8192xf32, #tpu.memory_space<vmem>>[vector<16xi32>], vector<16xf32>,
        tpu.vector_store_idx %arg7[%add3A_70, %broadcast_in_dim3A_595], %gather3A_599 : memref<256x128xf32, #tpu.memory_space<vmem>>[vector<16xi32>, vector<16xi32>], vector<16xf32>,
        %broadcast_in_dim3A_600 = arith.constant 88 : i32
        %broadcast_in_dim3A_601 = vector.broadcast %broadcast_in_dim3A_600 : i32 to vector<16xi32>
        %add3A_602 = arith.constant 88 : i32
        %add3A_603 = vector.broadcast %add3A_602 : i32 to vector<16xi32>
        %add3A_604 = arith.addi %mul3A_73, %add3A_603 : vector<16xi32>
        %gather3A_605 = tpu.vector_load_idx %arg6[%add3A_604] : memref<8192xf32, #tpu.memory_space<vmem>>[vector<16xi32>], vector<16xf32>,
        tpu.vector_store_idx %arg7[%add3A_70, %broadcast_in_dim3A_601], %gather3A_605 : memref<256x128xf32, #tpu.memory_space<vmem>>[vector<16xi32>, vector<16xi32>], vector<16xf32>,
        %broadcast_in_dim3A_606 = arith.constant 89 : i32
        %broadcast_in_dim3A_607 = vector.broadcast %broadcast_in_dim3A_606 : i32 to vector<16xi32>
        %add3A_608 = arith.constant 89 : i32
        %add3A_609 = vector.broadcast %add3A_608 : i32 to vector<16xi32>
        %add3A_610 = arith.addi %mul3A_73, %add3A_609 : vector<16xi32>
        %gather3A_611 = tpu.vector_load_idx %arg6[%add3A_610] : memref<8192xf32, #tpu.memory_space<vmem>>[vector<16xi32>], vector<16xf32>,
        tpu.vector_store_idx %arg7[%add3A_70, %broadcast_in_dim3A_607], %gather3A_611 : memref<256x128xf32, #tpu.memory_space<vmem>>[vector<16xi32>, vector<16xi32>], vector<16xf32>,
        %broadcast_in_dim3A_612 = arith.constant 90 : i32
        %broadcast_in_dim3A_613 = vector.broadcast %broadcast_in_dim3A_612 : i32 to vector<16xi32>
        %add3A_614 = arith.constant 90 : i32
        %add3A_615 = vector.broadcast %add3A_614 : i32 to vector<16xi32>
        %add3A_616 = arith.addi %mul3A_73, %add3A_615 : vector<16xi32>
        %gather3A_617 = tpu.vector_load_idx %arg6[%add3A_616] : memref<8192xf32, #tpu.memory_space<vmem>>[vector<16xi32>], vector<16xf32>,
        tpu.vector_store_idx %arg7[%add3A_70, %broadcast_in_dim3A_613], %gather3A_617 : memref<256x128xf32, #tpu.memory_space<vmem>>[vector<16xi32>, vector<16xi32>], vector<16xf32>,
        %broadcast_in_dim3A_618 = arith.constant 91 : i32
        %broadcast_in_dim3A_619 = vector.broadcast %broadcast_in_dim3A_618 : i32 to vector<16xi32>
        %add3A_620 = arith.constant 91 : i32
        %add3A_621 = vector.broadcast %add3A_620 : i32 to vector<16xi32>
        %add3A_622 = arith.addi %mul3A_73, %add3A_621 : vector<16xi32>
        %gather3A_623 = tpu.vector_load_idx %arg6[%add3A_622] : memref<8192xf32, #tpu.memory_space<vmem>>[vector<16xi32>], vector<16xf32>,
        tpu.vector_store_idx %arg7[%add3A_70, %broadcast_in_dim3A_619], %gather3A_623 : memref<256x128xf32, #tpu.memory_space<vmem>>[vector<16xi32>, vector<16xi32>], vector<16xf32>,
        %broadcast_in_dim3A_624 = arith.constant 92 : i32
        %broadcast_in_dim3A_625 = vector.broadcast %broadcast_in_dim3A_624 : i32 to vector<16xi32>
        %add3A_626 = arith.constant 92 : i32
        %add3A_627 = vector.broadcast %add3A_626 : i32 to vector<16xi32>
        %add3A_628 = arith.addi %mul3A_73, %add3A_627 : vector<16xi32>
        %gather3A_629 = tpu.vector_load_idx %arg6[%add3A_628] : memref<8192xf32, #tpu.memory_space<vmem>>[vector<16xi32>], vector<16xf32>,
        tpu.vector_store_idx %arg7[%add3A_70, %broadcast_in_dim3A_625], %gather3A_629 : memref<256x128xf32, #tpu.memory_space<vmem>>[vector<16xi32>, vector<16xi32>], vector<16xf32>,
        %broadcast_in_dim3A_630 = arith.constant 93 : i32
        %broadcast_in_dim3A_631 = vector.broadcast %broadcast_in_dim3A_630 : i32 to vector<16xi32>
        %add3A_632 = arith.constant 93 : i32
        %add3A_633 = vector.broadcast %add3A_632 : i32 to vector<16xi32>
        %add3A_634 = arith.addi %mul3A_73, %add3A_633 : vector<16xi32>
        %gather3A_635 = tpu.vector_load_idx %arg6[%add3A_634] : memref<8192xf32, #tpu.memory_space<vmem>>[vector<16xi32>], vector<16xf32>,
        tpu.vector_store_idx %arg7[%add3A_70, %broadcast_in_dim3A_631], %gather3A_635 : memref<256x128xf32, #tpu.memory_space<vmem>>[vector<16xi32>, vector<16xi32>], vector<16xf32>,
        %broadcast_in_dim3A_636 = arith.constant 94 : i32
        %broadcast_in_dim3A_637 = vector.broadcast %broadcast_in_dim3A_636 : i32 to vector<16xi32>
        %add3A_638 = arith.constant 94 : i32
        %add3A_639 = vector.broadcast %add3A_638 : i32 to vector<16xi32>
        %add3A_640 = arith.addi %mul3A_73, %add3A_639 : vector<16xi32>
        %gather3A_641 = tpu.vector_load_idx %arg6[%add3A_640] : memref<8192xf32, #tpu.memory_space<vmem>>[vector<16xi32>], vector<16xf32>,
        tpu.vector_store_idx %arg7[%add3A_70, %broadcast_in_dim3A_637], %gather3A_641 : memref<256x128xf32, #tpu.memory_space<vmem>>[vector<16xi32>, vector<16xi32>], vector<16xf32>,
        %broadcast_in_dim3A_642 = arith.constant 95 : i32
        %broadcast_in_dim3A_643 = vector.broadcast %broadcast_in_dim3A_642 : i32 to vector<16xi32>
        %add3A_644 = arith.constant 95 : i32
        %add3A_645 = vector.broadcast %add3A_644 : i32 to vector<16xi32>
        %add3A_646 = arith.addi %mul3A_73, %add3A_645 : vector<16xi32>
        %gather3A_647 = tpu.vector_load_idx %arg6[%add3A_646] : memref<8192xf32, #tpu.memory_space<vmem>>[vector<16xi32>], vector<16xf32>,
        tpu.vector_store_idx %arg7[%add3A_70, %broadcast_in_dim3A_643], %gather3A_647 : memref<256x128xf32, #tpu.memory_space<vmem>>[vector<16xi32>, vector<16xi32>], vector<16xf32>,
        %broadcast_in_dim3A_648 = arith.constant 96 : i32
        %broadcast_in_dim3A_649 = vector.broadcast %broadcast_in_dim3A_648 : i32 to vector<16xi32>
        %add3A_650 = arith.constant 96 : i32
        %add3A_651 = vector.broadcast %add3A_650 : i32 to vector<16xi32>
        %add3A_652 = arith.addi %mul3A_73, %add3A_651 : vector<16xi32>
        %gather3A_653 = tpu.vector_load_idx %arg6[%add3A_652] : memref<8192xf32, #tpu.memory_space<vmem>>[vector<16xi32>], vector<16xf32>,
        tpu.vector_store_idx %arg7[%add3A_70, %broadcast_in_dim3A_649], %gather3A_653 : memref<256x128xf32, #tpu.memory_space<vmem>>[vector<16xi32>, vector<16xi32>], vector<16xf32>,
        %broadcast_in_dim3A_654 = arith.constant 97 : i32
        %broadcast_in_dim3A_655 = vector.broadcast %broadcast_in_dim3A_654 : i32 to vector<16xi32>
        %add3A_656 = arith.constant 97 : i32
        %add3A_657 = vector.broadcast %add3A_656 : i32 to vector<16xi32>
        %add3A_658 = arith.addi %mul3A_73, %add3A_657 : vector<16xi32>
        %gather3A_659 = tpu.vector_load_idx %arg6[%add3A_658] : memref<8192xf32, #tpu.memory_space<vmem>>[vector<16xi32>], vector<16xf32>,
        tpu.vector_store_idx %arg7[%add3A_70, %broadcast_in_dim3A_655], %gather3A_659 : memref<256x128xf32, #tpu.memory_space<vmem>>[vector<16xi32>, vector<16xi32>], vector<16xf32>,
        %broadcast_in_dim3A_660 = arith.constant 98 : i32
        %broadcast_in_dim3A_661 = vector.broadcast %broadcast_in_dim3A_660 : i32 to vector<16xi32>
        %add3A_662 = arith.constant 98 : i32
        %add3A_663 = vector.broadcast %add3A_662 : i32 to vector<16xi32>
        %add3A_664 = arith.addi %mul3A_73, %add3A_663 : vector<16xi32>
        %gather3A_665 = tpu.vector_load_idx %arg6[%add3A_664] : memref<8192xf32, #tpu.memory_space<vmem>>[vector<16xi32>], vector<16xf32>,
        tpu.vector_store_idx %arg7[%add3A_70, %broadcast_in_dim3A_661], %gather3A_665 : memref<256x128xf32, #tpu.memory_space<vmem>>[vector<16xi32>, vector<16xi32>], vector<16xf32>,
        %broadcast_in_dim3A_666 = arith.constant 99 : i32
        %broadcast_in_dim3A_667 = vector.broadcast %broadcast_in_dim3A_666 : i32 to vector<16xi32>
        %add3A_668 = arith.constant 99 : i32
        %add3A_669 = vector.broadcast %add3A_668 : i32 to vector<16xi32>
        %add3A_670 = arith.addi %mul3A_73, %add3A_669 : vector<16xi32>
        %gather3A_671 = tpu.vector_load_idx %arg6[%add3A_670] : memref<8192xf32, #tpu.memory_space<vmem>>[vector<16xi32>], vector<16xf32>,
        tpu.vector_store_idx %arg7[%add3A_70, %broadcast_in_dim3A_667], %gather3A_671 : memref<256x128xf32, #tpu.memory_space<vmem>>[vector<16xi32>, vector<16xi32>], vector<16xf32>,
        %broadcast_in_dim3A_672 = arith.constant 100 : i32
        %broadcast_in_dim3A_673 = vector.broadcast %broadcast_in_dim3A_672 : i32 to vector<16xi32>
        %add3A_674 = arith.constant 100 : i32
        %add3A_675 = vector.broadcast %add3A_674 : i32 to vector<16xi32>
        %add3A_676 = arith.addi %mul3A_73, %add3A_675 : vector<16xi32>
        %gather3A_677 = tpu.vector_load_idx %arg6[%add3A_676] : memref<8192xf32, #tpu.memory_space<vmem>>[vector<16xi32>], vector<16xf32>,
        tpu.vector_store_idx %arg7[%add3A_70, %broadcast_in_dim3A_673], %gather3A_677 : memref<256x128xf32, #tpu.memory_space<vmem>>[vector<16xi32>, vector<16xi32>], vector<16xf32>,
        %broadcast_in_dim3A_678 = arith.constant 101 : i32
        %broadcast_in_dim3A_679 = vector.broadcast %broadcast_in_dim3A_678 : i32 to vector<16xi32>
        %add3A_680 = arith.constant 101 : i32
        %add3A_681 = vector.broadcast %add3A_680 : i32 to vector<16xi32>
        %add3A_682 = arith.addi %mul3A_73, %add3A_681 : vector<16xi32>
        %gather3A_683 = tpu.vector_load_idx %arg6[%add3A_682] : memref<8192xf32, #tpu.memory_space<vmem>>[vector<16xi32>], vector<16xf32>,
        tpu.vector_store_idx %arg7[%add3A_70, %broadcast_in_dim3A_679], %gather3A_683 : memref<256x128xf32, #tpu.memory_space<vmem>>[vector<16xi32>, vector<16xi32>], vector<16xf32>,
        %broadcast_in_dim3A_684 = arith.constant 102 : i32
        %broadcast_in_dim3A_685 = vector.broadcast %broadcast_in_dim3A_684 : i32 to vector<16xi32>
        %add3A_686 = arith.constant 102 : i32
        %add3A_687 = vector.broadcast %add3A_686 : i32 to vector<16xi32>
        %add3A_688 = arith.addi %mul3A_73, %add3A_687 : vector<16xi32>
        %gather3A_689 = tpu.vector_load_idx %arg6[%add3A_688] : memref<8192xf32, #tpu.memory_space<vmem>>[vector<16xi32>], vector<16xf32>,
        tpu.vector_store_idx %arg7[%add3A_70, %broadcast_in_dim3A_685], %gather3A_689 : memref<256x128xf32, #tpu.memory_space<vmem>>[vector<16xi32>, vector<16xi32>], vector<16xf32>,
        %broadcast_in_dim3A_690 = arith.constant 103 : i32
        %broadcast_in_dim3A_691 = vector.broadcast %broadcast_in_dim3A_690 : i32 to vector<16xi32>
        %add3A_692 = arith.constant 103 : i32
        %add3A_693 = vector.broadcast %add3A_692 : i32 to vector<16xi32>
        %add3A_694 = arith.addi %mul3A_73, %add3A_693 : vector<16xi32>
        %gather3A_695 = tpu.vector_load_idx %arg6[%add3A_694] : memref<8192xf32, #tpu.memory_space<vmem>>[vector<16xi32>], vector<16xf32>,
        tpu.vector_store_idx %arg7[%add3A_70, %broadcast_in_dim3A_691], %gather3A_695 : memref<256x128xf32, #tpu.memory_space<vmem>>[vector<16xi32>, vector<16xi32>], vector<16xf32>,
        %broadcast_in_dim3A_696 = arith.constant 104 : i32
        %broadcast_in_dim3A_697 = vector.broadcast %broadcast_in_dim3A_696 : i32 to vector<16xi32>
        %add3A_698 = arith.constant 104 : i32
        %add3A_699 = vector.broadcast %add3A_698 : i32 to vector<16xi32>
        %add3A_700 = arith.addi %mul3A_73, %add3A_699 : vector<16xi32>
        %gather3A_701 = tpu.vector_load_idx %arg6[%add3A_700] : memref<8192xf32, #tpu.memory_space<vmem>>[vector<16xi32>], vector<16xf32>,
        tpu.vector_store_idx %arg7[%add3A_70, %broadcast_in_dim3A_697], %gather3A_701 : memref<256x128xf32, #tpu.memory_space<vmem>>[vector<16xi32>, vector<16xi32>], vector<16xf32>,
        %broadcast_in_dim3A_702 = arith.constant 105 : i32
        %broadcast_in_dim3A_703 = vector.broadcast %broadcast_in_dim3A_702 : i32 to vector<16xi32>
        %add3A_704 = arith.constant 105 : i32
        %add3A_705 = vector.broadcast %add3A_704 : i32 to vector<16xi32>
        %add3A_706 = arith.addi %mul3A_73, %add3A_705 : vector<16xi32>
        %gather3A_707 = tpu.vector_load_idx %arg6[%add3A_706] : memref<8192xf32, #tpu.memory_space<vmem>>[vector<16xi32>], vector<16xf32>,
        tpu.vector_store_idx %arg7[%add3A_70, %broadcast_in_dim3A_703], %gather3A_707 : memref<256x128xf32, #tpu.memory_space<vmem>>[vector<16xi32>, vector<16xi32>], vector<16xf32>,
        %broadcast_in_dim3A_708 = arith.constant 106 : i32
        %broadcast_in_dim3A_709 = vector.broadcast %broadcast_in_dim3A_708 : i32 to vector<16xi32>
        %add3A_710 = arith.constant 106 : i32
        %add3A_711 = vector.broadcast %add3A_710 : i32 to vector<16xi32>
        %add3A_712 = arith.addi %mul3A_73, %add3A_711 : vector<16xi32>
        %gather3A_713 = tpu.vector_load_idx %arg6[%add3A_712] : memref<8192xf32, #tpu.memory_space<vmem>>[vector<16xi32>], vector<16xf32>,
        tpu.vector_store_idx %arg7[%add3A_70, %broadcast_in_dim3A_709], %gather3A_713 : memref<256x128xf32, #tpu.memory_space<vmem>>[vector<16xi32>, vector<16xi32>], vector<16xf32>,
        %broadcast_in_dim3A_714 = arith.constant 107 : i32
        %broadcast_in_dim3A_715 = vector.broadcast %broadcast_in_dim3A_714 : i32 to vector<16xi32>
        %add3A_716 = arith.constant 107 : i32
        %add3A_717 = vector.broadcast %add3A_716 : i32 to vector<16xi32>
        %add3A_718 = arith.addi %mul3A_73, %add3A_717 : vector<16xi32>
        %gather3A_719 = tpu.vector_load_idx %arg6[%add3A_718] : memref<8192xf32, #tpu.memory_space<vmem>>[vector<16xi32>], vector<16xf32>,
        tpu.vector_store_idx %arg7[%add3A_70, %broadcast_in_dim3A_715], %gather3A_719 : memref<256x128xf32, #tpu.memory_space<vmem>>[vector<16xi32>, vector<16xi32>], vector<16xf32>,
        %broadcast_in_dim3A_720 = arith.constant 108 : i32
        %broadcast_in_dim3A_721 = vector.broadcast %broadcast_in_dim3A_720 : i32 to vector<16xi32>
        %add3A_722 = arith.constant 108 : i32
        %add3A_723 = vector.broadcast %add3A_722 : i32 to vector<16xi32>
        %add3A_724 = arith.addi %mul3A_73, %add3A_723 : vector<16xi32>
        %gather3A_725 = tpu.vector_load_idx %arg6[%add3A_724] : memref<8192xf32, #tpu.memory_space<vmem>>[vector<16xi32>], vector<16xf32>,
        tpu.vector_store_idx %arg7[%add3A_70, %broadcast_in_dim3A_721], %gather3A_725 : memref<256x128xf32, #tpu.memory_space<vmem>>[vector<16xi32>, vector<16xi32>], vector<16xf32>,
        %broadcast_in_dim3A_726 = arith.constant 109 : i32
        %broadcast_in_dim3A_727 = vector.broadcast %broadcast_in_dim3A_726 : i32 to vector<16xi32>
        %add3A_728 = arith.constant 109 : i32
        %add3A_729 = vector.broadcast %add3A_728 : i32 to vector<16xi32>
        %add3A_730 = arith.addi %mul3A_73, %add3A_729 : vector<16xi32>
        %gather3A_731 = tpu.vector_load_idx %arg6[%add3A_730] : memref<8192xf32, #tpu.memory_space<vmem>>[vector<16xi32>], vector<16xf32>,
        tpu.vector_store_idx %arg7[%add3A_70, %broadcast_in_dim3A_727], %gather3A_731 : memref<256x128xf32, #tpu.memory_space<vmem>>[vector<16xi32>, vector<16xi32>], vector<16xf32>,
        %broadcast_in_dim3A_732 = arith.constant 110 : i32
        %broadcast_in_dim3A_733 = vector.broadcast %broadcast_in_dim3A_732 : i32 to vector<16xi32>
        %add3A_734 = arith.constant 110 : i32
        %add3A_735 = vector.broadcast %add3A_734 : i32 to vector<16xi32>
        %add3A_736 = arith.addi %mul3A_73, %add3A_735 : vector<16xi32>
        %gather3A_737 = tpu.vector_load_idx %arg6[%add3A_736] : memref<8192xf32, #tpu.memory_space<vmem>>[vector<16xi32>], vector<16xf32>,
        tpu.vector_store_idx %arg7[%add3A_70, %broadcast_in_dim3A_733], %gather3A_737 : memref<256x128xf32, #tpu.memory_space<vmem>>[vector<16xi32>, vector<16xi32>], vector<16xf32>,
        %broadcast_in_dim3A_738 = arith.constant 111 : i32
        %broadcast_in_dim3A_739 = vector.broadcast %broadcast_in_dim3A_738 : i32 to vector<16xi32>
        %add3A_740 = arith.constant 111 : i32
        %add3A_741 = vector.broadcast %add3A_740 : i32 to vector<16xi32>
        %add3A_742 = arith.addi %mul3A_73, %add3A_741 : vector<16xi32>
        %gather3A_743 = tpu.vector_load_idx %arg6[%add3A_742] : memref<8192xf32, #tpu.memory_space<vmem>>[vector<16xi32>], vector<16xf32>,
        tpu.vector_store_idx %arg7[%add3A_70, %broadcast_in_dim3A_739], %gather3A_743 : memref<256x128xf32, #tpu.memory_space<vmem>>[vector<16xi32>, vector<16xi32>], vector<16xf32>,
        %broadcast_in_dim3A_744 = arith.constant 112 : i32
        %broadcast_in_dim3A_745 = vector.broadcast %broadcast_in_dim3A_744 : i32 to vector<16xi32>
        %add3A_746 = arith.constant 112 : i32
        %add3A_747 = vector.broadcast %add3A_746 : i32 to vector<16xi32>
        %add3A_748 = arith.addi %mul3A_73, %add3A_747 : vector<16xi32>
        %gather3A_749 = tpu.vector_load_idx %arg6[%add3A_748] : memref<8192xf32, #tpu.memory_space<vmem>>[vector<16xi32>], vector<16xf32>,
        tpu.vector_store_idx %arg7[%add3A_70, %broadcast_in_dim3A_745], %gather3A_749 : memref<256x128xf32, #tpu.memory_space<vmem>>[vector<16xi32>, vector<16xi32>], vector<16xf32>,
        %broadcast_in_dim3A_750 = arith.constant 113 : i32
        %broadcast_in_dim3A_751 = vector.broadcast %broadcast_in_dim3A_750 : i32 to vector<16xi32>
        %add3A_752 = arith.constant 113 : i32
        %add3A_753 = vector.broadcast %add3A_752 : i32 to vector<16xi32>
        %add3A_754 = arith.addi %mul3A_73, %add3A_753 : vector<16xi32>
        %gather3A_755 = tpu.vector_load_idx %arg6[%add3A_754] : memref<8192xf32, #tpu.memory_space<vmem>>[vector<16xi32>], vector<16xf32>,
        tpu.vector_store_idx %arg7[%add3A_70, %broadcast_in_dim3A_751], %gather3A_755 : memref<256x128xf32, #tpu.memory_space<vmem>>[vector<16xi32>, vector<16xi32>], vector<16xf32>,
        %broadcast_in_dim3A_756 = arith.constant 114 : i32
        %broadcast_in_dim3A_757 = vector.broadcast %broadcast_in_dim3A_756 : i32 to vector<16xi32>
        %add3A_758 = arith.constant 114 : i32
        %add3A_759 = vector.broadcast %add3A_758 : i32 to vector<16xi32>
        %add3A_760 = arith.addi %mul3A_73, %add3A_759 : vector<16xi32>
        %gather3A_761 = tpu.vector_load_idx %arg6[%add3A_760] : memref<8192xf32, #tpu.memory_space<vmem>>[vector<16xi32>], vector<16xf32>,
        tpu.vector_store_idx %arg7[%add3A_70, %broadcast_in_dim3A_757], %gather3A_761 : memref<256x128xf32, #tpu.memory_space<vmem>>[vector<16xi32>, vector<16xi32>], vector<16xf32>,
        %broadcast_in_dim3A_762 = arith.constant 115 : i32
        %broadcast_in_dim3A_763 = vector.broadcast %broadcast_in_dim3A_762 : i32 to vector<16xi32>
        %add3A_764 = arith.constant 115 : i32
        %add3A_765 = vector.broadcast %add3A_764 : i32 to vector<16xi32>
        %add3A_766 = arith.addi %mul3A_73, %add3A_765 : vector<16xi32>
        %gather3A_767 = tpu.vector_load_idx %arg6[%add3A_766] : memref<8192xf32, #tpu.memory_space<vmem>>[vector<16xi32>], vector<16xf32>,
        tpu.vector_store_idx %arg7[%add3A_70, %broadcast_in_dim3A_763], %gather3A_767 : memref<256x128xf32, #tpu.memory_space<vmem>>[vector<16xi32>, vector<16xi32>], vector<16xf32>,
        %broadcast_in_dim3A_768 = arith.constant 116 : i32
        %broadcast_in_dim3A_769 = vector.broadcast %broadcast_in_dim3A_768 : i32 to vector<16xi32>
        %add3A_770 = arith.constant 116 : i32
        %add3A_771 = vector.broadcast %add3A_770 : i32 to vector<16xi32>
        %add3A_772 = arith.addi %mul3A_73, %add3A_771 : vector<16xi32>
        %gather3A_773 = tpu.vector_load_idx %arg6[%add3A_772] : memref<8192xf32, #tpu.memory_space<vmem>>[vector<16xi32>], vector<16xf32>,
        tpu.vector_store_idx %arg7[%add3A_70, %broadcast_in_dim3A_769], %gather3A_773 : memref<256x128xf32, #tpu.memory_space<vmem>>[vector<16xi32>, vector<16xi32>], vector<16xf32>,
        %broadcast_in_dim3A_774 = arith.constant 117 : i32
        %broadcast_in_dim3A_775 = vector.broadcast %broadcast_in_dim3A_774 : i32 to vector<16xi32>
        %add3A_776 = arith.constant 117 : i32
        %add3A_777 = vector.broadcast %add3A_776 : i32 to vector<16xi32>
        %add3A_778 = arith.addi %mul3A_73, %add3A_777 : vector<16xi32>
        %gather3A_779 = tpu.vector_load_idx %arg6[%add3A_778] : memref<8192xf32, #tpu.memory_space<vmem>>[vector<16xi32>], vector<16xf32>,
        tpu.vector_store_idx %arg7[%add3A_70, %broadcast_in_dim3A_775], %gather3A_779 : memref<256x128xf32, #tpu.memory_space<vmem>>[vector<16xi32>, vector<16xi32>], vector<16xf32>,
        %broadcast_in_dim3A_780 = arith.constant 118 : i32
        %broadcast_in_dim3A_781 = vector.broadcast %broadcast_in_dim3A_780 : i32 to vector<16xi32>
        %add3A_782 = arith.constant 118 : i32
        %add3A_783 = vector.broadcast %add3A_782 : i32 to vector<16xi32>
        %add3A_784 = arith.addi %mul3A_73, %add3A_783 : vector<16xi32>
        %gather3A_785 = tpu.vector_load_idx %arg6[%add3A_784] : memref<8192xf32, #tpu.memory_space<vmem>>[vector<16xi32>], vector<16xf32>,
        tpu.vector_store_idx %arg7[%add3A_70, %broadcast_in_dim3A_781], %gather3A_785 : memref<256x128xf32, #tpu.memory_space<vmem>>[vector<16xi32>, vector<16xi32>], vector<16xf32>,
        %broadcast_in_dim3A_786 = arith.constant 119 : i32
        %broadcast_in_dim3A_787 = vector.broadcast %broadcast_in_dim3A_786 : i32 to vector<16xi32>
        %add3A_788 = arith.constant 119 : i32
        %add3A_789 = vector.broadcast %add3A_788 : i32 to vector<16xi32>
        %add3A_790 = arith.addi %mul3A_73, %add3A_789 : vector<16xi32>
        %gather3A_791 = tpu.vector_load_idx %arg6[%add3A_790] : memref<8192xf32, #tpu.memory_space<vmem>>[vector<16xi32>], vector<16xf32>,
        tpu.vector_store_idx %arg7[%add3A_70, %broadcast_in_dim3A_787], %gather3A_791 : memref<256x128xf32, #tpu.memory_space<vmem>>[vector<16xi32>, vector<16xi32>], vector<16xf32>,
        %broadcast_in_dim3A_792 = arith.constant 120 : i32
        %broadcast_in_dim3A_793 = vector.broadcast %broadcast_in_dim3A_792 : i32 to vector<16xi32>
        %add3A_794 = arith.constant 120 : i32
        %add3A_795 = vector.broadcast %add3A_794 : i32 to vector<16xi32>
        %add3A_796 = arith.addi %mul3A_73, %add3A_795 : vector<16xi32>
        %gather3A_797 = tpu.vector_load_idx %arg6[%add3A_796] : memref<8192xf32, #tpu.memory_space<vmem>>[vector<16xi32>], vector<16xf32>,
        tpu.vector_store_idx %arg7[%add3A_70, %broadcast_in_dim3A_793], %gather3A_797 : memref<256x128xf32, #tpu.memory_space<vmem>>[vector<16xi32>, vector<16xi32>], vector<16xf32>,
        %broadcast_in_dim3A_798 = arith.constant 121 : i32
        %broadcast_in_dim3A_799 = vector.broadcast %broadcast_in_dim3A_798 : i32 to vector<16xi32>
        %add3A_800 = arith.constant 121 : i32
        %add3A_801 = vector.broadcast %add3A_800 : i32 to vector<16xi32>
        %add3A_802 = arith.addi %mul3A_73, %add3A_801 : vector<16xi32>
        %gather3A_803 = tpu.vector_load_idx %arg6[%add3A_802] : memref<8192xf32, #tpu.memory_space<vmem>>[vector<16xi32>], vector<16xf32>,
        tpu.vector_store_idx %arg7[%add3A_70, %broadcast_in_dim3A_799], %gather3A_803 : memref<256x128xf32, #tpu.memory_space<vmem>>[vector<16xi32>, vector<16xi32>], vector<16xf32>,
        %broadcast_in_dim3A_804 = arith.constant 122 : i32
        %broadcast_in_dim3A_805 = vector.broadcast %broadcast_in_dim3A_804 : i32 to vector<16xi32>
        %add3A_806 = arith.constant 122 : i32
        %add3A_807 = vector.broadcast %add3A_806 : i32 to vector<16xi32>
        %add3A_808 = arith.addi %mul3A_73, %add3A_807 : vector<16xi32>
        %gather3A_809 = tpu.vector_load_idx %arg6[%add3A_808] : memref<8192xf32, #tpu.memory_space<vmem>>[vector<16xi32>], vector<16xf32>,
        tpu.vector_store_idx %arg7[%add3A_70, %broadcast_in_dim3A_805], %gather3A_809 : memref<256x128xf32, #tpu.memory_space<vmem>>[vector<16xi32>, vector<16xi32>], vector<16xf32>,
        %broadcast_in_dim3A_810 = arith.constant 123 : i32
        %broadcast_in_dim3A_811 = vector.broadcast %broadcast_in_dim3A_810 : i32 to vector<16xi32>
        %add3A_812 = arith.constant 123 : i32
        %add3A_813 = vector.broadcast %add3A_812 : i32 to vector<16xi32>
        %add3A_814 = arith.addi %mul3A_73, %add3A_813 : vector<16xi32>
        %gather3A_815 = tpu.vector_load_idx %arg6[%add3A_814] : memref<8192xf32, #tpu.memory_space<vmem>>[vector<16xi32>], vector<16xf32>,
        tpu.vector_store_idx %arg7[%add3A_70, %broadcast_in_dim3A_811], %gather3A_815 : memref<256x128xf32, #tpu.memory_space<vmem>>[vector<16xi32>, vector<16xi32>], vector<16xf32>,
        %broadcast_in_dim3A_816 = arith.constant 124 : i32
        %broadcast_in_dim3A_817 = vector.broadcast %broadcast_in_dim3A_816 : i32 to vector<16xi32>
        %add3A_818 = arith.constant 124 : i32
        %add3A_819 = vector.broadcast %add3A_818 : i32 to vector<16xi32>
        %add3A_820 = arith.addi %mul3A_73, %add3A_819 : vector<16xi32>
        %gather3A_821 = tpu.vector_load_idx %arg6[%add3A_820] : memref<8192xf32, #tpu.memory_space<vmem>>[vector<16xi32>], vector<16xf32>,
        tpu.vector_store_idx %arg7[%add3A_70, %broadcast_in_dim3A_817], %gather3A_821 : memref<256x128xf32, #tpu.memory_space<vmem>>[vector<16xi32>, vector<16xi32>], vector<16xf32>,
        %broadcast_in_dim3A_822 = arith.constant 125 : i32
        %broadcast_in_dim3A_823 = vector.broadcast %broadcast_in_dim3A_822 : i32 to vector<16xi32>
        %add3A_824 = arith.constant 125 : i32
        %add3A_825 = vector.broadcast %add3A_824 : i32 to vector<16xi32>
        %add3A_826 = arith.addi %mul3A_73, %add3A_825 : vector<16xi32>
        %gather3A_827 = tpu.vector_load_idx %arg6[%add3A_826] : memref<8192xf32, #tpu.memory_space<vmem>>[vector<16xi32>], vector<16xf32>,
        tpu.vector_store_idx %arg7[%add3A_70, %broadcast_in_dim3A_823], %gather3A_827 : memref<256x128xf32, #tpu.memory_space<vmem>>[vector<16xi32>, vector<16xi32>], vector<16xf32>,
        %broadcast_in_dim3A_828 = arith.constant 126 : i32
        %broadcast_in_dim3A_829 = vector.broadcast %broadcast_in_dim3A_828 : i32 to vector<16xi32>
        %add3A_830 = arith.constant 126 : i32
        %add3A_831 = vector.broadcast %add3A_830 : i32 to vector<16xi32>
        %add3A_832 = arith.addi %mul3A_73, %add3A_831 : vector<16xi32>
        %gather3A_833 = tpu.vector_load_idx %arg6[%add3A_832] : memref<8192xf32, #tpu.memory_space<vmem>>[vector<16xi32>], vector<16xf32>,
        tpu.vector_store_idx %arg7[%add3A_70, %broadcast_in_dim3A_829], %gather3A_833 : memref<256x128xf32, #tpu.memory_space<vmem>>[vector<16xi32>, vector<16xi32>], vector<16xf32>,
        %broadcast_in_dim3A_834 = arith.constant 127 : i32
        %broadcast_in_dim3A_835 = vector.broadcast %broadcast_in_dim3A_834 : i32 to vector<16xi32>
        %add3A_836 = arith.constant 127 : i32
        %add3A_837 = vector.broadcast %add3A_836 : i32 to vector<16xi32>
        %add3A_838 = arith.addi %mul3A_73, %add3A_837 : vector<16xi32>
        %gather3A_839 = tpu.vector_load_idx %arg6[%add3A_838] : memref<8192xf32, #tpu.memory_space<vmem>>[vector<16xi32>], vector<16xf32>,
        tpu.vector_store_idx %arg7[%add3A_70, %broadcast_in_dim3A_835], %gather3A_839 : memref<256x128xf32, #tpu.memory_space<vmem>>[vector<16xi32>, vector<16xi32>], vector<16xf32>,
      }
      %scan3A_31 = arith.constant 16 : i32
      %mul3A_32 = arith.constant 256 : i32
      %mul3A_33 = arith.muli %add3A_23, %mul3A_32 : i32
      %add3A_34 = arith.addi %mul3A_2, %mul3A_33 : i32
      %dma_start3A = arith.constant 128 : i32
      %dma_start3A_35 = tpu.memref_slice %arg4[%add3A_34, %dma_start3A] : memref<524288x256xf32, #tpu.memory_space<hbm>> -> memref<256x128xf32, #tpu.memory_space<hbm>>
      %dma_start3A_36 = arith.constant 128 : i32
      %dma_start3A_37 = tpu.memref_slice %arg4[%add3A_34, %dma_start3A_36] : memref<524288x256xf32, #tpu.memory_space<hbm>> -> memref<256x128xf32, #tpu.memory_space<hbm>>
      tpu.enqueue_dma source(%arg7 : memref<256x128xf32, #tpu.memory_space<vmem>>) target(%dma_start3A_37 : memref<256x128xf32, #tpu.memory_space<hbm>>) target_semaphore(%arg9 : memref<!tpu.dma_semaphore, #tpu.memory_space<semaphore_mem>>)
      %mul3A_38 = arith.constant 2 : i32
      %mul3A_39 = arith.muli %scan3A_19, %mul3A_38 : i32
      %add3A_40 = arith.constant 1 : i32
      %add3A_41 = arith.addi %mul3A_39, %add3A_40 : i32
      %ge3A_42 = arith.constant 2 : i32
      %ge3A_43 = arith.cmpi sge, %add3A_41, %ge3A_42 : i32
      %convert_element_type3A_44 = arith.extui %ge3A_43 : i1 to i32
      %cond3A_45 = arith.constant 0 : i32
      %cond3A_46 = arith.cmpi ne, %convert_element_type3A_44, %cond3A_45 : i32
      scf.if %cond3A_46 {
        %sub3A = arith.constant 2 : i32
        %sub3A_60 = arith.subi %add3A_41, %sub3A : i32
        %mul3A_61 = arith.constant 256 : i32
        %mul3A_62 = arith.muli %sub3A_60, %mul3A_61 : i32
        %add3A_63 = arith.addi %mul3A_2, %mul3A_62 : i32
        %dma_wait3A_64 = arith.constant 128 : i32
        %dma_wait3A_65 = tpu.memref_slice %arg4[%add3A_63, %dma_wait3A_64] : memref<524288x256xf32, #tpu.memory_space<hbm>> -> memref<256x128xf32, #tpu.memory_space<hbm>>
        %dma_wait3A_66 = arith.constant 128 : i32
        %dma_wait3A_67 = tpu.memref_slice %arg4[%add3A_63, %dma_wait3A_66] : memref<524288x256xf32, #tpu.memory_space<hbm>> -> memref<256x128xf32, #tpu.memory_space<hbm>>
        tpu.wait_dma2 semaphore(%arg9 : memref<!tpu.dma_semaphore, #tpu.memory_space<semaphore_mem>>) src(%arg8 : memref<256x128xf32, #tpu.memory_space<vmem>>) dst(%dma_wait3A_67 : memref<256x128xf32, #tpu.memory_space<hbm>>)
      } else {
      }
      %scan3A_47 = arith.constant 0 : i32
      %scan3A_48 = arith.constant 0 : i32
      %scan3A_49 = arith.constant 16 : i32
      %scan3A_50 = arith.addi %scan3A_48, %scan3A_49 : i32
      %scan3A_51 = arith.constant 1 : i32
      scf.for %scan3A_60 = %scan3A_48 to %scan3A_50 step %scan3A_51  : i32 {
        %mul3A_61 = arith.constant 256 : i32
        %mul3A_62 = arith.muli %add3A_41, %mul3A_61 : i32
        %mul3A_63 = arith.constant 16 : i32
        %mul3A_64 = arith.muli %scan3A_60, %mul3A_63 : i32
        %add3A_65 = arith.addi %mul3A_62, %mul3A_64 : i32
        %get3A = arith.index_cast %add3A_65 : i32 to index
        %get3A_66 = tpu.vector_load %arg5[%get3A] {strides = array<i32>} : memref<16384xi32, #tpu.memory_space<vmem>>, vector<16xi32>,
        %mul3A_67 = arith.constant 16 : i32
        %mul3A_68 = arith.muli %scan3A_60, %mul3A_67 : i32
        %add3A_69 = vector.broadcast %mul3A_68 : i32 to vector<16xi32>
        %add3A_70 = arith.addi %iota3A, %add3A_69 : vector<16xi32>
        %mul3A_71 = arith.constant 128 : i32
        %mul3A_72 = vector.broadcast %mul3A_71 : i32 to vector<16xi32>
        %mul3A_73 = arith.muli %get3A_66, %mul3A_72 : vector<16xi32>
        %broadcast_in_dim3A = arith.constant 0 : i32
        %broadcast_in_dim3A_74 = vector.broadcast %broadcast_in_dim3A : i32 to vector<16xi32>
        %add3A_75 = arith.constant 0 : i32
        %add3A_76 = vector.broadcast %add3A_75 : i32 to vector<16xi32>
        %add3A_77 = arith.addi %mul3A_73, %add3A_76 : vector<16xi32>
        %gather3A = tpu.vector_load_idx %arg6[%add3A_77] : memref<8192xf32, #tpu.memory_space<vmem>>[vector<16xi32>], vector<16xf32>,
        tpu.vector_store_idx %arg8[%add3A_70, %broadcast_in_dim3A_74], %gather3A : memref<256x128xf32, #tpu.memory_space<vmem>>[vector<16xi32>, vector<16xi32>], vector<16xf32>,
        %broadcast_in_dim3A_78 = arith.constant 1 : i32
        %broadcast_in_dim3A_79 = vector.broadcast %broadcast_in_dim3A_78 : i32 to vector<16xi32>
        %add3A_80 = arith.constant 1 : i32
        %add3A_81 = vector.broadcast %add3A_80 : i32 to vector<16xi32>
        %add3A_82 = arith.addi %mul3A_73, %add3A_81 : vector<16xi32>
        %gather3A_83 = tpu.vector_load_idx %arg6[%add3A_82] : memref<8192xf32, #tpu.memory_space<vmem>>[vector<16xi32>], vector<16xf32>,
        tpu.vector_store_idx %arg8[%add3A_70, %broadcast_in_dim3A_79], %gather3A_83 : memref<256x128xf32, #tpu.memory_space<vmem>>[vector<16xi32>, vector<16xi32>], vector<16xf32>,
        %broadcast_in_dim3A_84 = arith.constant 2 : i32
        %broadcast_in_dim3A_85 = vector.broadcast %broadcast_in_dim3A_84 : i32 to vector<16xi32>
        %add3A_86 = arith.constant 2 : i32
        %add3A_87 = vector.broadcast %add3A_86 : i32 to vector<16xi32>
        %add3A_88 = arith.addi %mul3A_73, %add3A_87 : vector<16xi32>
        %gather3A_89 = tpu.vector_load_idx %arg6[%add3A_88] : memref<8192xf32, #tpu.memory_space<vmem>>[vector<16xi32>], vector<16xf32>,
        tpu.vector_store_idx %arg8[%add3A_70, %broadcast_in_dim3A_85], %gather3A_89 : memref<256x128xf32, #tpu.memory_space<vmem>>[vector<16xi32>, vector<16xi32>], vector<16xf32>,
        %broadcast_in_dim3A_90 = arith.constant 3 : i32
        %broadcast_in_dim3A_91 = vector.broadcast %broadcast_in_dim3A_90 : i32 to vector<16xi32>
        %add3A_92 = arith.constant 3 : i32
        %add3A_93 = vector.broadcast %add3A_92 : i32 to vector<16xi32>
        %add3A_94 = arith.addi %mul3A_73, %add3A_93 : vector<16xi32>
        %gather3A_95 = tpu.vector_load_idx %arg6[%add3A_94] : memref<8192xf32, #tpu.memory_space<vmem>>[vector<16xi32>], vector<16xf32>,
        tpu.vector_store_idx %arg8[%add3A_70, %broadcast_in_dim3A_91], %gather3A_95 : memref<256x128xf32, #tpu.memory_space<vmem>>[vector<16xi32>, vector<16xi32>], vector<16xf32>,
        %broadcast_in_dim3A_96 = arith.constant 4 : i32
        %broadcast_in_dim3A_97 = vector.broadcast %broadcast_in_dim3A_96 : i32 to vector<16xi32>
        %add3A_98 = arith.constant 4 : i32
        %add3A_99 = vector.broadcast %add3A_98 : i32 to vector<16xi32>
        %add3A_100 = arith.addi %mul3A_73, %add3A_99 : vector<16xi32>
        %gather3A_101 = tpu.vector_load_idx %arg6[%add3A_100] : memref<8192xf32, #tpu.memory_space<vmem>>[vector<16xi32>], vector<16xf32>,
        tpu.vector_store_idx %arg8[%add3A_70, %broadcast_in_dim3A_97], %gather3A_101 : memref<256x128xf32, #tpu.memory_space<vmem>>[vector<16xi32>, vector<16xi32>], vector<16xf32>,
        %broadcast_in_dim3A_102 = arith.constant 5 : i32
        %broadcast_in_dim3A_103 = vector.broadcast %broadcast_in_dim3A_102 : i32 to vector<16xi32>
        %add3A_104 = arith.constant 5 : i32
        %add3A_105 = vector.broadcast %add3A_104 : i32 to vector<16xi32>
        %add3A_106 = arith.addi %mul3A_73, %add3A_105 : vector<16xi32>
        %gather3A_107 = tpu.vector_load_idx %arg6[%add3A_106] : memref<8192xf32, #tpu.memory_space<vmem>>[vector<16xi32>], vector<16xf32>,
        tpu.vector_store_idx %arg8[%add3A_70, %broadcast_in_dim3A_103], %gather3A_107 : memref<256x128xf32, #tpu.memory_space<vmem>>[vector<16xi32>, vector<16xi32>], vector<16xf32>,
        %broadcast_in_dim3A_108 = arith.constant 6 : i32
        %broadcast_in_dim3A_109 = vector.broadcast %broadcast_in_dim3A_108 : i32 to vector<16xi32>
        %add3A_110 = arith.constant 6 : i32
        %add3A_111 = vector.broadcast %add3A_110 : i32 to vector<16xi32>
        %add3A_112 = arith.addi %mul3A_73, %add3A_111 : vector<16xi32>
        %gather3A_113 = tpu.vector_load_idx %arg6[%add3A_112] : memref<8192xf32, #tpu.memory_space<vmem>>[vector<16xi32>], vector<16xf32>,
        tpu.vector_store_idx %arg8[%add3A_70, %broadcast_in_dim3A_109], %gather3A_113 : memref<256x128xf32, #tpu.memory_space<vmem>>[vector<16xi32>, vector<16xi32>], vector<16xf32>,
        %broadcast_in_dim3A_114 = arith.constant 7 : i32
        %broadcast_in_dim3A_115 = vector.broadcast %broadcast_in_dim3A_114 : i32 to vector<16xi32>
        %add3A_116 = arith.constant 7 : i32
        %add3A_117 = vector.broadcast %add3A_116 : i32 to vector<16xi32>
        %add3A_118 = arith.addi %mul3A_73, %add3A_117 : vector<16xi32>
        %gather3A_119 = tpu.vector_load_idx %arg6[%add3A_118] : memref<8192xf32, #tpu.memory_space<vmem>>[vector<16xi32>], vector<16xf32>,
        tpu.vector_store_idx %arg8[%add3A_70, %broadcast_in_dim3A_115], %gather3A_119 : memref<256x128xf32, #tpu.memory_space<vmem>>[vector<16xi32>, vector<16xi32>], vector<16xf32>,
        %broadcast_in_dim3A_120 = arith.constant 8 : i32
        %broadcast_in_dim3A_121 = vector.broadcast %broadcast_in_dim3A_120 : i32 to vector<16xi32>
        %add3A_122 = arith.constant 8 : i32
        %add3A_123 = vector.broadcast %add3A_122 : i32 to vector<16xi32>
        %add3A_124 = arith.addi %mul3A_73, %add3A_123 : vector<16xi32>
        %gather3A_125 = tpu.vector_load_idx %arg6[%add3A_124] : memref<8192xf32, #tpu.memory_space<vmem>>[vector<16xi32>], vector<16xf32>,
        tpu.vector_store_idx %arg8[%add3A_70, %broadcast_in_dim3A_121], %gather3A_125 : memref<256x128xf32, #tpu.memory_space<vmem>>[vector<16xi32>, vector<16xi32>], vector<16xf32>,
        %broadcast_in_dim3A_126 = arith.constant 9 : i32
        %broadcast_in_dim3A_127 = vector.broadcast %broadcast_in_dim3A_126 : i32 to vector<16xi32>
        %add3A_128 = arith.constant 9 : i32
        %add3A_129 = vector.broadcast %add3A_128 : i32 to vector<16xi32>
        %add3A_130 = arith.addi %mul3A_73, %add3A_129 : vector<16xi32>
        %gather3A_131 = tpu.vector_load_idx %arg6[%add3A_130] : memref<8192xf32, #tpu.memory_space<vmem>>[vector<16xi32>], vector<16xf32>,
        tpu.vector_store_idx %arg8[%add3A_70, %broadcast_in_dim3A_127], %gather3A_131 : memref<256x128xf32, #tpu.memory_space<vmem>>[vector<16xi32>, vector<16xi32>], vector<16xf32>,
        %broadcast_in_dim3A_132 = arith.constant 10 : i32
        %broadcast_in_dim3A_133 = vector.broadcast %broadcast_in_dim3A_132 : i32 to vector<16xi32>
        %add3A_134 = arith.constant 10 : i32
        %add3A_135 = vector.broadcast %add3A_134 : i32 to vector<16xi32>
        %add3A_136 = arith.addi %mul3A_73, %add3A_135 : vector<16xi32>
        %gather3A_137 = tpu.vector_load_idx %arg6[%add3A_136] : memref<8192xf32, #tpu.memory_space<vmem>>[vector<16xi32>], vector<16xf32>,
        tpu.vector_store_idx %arg8[%add3A_70, %broadcast_in_dim3A_133], %gather3A_137 : memref<256x128xf32, #tpu.memory_space<vmem>>[vector<16xi32>, vector<16xi32>], vector<16xf32>,
        %broadcast_in_dim3A_138 = arith.constant 11 : i32
        %broadcast_in_dim3A_139 = vector.broadcast %broadcast_in_dim3A_138 : i32 to vector<16xi32>
        %add3A_140 = arith.constant 11 : i32
        %add3A_141 = vector.broadcast %add3A_140 : i32 to vector<16xi32>
        %add3A_142 = arith.addi %mul3A_73, %add3A_141 : vector<16xi32>
        %gather3A_143 = tpu.vector_load_idx %arg6[%add3A_142] : memref<8192xf32, #tpu.memory_space<vmem>>[vector<16xi32>], vector<16xf32>,
        tpu.vector_store_idx %arg8[%add3A_70, %broadcast_in_dim3A_139], %gather3A_143 : memref<256x128xf32, #tpu.memory_space<vmem>>[vector<16xi32>, vector<16xi32>], vector<16xf32>,
        %broadcast_in_dim3A_144 = arith.constant 12 : i32
        %broadcast_in_dim3A_145 = vector.broadcast %broadcast_in_dim3A_144 : i32 to vector<16xi32>
        %add3A_146 = arith.constant 12 : i32
        %add3A_147 = vector.broadcast %add3A_146 : i32 to vector<16xi32>
        %add3A_148 = arith.addi %mul3A_73, %add3A_147 : vector<16xi32>
        %gather3A_149 = tpu.vector_load_idx %arg6[%add3A_148] : memref<8192xf32, #tpu.memory_space<vmem>>[vector<16xi32>], vector<16xf32>,
        tpu.vector_store_idx %arg8[%add3A_70, %broadcast_in_dim3A_145], %gather3A_149 : memref<256x128xf32, #tpu.memory_space<vmem>>[vector<16xi32>, vector<16xi32>], vector<16xf32>,
        %broadcast_in_dim3A_150 = arith.constant 13 : i32
        %broadcast_in_dim3A_151 = vector.broadcast %broadcast_in_dim3A_150 : i32 to vector<16xi32>
        %add3A_152 = arith.constant 13 : i32
        %add3A_153 = vector.broadcast %add3A_152 : i32 to vector<16xi32>
        %add3A_154 = arith.addi %mul3A_73, %add3A_153 : vector<16xi32>
        %gather3A_155 = tpu.vector_load_idx %arg6[%add3A_154] : memref<8192xf32, #tpu.memory_space<vmem>>[vector<16xi32>], vector<16xf32>,
        tpu.vector_store_idx %arg8[%add3A_70, %broadcast_in_dim3A_151], %gather3A_155 : memref<256x128xf32, #tpu.memory_space<vmem>>[vector<16xi32>, vector<16xi32>], vector<16xf32>,
        %broadcast_in_dim3A_156 = arith.constant 14 : i32
        %broadcast_in_dim3A_157 = vector.broadcast %broadcast_in_dim3A_156 : i32 to vector<16xi32>
        %add3A_158 = arith.constant 14 : i32
        %add3A_159 = vector.broadcast %add3A_158 : i32 to vector<16xi32>
        %add3A_160 = arith.addi %mul3A_73, %add3A_159 : vector<16xi32>
        %gather3A_161 = tpu.vector_load_idx %arg6[%add3A_160] : memref<8192xf32, #tpu.memory_space<vmem>>[vector<16xi32>], vector<16xf32>,
        tpu.vector_store_idx %arg8[%add3A_70, %broadcast_in_dim3A_157], %gather3A_161 : memref<256x128xf32, #tpu.memory_space<vmem>>[vector<16xi32>, vector<16xi32>], vector<16xf32>,
        %broadcast_in_dim3A_162 = arith.constant 15 : i32
        %broadcast_in_dim3A_163 = vector.broadcast %broadcast_in_dim3A_162 : i32 to vector<16xi32>
        %add3A_164 = arith.constant 15 : i32
        %add3A_165 = vector.broadcast %add3A_164 : i32 to vector<16xi32>
        %add3A_166 = arith.addi %mul3A_73, %add3A_165 : vector<16xi32>
        %gather3A_167 = tpu.vector_load_idx %arg6[%add3A_166] : memref<8192xf32, #tpu.memory_space<vmem>>[vector<16xi32>], vector<16xf32>,
        tpu.vector_store_idx %arg8[%add3A_70, %broadcast_in_dim3A_163], %gather3A_167 : memref<256x128xf32, #tpu.memory_space<vmem>>[vector<16xi32>, vector<16xi32>], vector<16xf32>,
        %broadcast_in_dim3A_168 = arith.constant 16 : i32
        %broadcast_in_dim3A_169 = vector.broadcast %broadcast_in_dim3A_168 : i32 to vector<16xi32>
        %add3A_170 = arith.constant 16 : i32
        %add3A_171 = vector.broadcast %add3A_170 : i32 to vector<16xi32>
        %add3A_172 = arith.addi %mul3A_73, %add3A_171 : vector<16xi32>
        %gather3A_173 = tpu.vector_load_idx %arg6[%add3A_172] : memref<8192xf32, #tpu.memory_space<vmem>>[vector<16xi32>], vector<16xf32>,
        tpu.vector_store_idx %arg8[%add3A_70, %broadcast_in_dim3A_169], %gather3A_173 : memref<256x128xf32, #tpu.memory_space<vmem>>[vector<16xi32>, vector<16xi32>], vector<16xf32>,
        %broadcast_in_dim3A_174 = arith.constant 17 : i32
        %broadcast_in_dim3A_175 = vector.broadcast %broadcast_in_dim3A_174 : i32 to vector<16xi32>
        %add3A_176 = arith.constant 17 : i32
        %add3A_177 = vector.broadcast %add3A_176 : i32 to vector<16xi32>
        %add3A_178 = arith.addi %mul3A_73, %add3A_177 : vector<16xi32>
        %gather3A_179 = tpu.vector_load_idx %arg6[%add3A_178] : memref<8192xf32, #tpu.memory_space<vmem>>[vector<16xi32>], vector<16xf32>,
        tpu.vector_store_idx %arg8[%add3A_70, %broadcast_in_dim3A_175], %gather3A_179 : memref<256x128xf32, #tpu.memory_space<vmem>>[vector<16xi32>, vector<16xi32>], vector<16xf32>,
        %broadcast_in_dim3A_180 = arith.constant 18 : i32
        %broadcast_in_dim3A_181 = vector.broadcast %broadcast_in_dim3A_180 : i32 to vector<16xi32>
        %add3A_182 = arith.constant 18 : i32
        %add3A_183 = vector.broadcast %add3A_182 : i32 to vector<16xi32>
        %add3A_184 = arith.addi %mul3A_73, %add3A_183 : vector<16xi32>
        %gather3A_185 = tpu.vector_load_idx %arg6[%add3A_184] : memref<8192xf32, #tpu.memory_space<vmem>>[vector<16xi32>], vector<16xf32>,
        tpu.vector_store_idx %arg8[%add3A_70, %broadcast_in_dim3A_181], %gather3A_185 : memref<256x128xf32, #tpu.memory_space<vmem>>[vector<16xi32>, vector<16xi32>], vector<16xf32>,
        %broadcast_in_dim3A_186 = arith.constant 19 : i32
        %broadcast_in_dim3A_187 = vector.broadcast %broadcast_in_dim3A_186 : i32 to vector<16xi32>
        %add3A_188 = arith.constant 19 : i32
        %add3A_189 = vector.broadcast %add3A_188 : i32 to vector<16xi32>
        %add3A_190 = arith.addi %mul3A_73, %add3A_189 : vector<16xi32>
        %gather3A_191 = tpu.vector_load_idx %arg6[%add3A_190] : memref<8192xf32, #tpu.memory_space<vmem>>[vector<16xi32>], vector<16xf32>,
        tpu.vector_store_idx %arg8[%add3A_70, %broadcast_in_dim3A_187], %gather3A_191 : memref<256x128xf32, #tpu.memory_space<vmem>>[vector<16xi32>, vector<16xi32>], vector<16xf32>,
        %broadcast_in_dim3A_192 = arith.constant 20 : i32
        %broadcast_in_dim3A_193 = vector.broadcast %broadcast_in_dim3A_192 : i32 to vector<16xi32>
        %add3A_194 = arith.constant 20 : i32
        %add3A_195 = vector.broadcast %add3A_194 : i32 to vector<16xi32>
        %add3A_196 = arith.addi %mul3A_73, %add3A_195 : vector<16xi32>
        %gather3A_197 = tpu.vector_load_idx %arg6[%add3A_196] : memref<8192xf32, #tpu.memory_space<vmem>>[vector<16xi32>], vector<16xf32>,
        tpu.vector_store_idx %arg8[%add3A_70, %broadcast_in_dim3A_193], %gather3A_197 : memref<256x128xf32, #tpu.memory_space<vmem>>[vector<16xi32>, vector<16xi32>], vector<16xf32>,
        %broadcast_in_dim3A_198 = arith.constant 21 : i32
        %broadcast_in_dim3A_199 = vector.broadcast %broadcast_in_dim3A_198 : i32 to vector<16xi32>
        %add3A_200 = arith.constant 21 : i32
        %add3A_201 = vector.broadcast %add3A_200 : i32 to vector<16xi32>
        %add3A_202 = arith.addi %mul3A_73, %add3A_201 : vector<16xi32>
        %gather3A_203 = tpu.vector_load_idx %arg6[%add3A_202] : memref<8192xf32, #tpu.memory_space<vmem>>[vector<16xi32>], vector<16xf32>,
        tpu.vector_store_idx %arg8[%add3A_70, %broadcast_in_dim3A_199], %gather3A_203 : memref<256x128xf32, #tpu.memory_space<vmem>>[vector<16xi32>, vector<16xi32>], vector<16xf32>,
        %broadcast_in_dim3A_204 = arith.constant 22 : i32
        %broadcast_in_dim3A_205 = vector.broadcast %broadcast_in_dim3A_204 : i32 to vector<16xi32>
        %add3A_206 = arith.constant 22 : i32
        %add3A_207 = vector.broadcast %add3A_206 : i32 to vector<16xi32>
        %add3A_208 = arith.addi %mul3A_73, %add3A_207 : vector<16xi32>
        %gather3A_209 = tpu.vector_load_idx %arg6[%add3A_208] : memref<8192xf32, #tpu.memory_space<vmem>>[vector<16xi32>], vector<16xf32>,
        tpu.vector_store_idx %arg8[%add3A_70, %broadcast_in_dim3A_205], %gather3A_209 : memref<256x128xf32, #tpu.memory_space<vmem>>[vector<16xi32>, vector<16xi32>], vector<16xf32>,
        %broadcast_in_dim3A_210 = arith.constant 23 : i32
        %broadcast_in_dim3A_211 = vector.broadcast %broadcast_in_dim3A_210 : i32 to vector<16xi32>
        %add3A_212 = arith.constant 23 : i32
        %add3A_213 = vector.broadcast %add3A_212 : i32 to vector<16xi32>
        %add3A_214 = arith.addi %mul3A_73, %add3A_213 : vector<16xi32>
        %gather3A_215 = tpu.vector_load_idx %arg6[%add3A_214] : memref<8192xf32, #tpu.memory_space<vmem>>[vector<16xi32>], vector<16xf32>,
        tpu.vector_store_idx %arg8[%add3A_70, %broadcast_in_dim3A_211], %gather3A_215 : memref<256x128xf32, #tpu.memory_space<vmem>>[vector<16xi32>, vector<16xi32>], vector<16xf32>,
        %broadcast_in_dim3A_216 = arith.constant 24 : i32
        %broadcast_in_dim3A_217 = vector.broadcast %broadcast_in_dim3A_216 : i32 to vector<16xi32>
        %add3A_218 = arith.constant 24 : i32
        %add3A_219 = vector.broadcast %add3A_218 : i32 to vector<16xi32>
        %add3A_220 = arith.addi %mul3A_73, %add3A_219 : vector<16xi32>
        %gather3A_221 = tpu.vector_load_idx %arg6[%add3A_220] : memref<8192xf32, #tpu.memory_space<vmem>>[vector<16xi32>], vector<16xf32>,
        tpu.vector_store_idx %arg8[%add3A_70, %broadcast_in_dim3A_217], %gather3A_221 : memref<256x128xf32, #tpu.memory_space<vmem>>[vector<16xi32>, vector<16xi32>], vector<16xf32>,
        %broadcast_in_dim3A_222 = arith.constant 25 : i32
        %broadcast_in_dim3A_223 = vector.broadcast %broadcast_in_dim3A_222 : i32 to vector<16xi32>
        %add3A_224 = arith.constant 25 : i32
        %add3A_225 = vector.broadcast %add3A_224 : i32 to vector<16xi32>
        %add3A_226 = arith.addi %mul3A_73, %add3A_225 : vector<16xi32>
        %gather3A_227 = tpu.vector_load_idx %arg6[%add3A_226] : memref<8192xf32, #tpu.memory_space<vmem>>[vector<16xi32>], vector<16xf32>,
        tpu.vector_store_idx %arg8[%add3A_70, %broadcast_in_dim3A_223], %gather3A_227 : memref<256x128xf32, #tpu.memory_space<vmem>>[vector<16xi32>, vector<16xi32>], vector<16xf32>,
        %broadcast_in_dim3A_228 = arith.constant 26 : i32
        %broadcast_in_dim3A_229 = vector.broadcast %broadcast_in_dim3A_228 : i32 to vector<16xi32>
        %add3A_230 = arith.constant 26 : i32
        %add3A_231 = vector.broadcast %add3A_230 : i32 to vector<16xi32>
        %add3A_232 = arith.addi %mul3A_73, %add3A_231 : vector<16xi32>
        %gather3A_233 = tpu.vector_load_idx %arg6[%add3A_232] : memref<8192xf32, #tpu.memory_space<vmem>>[vector<16xi32>], vector<16xf32>,
        tpu.vector_store_idx %arg8[%add3A_70, %broadcast_in_dim3A_229], %gather3A_233 : memref<256x128xf32, #tpu.memory_space<vmem>>[vector<16xi32>, vector<16xi32>], vector<16xf32>,
        %broadcast_in_dim3A_234 = arith.constant 27 : i32
        %broadcast_in_dim3A_235 = vector.broadcast %broadcast_in_dim3A_234 : i32 to vector<16xi32>
        %add3A_236 = arith.constant 27 : i32
        %add3A_237 = vector.broadcast %add3A_236 : i32 to vector<16xi32>
        %add3A_238 = arith.addi %mul3A_73, %add3A_237 : vector<16xi32>
        %gather3A_239 = tpu.vector_load_idx %arg6[%add3A_238] : memref<8192xf32, #tpu.memory_space<vmem>>[vector<16xi32>], vector<16xf32>,
        tpu.vector_store_idx %arg8[%add3A_70, %broadcast_in_dim3A_235], %gather3A_239 : memref<256x128xf32, #tpu.memory_space<vmem>>[vector<16xi32>, vector<16xi32>], vector<16xf32>,
        %broadcast_in_dim3A_240 = arith.constant 28 : i32
        %broadcast_in_dim3A_241 = vector.broadcast %broadcast_in_dim3A_240 : i32 to vector<16xi32>
        %add3A_242 = arith.constant 28 : i32
        %add3A_243 = vector.broadcast %add3A_242 : i32 to vector<16xi32>
        %add3A_244 = arith.addi %mul3A_73, %add3A_243 : vector<16xi32>
        %gather3A_245 = tpu.vector_load_idx %arg6[%add3A_244] : memref<8192xf32, #tpu.memory_space<vmem>>[vector<16xi32>], vector<16xf32>,
        tpu.vector_store_idx %arg8[%add3A_70, %broadcast_in_dim3A_241], %gather3A_245 : memref<256x128xf32, #tpu.memory_space<vmem>>[vector<16xi32>, vector<16xi32>], vector<16xf32>,
        %broadcast_in_dim3A_246 = arith.constant 29 : i32
        %broadcast_in_dim3A_247 = vector.broadcast %broadcast_in_dim3A_246 : i32 to vector<16xi32>
        %add3A_248 = arith.constant 29 : i32
        %add3A_249 = vector.broadcast %add3A_248 : i32 to vector<16xi32>
        %add3A_250 = arith.addi %mul3A_73, %add3A_249 : vector<16xi32>
        %gather3A_251 = tpu.vector_load_idx %arg6[%add3A_250] : memref<8192xf32, #tpu.memory_space<vmem>>[vector<16xi32>], vector<16xf32>,
        tpu.vector_store_idx %arg8[%add3A_70, %broadcast_in_dim3A_247], %gather3A_251 : memref<256x128xf32, #tpu.memory_space<vmem>>[vector<16xi32>, vector<16xi32>], vector<16xf32>,
        %broadcast_in_dim3A_252 = arith.constant 30 : i32
        %broadcast_in_dim3A_253 = vector.broadcast %broadcast_in_dim3A_252 : i32 to vector<16xi32>
        %add3A_254 = arith.constant 30 : i32
        %add3A_255 = vector.broadcast %add3A_254 : i32 to vector<16xi32>
        %add3A_256 = arith.addi %mul3A_73, %add3A_255 : vector<16xi32>
        %gather3A_257 = tpu.vector_load_idx %arg6[%add3A_256] : memref<8192xf32, #tpu.memory_space<vmem>>[vector<16xi32>], vector<16xf32>,
        tpu.vector_store_idx %arg8[%add3A_70, %broadcast_in_dim3A_253], %gather3A_257 : memref<256x128xf32, #tpu.memory_space<vmem>>[vector<16xi32>, vector<16xi32>], vector<16xf32>,
        %broadcast_in_dim3A_258 = arith.constant 31 : i32
        %broadcast_in_dim3A_259 = vector.broadcast %broadcast_in_dim3A_258 : i32 to vector<16xi32>
        %add3A_260 = arith.constant 31 : i32
        %add3A_261 = vector.broadcast %add3A_260 : i32 to vector<16xi32>
        %add3A_262 = arith.addi %mul3A_73, %add3A_261 : vector<16xi32>
        %gather3A_263 = tpu.vector_load_idx %arg6[%add3A_262] : memref<8192xf32, #tpu.memory_space<vmem>>[vector<16xi32>], vector<16xf32>,
        tpu.vector_store_idx %arg8[%add3A_70, %broadcast_in_dim3A_259], %gather3A_263 : memref<256x128xf32, #tpu.memory_space<vmem>>[vector<16xi32>, vector<16xi32>], vector<16xf32>,
        %broadcast_in_dim3A_264 = arith.constant 32 : i32
        %broadcast_in_dim3A_265 = vector.broadcast %broadcast_in_dim3A_264 : i32 to vector<16xi32>
        %add3A_266 = arith.constant 32 : i32
        %add3A_267 = vector.broadcast %add3A_266 : i32 to vector<16xi32>
        %add3A_268 = arith.addi %mul3A_73, %add3A_267 : vector<16xi32>
        %gather3A_269 = tpu.vector_load_idx %arg6[%add3A_268] : memref<8192xf32, #tpu.memory_space<vmem>>[vector<16xi32>], vector<16xf32>,
        tpu.vector_store_idx %arg8[%add3A_70, %broadcast_in_dim3A_265], %gather3A_269 : memref<256x128xf32, #tpu.memory_space<vmem>>[vector<16xi32>, vector<16xi32>], vector<16xf32>,
        %broadcast_in_dim3A_270 = arith.constant 33 : i32
        %broadcast_in_dim3A_271 = vector.broadcast %broadcast_in_dim3A_270 : i32 to vector<16xi32>
        %add3A_272 = arith.constant 33 : i32
        %add3A_273 = vector.broadcast %add3A_272 : i32 to vector<16xi32>
        %add3A_274 = arith.addi %mul3A_73, %add3A_273 : vector<16xi32>
        %gather3A_275 = tpu.vector_load_idx %arg6[%add3A_274] : memref<8192xf32, #tpu.memory_space<vmem>>[vector<16xi32>], vector<16xf32>,
        tpu.vector_store_idx %arg8[%add3A_70, %broadcast_in_dim3A_271], %gather3A_275 : memref<256x128xf32, #tpu.memory_space<vmem>>[vector<16xi32>, vector<16xi32>], vector<16xf32>,
        %broadcast_in_dim3A_276 = arith.constant 34 : i32
        %broadcast_in_dim3A_277 = vector.broadcast %broadcast_in_dim3A_276 : i32 to vector<16xi32>
        %add3A_278 = arith.constant 34 : i32
        %add3A_279 = vector.broadcast %add3A_278 : i32 to vector<16xi32>
        %add3A_280 = arith.addi %mul3A_73, %add3A_279 : vector<16xi32>
        %gather3A_281 = tpu.vector_load_idx %arg6[%add3A_280] : memref<8192xf32, #tpu.memory_space<vmem>>[vector<16xi32>], vector<16xf32>,
        tpu.vector_store_idx %arg8[%add3A_70, %broadcast_in_dim3A_277], %gather3A_281 : memref<256x128xf32, #tpu.memory_space<vmem>>[vector<16xi32>, vector<16xi32>], vector<16xf32>,
        %broadcast_in_dim3A_282 = arith.constant 35 : i32
        %broadcast_in_dim3A_283 = vector.broadcast %broadcast_in_dim3A_282 : i32 to vector<16xi32>
        %add3A_284 = arith.constant 35 : i32
        %add3A_285 = vector.broadcast %add3A_284 : i32 to vector<16xi32>
        %add3A_286 = arith.addi %mul3A_73, %add3A_285 : vector<16xi32>
        %gather3A_287 = tpu.vector_load_idx %arg6[%add3A_286] : memref<8192xf32, #tpu.memory_space<vmem>>[vector<16xi32>], vector<16xf32>,
        tpu.vector_store_idx %arg8[%add3A_70, %broadcast_in_dim3A_283], %gather3A_287 : memref<256x128xf32, #tpu.memory_space<vmem>>[vector<16xi32>, vector<16xi32>], vector<16xf32>,
        %broadcast_in_dim3A_288 = arith.constant 36 : i32
        %broadcast_in_dim3A_289 = vector.broadcast %broadcast_in_dim3A_288 : i32 to vector<16xi32>
        %add3A_290 = arith.constant 36 : i32
        %add3A_291 = vector.broadcast %add3A_290 : i32 to vector<16xi32>
        %add3A_292 = arith.addi %mul3A_73, %add3A_291 : vector<16xi32>
        %gather3A_293 = tpu.vector_load_idx %arg6[%add3A_292] : memref<8192xf32, #tpu.memory_space<vmem>>[vector<16xi32>], vector<16xf32>,
        tpu.vector_store_idx %arg8[%add3A_70, %broadcast_in_dim3A_289], %gather3A_293 : memref<256x128xf32, #tpu.memory_space<vmem>>[vector<16xi32>, vector<16xi32>], vector<16xf32>,
        %broadcast_in_dim3A_294 = arith.constant 37 : i32
        %broadcast_in_dim3A_295 = vector.broadcast %broadcast_in_dim3A_294 : i32 to vector<16xi32>
        %add3A_296 = arith.constant 37 : i32
        %add3A_297 = vector.broadcast %add3A_296 : i32 to vector<16xi32>
        %add3A_298 = arith.addi %mul3A_73, %add3A_297 : vector<16xi32>
        %gather3A_299 = tpu.vector_load_idx %arg6[%add3A_298] : memref<8192xf32, #tpu.memory_space<vmem>>[vector<16xi32>], vector<16xf32>,
        tpu.vector_store_idx %arg8[%add3A_70, %broadcast_in_dim3A_295], %gather3A_299 : memref<256x128xf32, #tpu.memory_space<vmem>>[vector<16xi32>, vector<16xi32>], vector<16xf32>,
        %broadcast_in_dim3A_300 = arith.constant 38 : i32
        %broadcast_in_dim3A_301 = vector.broadcast %broadcast_in_dim3A_300 : i32 to vector<16xi32>
        %add3A_302 = arith.constant 38 : i32
        %add3A_303 = vector.broadcast %add3A_302 : i32 to vector<16xi32>
        %add3A_304 = arith.addi %mul3A_73, %add3A_303 : vector<16xi32>
        %gather3A_305 = tpu.vector_load_idx %arg6[%add3A_304] : memref<8192xf32, #tpu.memory_space<vmem>>[vector<16xi32>], vector<16xf32>,
        tpu.vector_store_idx %arg8[%add3A_70, %broadcast_in_dim3A_301], %gather3A_305 : memref<256x128xf32, #tpu.memory_space<vmem>>[vector<16xi32>, vector<16xi32>], vector<16xf32>,
        %broadcast_in_dim3A_306 = arith.constant 39 : i32
        %broadcast_in_dim3A_307 = vector.broadcast %broadcast_in_dim3A_306 : i32 to vector<16xi32>
        %add3A_308 = arith.constant 39 : i32
        %add3A_309 = vector.broadcast %add3A_308 : i32 to vector<16xi32>
        %add3A_310 = arith.addi %mul3A_73, %add3A_309 : vector<16xi32>
        %gather3A_311 = tpu.vector_load_idx %arg6[%add3A_310] : memref<8192xf32, #tpu.memory_space<vmem>>[vector<16xi32>], vector<16xf32>,
        tpu.vector_store_idx %arg8[%add3A_70, %broadcast_in_dim3A_307], %gather3A_311 : memref<256x128xf32, #tpu.memory_space<vmem>>[vector<16xi32>, vector<16xi32>], vector<16xf32>,
        %broadcast_in_dim3A_312 = arith.constant 40 : i32
        %broadcast_in_dim3A_313 = vector.broadcast %broadcast_in_dim3A_312 : i32 to vector<16xi32>
        %add3A_314 = arith.constant 40 : i32
        %add3A_315 = vector.broadcast %add3A_314 : i32 to vector<16xi32>
        %add3A_316 = arith.addi %mul3A_73, %add3A_315 : vector<16xi32>
        %gather3A_317 = tpu.vector_load_idx %arg6[%add3A_316] : memref<8192xf32, #tpu.memory_space<vmem>>[vector<16xi32>], vector<16xf32>,
        tpu.vector_store_idx %arg8[%add3A_70, %broadcast_in_dim3A_313], %gather3A_317 : memref<256x128xf32, #tpu.memory_space<vmem>>[vector<16xi32>, vector<16xi32>], vector<16xf32>,
        %broadcast_in_dim3A_318 = arith.constant 41 : i32
        %broadcast_in_dim3A_319 = vector.broadcast %broadcast_in_dim3A_318 : i32 to vector<16xi32>
        %add3A_320 = arith.constant 41 : i32
        %add3A_321 = vector.broadcast %add3A_320 : i32 to vector<16xi32>
        %add3A_322 = arith.addi %mul3A_73, %add3A_321 : vector<16xi32>
        %gather3A_323 = tpu.vector_load_idx %arg6[%add3A_322] : memref<8192xf32, #tpu.memory_space<vmem>>[vector<16xi32>], vector<16xf32>,
        tpu.vector_store_idx %arg8[%add3A_70, %broadcast_in_dim3A_319], %gather3A_323 : memref<256x128xf32, #tpu.memory_space<vmem>>[vector<16xi32>, vector<16xi32>], vector<16xf32>,
        %broadcast_in_dim3A_324 = arith.constant 42 : i32
        %broadcast_in_dim3A_325 = vector.broadcast %broadcast_in_dim3A_324 : i32 to vector<16xi32>
        %add3A_326 = arith.constant 42 : i32
        %add3A_327 = vector.broadcast %add3A_326 : i32 to vector<16xi32>
        %add3A_328 = arith.addi %mul3A_73, %add3A_327 : vector<16xi32>
        %gather3A_329 = tpu.vector_load_idx %arg6[%add3A_328] : memref<8192xf32, #tpu.memory_space<vmem>>[vector<16xi32>], vector<16xf32>,
        tpu.vector_store_idx %arg8[%add3A_70, %broadcast_in_dim3A_325], %gather3A_329 : memref<256x128xf32, #tpu.memory_space<vmem>>[vector<16xi32>, vector<16xi32>], vector<16xf32>,
        %broadcast_in_dim3A_330 = arith.constant 43 : i32
        %broadcast_in_dim3A_331 = vector.broadcast %broadcast_in_dim3A_330 : i32 to vector<16xi32>
        %add3A_332 = arith.constant 43 : i32
        %add3A_333 = vector.broadcast %add3A_332 : i32 to vector<16xi32>
        %add3A_334 = arith.addi %mul3A_73, %add3A_333 : vector<16xi32>
        %gather3A_335 = tpu.vector_load_idx %arg6[%add3A_334] : memref<8192xf32, #tpu.memory_space<vmem>>[vector<16xi32>], vector<16xf32>,
        tpu.vector_store_idx %arg8[%add3A_70, %broadcast_in_dim3A_331], %gather3A_335 : memref<256x128xf32, #tpu.memory_space<vmem>>[vector<16xi32>, vector<16xi32>], vector<16xf32>,
        %broadcast_in_dim3A_336 = arith.constant 44 : i32
        %broadcast_in_dim3A_337 = vector.broadcast %broadcast_in_dim3A_336 : i32 to vector<16xi32>
        %add3A_338 = arith.constant 44 : i32
        %add3A_339 = vector.broadcast %add3A_338 : i32 to vector<16xi32>
        %add3A_340 = arith.addi %mul3A_73, %add3A_339 : vector<16xi32>
        %gather3A_341 = tpu.vector_load_idx %arg6[%add3A_340] : memref<8192xf32, #tpu.memory_space<vmem>>[vector<16xi32>], vector<16xf32>,
        tpu.vector_store_idx %arg8[%add3A_70, %broadcast_in_dim3A_337], %gather3A_341 : memref<256x128xf32, #tpu.memory_space<vmem>>[vector<16xi32>, vector<16xi32>], vector<16xf32>,
        %broadcast_in_dim3A_342 = arith.constant 45 : i32
        %broadcast_in_dim3A_343 = vector.broadcast %broadcast_in_dim3A_342 : i32 to vector<16xi32>
        %add3A_344 = arith.constant 45 : i32
        %add3A_345 = vector.broadcast %add3A_344 : i32 to vector<16xi32>
        %add3A_346 = arith.addi %mul3A_73, %add3A_345 : vector<16xi32>
        %gather3A_347 = tpu.vector_load_idx %arg6[%add3A_346] : memref<8192xf32, #tpu.memory_space<vmem>>[vector<16xi32>], vector<16xf32>,
        tpu.vector_store_idx %arg8[%add3A_70, %broadcast_in_dim3A_343], %gather3A_347 : memref<256x128xf32, #tpu.memory_space<vmem>>[vector<16xi32>, vector<16xi32>], vector<16xf32>,
        %broadcast_in_dim3A_348 = arith.constant 46 : i32
        %broadcast_in_dim3A_349 = vector.broadcast %broadcast_in_dim3A_348 : i32 to vector<16xi32>
        %add3A_350 = arith.constant 46 : i32
        %add3A_351 = vector.broadcast %add3A_350 : i32 to vector<16xi32>
        %add3A_352 = arith.addi %mul3A_73, %add3A_351 : vector<16xi32>
        %gather3A_353 = tpu.vector_load_idx %arg6[%add3A_352] : memref<8192xf32, #tpu.memory_space<vmem>>[vector<16xi32>], vector<16xf32>,
        tpu.vector_store_idx %arg8[%add3A_70, %broadcast_in_dim3A_349], %gather3A_353 : memref<256x128xf32, #tpu.memory_space<vmem>>[vector<16xi32>, vector<16xi32>], vector<16xf32>,
        %broadcast_in_dim3A_354 = arith.constant 47 : i32
        %broadcast_in_dim3A_355 = vector.broadcast %broadcast_in_dim3A_354 : i32 to vector<16xi32>
        %add3A_356 = arith.constant 47 : i32
        %add3A_357 = vector.broadcast %add3A_356 : i32 to vector<16xi32>
        %add3A_358 = arith.addi %mul3A_73, %add3A_357 : vector<16xi32>
        %gather3A_359 = tpu.vector_load_idx %arg6[%add3A_358] : memref<8192xf32, #tpu.memory_space<vmem>>[vector<16xi32>], vector<16xf32>,
        tpu.vector_store_idx %arg8[%add3A_70, %broadcast_in_dim3A_355], %gather3A_359 : memref<256x128xf32, #tpu.memory_space<vmem>>[vector<16xi32>, vector<16xi32>], vector<16xf32>,
        %broadcast_in_dim3A_360 = arith.constant 48 : i32
        %broadcast_in_dim3A_361 = vector.broadcast %broadcast_in_dim3A_360 : i32 to vector<16xi32>
        %add3A_362 = arith.constant 48 : i32
        %add3A_363 = vector.broadcast %add3A_362 : i32 to vector<16xi32>
        %add3A_364 = arith.addi %mul3A_73, %add3A_363 : vector<16xi32>
        %gather3A_365 = tpu.vector_load_idx %arg6[%add3A_364] : memref<8192xf32, #tpu.memory_space<vmem>>[vector<16xi32>], vector<16xf32>,
        tpu.vector_store_idx %arg8[%add3A_70, %broadcast_in_dim3A_361], %gather3A_365 : memref<256x128xf32, #tpu.memory_space<vmem>>[vector<16xi32>, vector<16xi32>], vector<16xf32>,
        %broadcast_in_dim3A_366 = arith.constant 49 : i32
        %broadcast_in_dim3A_367 = vector.broadcast %broadcast_in_dim3A_366 : i32 to vector<16xi32>
        %add3A_368 = arith.constant 49 : i32
        %add3A_369 = vector.broadcast %add3A_368 : i32 to vector<16xi32>
        %add3A_370 = arith.addi %mul3A_73, %add3A_369 : vector<16xi32>
        %gather3A_371 = tpu.vector_load_idx %arg6[%add3A_370] : memref<8192xf32, #tpu.memory_space<vmem>>[vector<16xi32>], vector<16xf32>,
        tpu.vector_store_idx %arg8[%add3A_70, %broadcast_in_dim3A_367], %gather3A_371 : memref<256x128xf32, #tpu.memory_space<vmem>>[vector<16xi32>, vector<16xi32>], vector<16xf32>,
        %broadcast_in_dim3A_372 = arith.constant 50 : i32
        %broadcast_in_dim3A_373 = vector.broadcast %broadcast_in_dim3A_372 : i32 to vector<16xi32>
        %add3A_374 = arith.constant 50 : i32
        %add3A_375 = vector.broadcast %add3A_374 : i32 to vector<16xi32>
        %add3A_376 = arith.addi %mul3A_73, %add3A_375 : vector<16xi32>
        %gather3A_377 = tpu.vector_load_idx %arg6[%add3A_376] : memref<8192xf32, #tpu.memory_space<vmem>>[vector<16xi32>], vector<16xf32>,
        tpu.vector_store_idx %arg8[%add3A_70, %broadcast_in_dim3A_373], %gather3A_377 : memref<256x128xf32, #tpu.memory_space<vmem>>[vector<16xi32>, vector<16xi32>], vector<16xf32>,
        %broadcast_in_dim3A_378 = arith.constant 51 : i32
        %broadcast_in_dim3A_379 = vector.broadcast %broadcast_in_dim3A_378 : i32 to vector<16xi32>
        %add3A_380 = arith.constant 51 : i32
        %add3A_381 = vector.broadcast %add3A_380 : i32 to vector<16xi32>
        %add3A_382 = arith.addi %mul3A_73, %add3A_381 : vector<16xi32>
        %gather3A_383 = tpu.vector_load_idx %arg6[%add3A_382] : memref<8192xf32, #tpu.memory_space<vmem>>[vector<16xi32>], vector<16xf32>,
        tpu.vector_store_idx %arg8[%add3A_70, %broadcast_in_dim3A_379], %gather3A_383 : memref<256x128xf32, #tpu.memory_space<vmem>>[vector<16xi32>, vector<16xi32>], vector<16xf32>,
        %broadcast_in_dim3A_384 = arith.constant 52 : i32
        %broadcast_in_dim3A_385 = vector.broadcast %broadcast_in_dim3A_384 : i32 to vector<16xi32>
        %add3A_386 = arith.constant 52 : i32
        %add3A_387 = vector.broadcast %add3A_386 : i32 to vector<16xi32>
        %add3A_388 = arith.addi %mul3A_73, %add3A_387 : vector<16xi32>
        %gather3A_389 = tpu.vector_load_idx %arg6[%add3A_388] : memref<8192xf32, #tpu.memory_space<vmem>>[vector<16xi32>], vector<16xf32>,
        tpu.vector_store_idx %arg8[%add3A_70, %broadcast_in_dim3A_385], %gather3A_389 : memref<256x128xf32, #tpu.memory_space<vmem>>[vector<16xi32>, vector<16xi32>], vector<16xf32>,
        %broadcast_in_dim3A_390 = arith.constant 53 : i32
        %broadcast_in_dim3A_391 = vector.broadcast %broadcast_in_dim3A_390 : i32 to vector<16xi32>
        %add3A_392 = arith.constant 53 : i32
        %add3A_393 = vector.broadcast %add3A_392 : i32 to vector<16xi32>
        %add3A_394 = arith.addi %mul3A_73, %add3A_393 : vector<16xi32>
        %gather3A_395 = tpu.vector_load_idx %arg6[%add3A_394] : memref<8192xf32, #tpu.memory_space<vmem>>[vector<16xi32>], vector<16xf32>,
        tpu.vector_store_idx %arg8[%add3A_70, %broadcast_in_dim3A_391], %gather3A_395 : memref<256x128xf32, #tpu.memory_space<vmem>>[vector<16xi32>, vector<16xi32>], vector<16xf32>,
        %broadcast_in_dim3A_396 = arith.constant 54 : i32
        %broadcast_in_dim3A_397 = vector.broadcast %broadcast_in_dim3A_396 : i32 to vector<16xi32>
        %add3A_398 = arith.constant 54 : i32
        %add3A_399 = vector.broadcast %add3A_398 : i32 to vector<16xi32>
        %add3A_400 = arith.addi %mul3A_73, %add3A_399 : vector<16xi32>
        %gather3A_401 = tpu.vector_load_idx %arg6[%add3A_400] : memref<8192xf32, #tpu.memory_space<vmem>>[vector<16xi32>], vector<16xf32>,
        tpu.vector_store_idx %arg8[%add3A_70, %broadcast_in_dim3A_397], %gather3A_401 : memref<256x128xf32, #tpu.memory_space<vmem>>[vector<16xi32>, vector<16xi32>], vector<16xf32>,
        %broadcast_in_dim3A_402 = arith.constant 55 : i32
        %broadcast_in_dim3A_403 = vector.broadcast %broadcast_in_dim3A_402 : i32 to vector<16xi32>
        %add3A_404 = arith.constant 55 : i32
        %add3A_405 = vector.broadcast %add3A_404 : i32 to vector<16xi32>
        %add3A_406 = arith.addi %mul3A_73, %add3A_405 : vector<16xi32>
        %gather3A_407 = tpu.vector_load_idx %arg6[%add3A_406] : memref<8192xf32, #tpu.memory_space<vmem>>[vector<16xi32>], vector<16xf32>,
        tpu.vector_store_idx %arg8[%add3A_70, %broadcast_in_dim3A_403], %gather3A_407 : memref<256x128xf32, #tpu.memory_space<vmem>>[vector<16xi32>, vector<16xi32>], vector<16xf32>,
        %broadcast_in_dim3A_408 = arith.constant 56 : i32
        %broadcast_in_dim3A_409 = vector.broadcast %broadcast_in_dim3A_408 : i32 to vector<16xi32>
        %add3A_410 = arith.constant 56 : i32
        %add3A_411 = vector.broadcast %add3A_410 : i32 to vector<16xi32>
        %add3A_412 = arith.addi %mul3A_73, %add3A_411 : vector<16xi32>
        %gather3A_413 = tpu.vector_load_idx %arg6[%add3A_412] : memref<8192xf32, #tpu.memory_space<vmem>>[vector<16xi32>], vector<16xf32>,
        tpu.vector_store_idx %arg8[%add3A_70, %broadcast_in_dim3A_409], %gather3A_413 : memref<256x128xf32, #tpu.memory_space<vmem>>[vector<16xi32>, vector<16xi32>], vector<16xf32>,
        %broadcast_in_dim3A_414 = arith.constant 57 : i32
        %broadcast_in_dim3A_415 = vector.broadcast %broadcast_in_dim3A_414 : i32 to vector<16xi32>
        %add3A_416 = arith.constant 57 : i32
        %add3A_417 = vector.broadcast %add3A_416 : i32 to vector<16xi32>
        %add3A_418 = arith.addi %mul3A_73, %add3A_417 : vector<16xi32>
        %gather3A_419 = tpu.vector_load_idx %arg6[%add3A_418] : memref<8192xf32, #tpu.memory_space<vmem>>[vector<16xi32>], vector<16xf32>,
        tpu.vector_store_idx %arg8[%add3A_70, %broadcast_in_dim3A_415], %gather3A_419 : memref<256x128xf32, #tpu.memory_space<vmem>>[vector<16xi32>, vector<16xi32>], vector<16xf32>,
        %broadcast_in_dim3A_420 = arith.constant 58 : i32
        %broadcast_in_dim3A_421 = vector.broadcast %broadcast_in_dim3A_420 : i32 to vector<16xi32>
        %add3A_422 = arith.constant 58 : i32
        %add3A_423 = vector.broadcast %add3A_422 : i32 to vector<16xi32>
        %add3A_424 = arith.addi %mul3A_73, %add3A_423 : vector<16xi32>
        %gather3A_425 = tpu.vector_load_idx %arg6[%add3A_424] : memref<8192xf32, #tpu.memory_space<vmem>>[vector<16xi32>], vector<16xf32>,
        tpu.vector_store_idx %arg8[%add3A_70, %broadcast_in_dim3A_421], %gather3A_425 : memref<256x128xf32, #tpu.memory_space<vmem>>[vector<16xi32>, vector<16xi32>], vector<16xf32>,
        %broadcast_in_dim3A_426 = arith.constant 59 : i32
        %broadcast_in_dim3A_427 = vector.broadcast %broadcast_in_dim3A_426 : i32 to vector<16xi32>
        %add3A_428 = arith.constant 59 : i32
        %add3A_429 = vector.broadcast %add3A_428 : i32 to vector<16xi32>
        %add3A_430 = arith.addi %mul3A_73, %add3A_429 : vector<16xi32>
        %gather3A_431 = tpu.vector_load_idx %arg6[%add3A_430] : memref<8192xf32, #tpu.memory_space<vmem>>[vector<16xi32>], vector<16xf32>,
        tpu.vector_store_idx %arg8[%add3A_70, %broadcast_in_dim3A_427], %gather3A_431 : memref<256x128xf32, #tpu.memory_space<vmem>>[vector<16xi32>, vector<16xi32>], vector<16xf32>,
        %broadcast_in_dim3A_432 = arith.constant 60 : i32
        %broadcast_in_dim3A_433 = vector.broadcast %broadcast_in_dim3A_432 : i32 to vector<16xi32>
        %add3A_434 = arith.constant 60 : i32
        %add3A_435 = vector.broadcast %add3A_434 : i32 to vector<16xi32>
        %add3A_436 = arith.addi %mul3A_73, %add3A_435 : vector<16xi32>
        %gather3A_437 = tpu.vector_load_idx %arg6[%add3A_436] : memref<8192xf32, #tpu.memory_space<vmem>>[vector<16xi32>], vector<16xf32>,
        tpu.vector_store_idx %arg8[%add3A_70, %broadcast_in_dim3A_433], %gather3A_437 : memref<256x128xf32, #tpu.memory_space<vmem>>[vector<16xi32>, vector<16xi32>], vector<16xf32>,
        %broadcast_in_dim3A_438 = arith.constant 61 : i32
        %broadcast_in_dim3A_439 = vector.broadcast %broadcast_in_dim3A_438 : i32 to vector<16xi32>
        %add3A_440 = arith.constant 61 : i32
        %add3A_441 = vector.broadcast %add3A_440 : i32 to vector<16xi32>
        %add3A_442 = arith.addi %mul3A_73, %add3A_441 : vector<16xi32>
        %gather3A_443 = tpu.vector_load_idx %arg6[%add3A_442] : memref<8192xf32, #tpu.memory_space<vmem>>[vector<16xi32>], vector<16xf32>,
        tpu.vector_store_idx %arg8[%add3A_70, %broadcast_in_dim3A_439], %gather3A_443 : memref<256x128xf32, #tpu.memory_space<vmem>>[vector<16xi32>, vector<16xi32>], vector<16xf32>,
        %broadcast_in_dim3A_444 = arith.constant 62 : i32
        %broadcast_in_dim3A_445 = vector.broadcast %broadcast_in_dim3A_444 : i32 to vector<16xi32>
        %add3A_446 = arith.constant 62 : i32
        %add3A_447 = vector.broadcast %add3A_446 : i32 to vector<16xi32>
        %add3A_448 = arith.addi %mul3A_73, %add3A_447 : vector<16xi32>
        %gather3A_449 = tpu.vector_load_idx %arg6[%add3A_448] : memref<8192xf32, #tpu.memory_space<vmem>>[vector<16xi32>], vector<16xf32>,
        tpu.vector_store_idx %arg8[%add3A_70, %broadcast_in_dim3A_445], %gather3A_449 : memref<256x128xf32, #tpu.memory_space<vmem>>[vector<16xi32>, vector<16xi32>], vector<16xf32>,
        %broadcast_in_dim3A_450 = arith.constant 63 : i32
        %broadcast_in_dim3A_451 = vector.broadcast %broadcast_in_dim3A_450 : i32 to vector<16xi32>
        %add3A_452 = arith.constant 63 : i32
        %add3A_453 = vector.broadcast %add3A_452 : i32 to vector<16xi32>
        %add3A_454 = arith.addi %mul3A_73, %add3A_453 : vector<16xi32>
        %gather3A_455 = tpu.vector_load_idx %arg6[%add3A_454] : memref<8192xf32, #tpu.memory_space<vmem>>[vector<16xi32>], vector<16xf32>,
        tpu.vector_store_idx %arg8[%add3A_70, %broadcast_in_dim3A_451], %gather3A_455 : memref<256x128xf32, #tpu.memory_space<vmem>>[vector<16xi32>, vector<16xi32>], vector<16xf32>,
        %broadcast_in_dim3A_456 = arith.constant 64 : i32
        %broadcast_in_dim3A_457 = vector.broadcast %broadcast_in_dim3A_456 : i32 to vector<16xi32>
        %add3A_458 = arith.constant 64 : i32
        %add3A_459 = vector.broadcast %add3A_458 : i32 to vector<16xi32>
        %add3A_460 = arith.addi %mul3A_73, %add3A_459 : vector<16xi32>
        %gather3A_461 = tpu.vector_load_idx %arg6[%add3A_460] : memref<8192xf32, #tpu.memory_space<vmem>>[vector<16xi32>], vector<16xf32>,
        tpu.vector_store_idx %arg8[%add3A_70, %broadcast_in_dim3A_457], %gather3A_461 : memref<256x128xf32, #tpu.memory_space<vmem>>[vector<16xi32>, vector<16xi32>], vector<16xf32>,
        %broadcast_in_dim3A_462 = arith.constant 65 : i32
        %broadcast_in_dim3A_463 = vector.broadcast %broadcast_in_dim3A_462 : i32 to vector<16xi32>
        %add3A_464 = arith.constant 65 : i32
        %add3A_465 = vector.broadcast %add3A_464 : i32 to vector<16xi32>
        %add3A_466 = arith.addi %mul3A_73, %add3A_465 : vector<16xi32>
        %gather3A_467 = tpu.vector_load_idx %arg6[%add3A_466] : memref<8192xf32, #tpu.memory_space<vmem>>[vector<16xi32>], vector<16xf32>,
        tpu.vector_store_idx %arg8[%add3A_70, %broadcast_in_dim3A_463], %gather3A_467 : memref<256x128xf32, #tpu.memory_space<vmem>>[vector<16xi32>, vector<16xi32>], vector<16xf32>,
        %broadcast_in_dim3A_468 = arith.constant 66 : i32
        %broadcast_in_dim3A_469 = vector.broadcast %broadcast_in_dim3A_468 : i32 to vector<16xi32>
        %add3A_470 = arith.constant 66 : i32
        %add3A_471 = vector.broadcast %add3A_470 : i32 to vector<16xi32>
        %add3A_472 = arith.addi %mul3A_73, %add3A_471 : vector<16xi32>
        %gather3A_473 = tpu.vector_load_idx %arg6[%add3A_472] : memref<8192xf32, #tpu.memory_space<vmem>>[vector<16xi32>], vector<16xf32>,
        tpu.vector_store_idx %arg8[%add3A_70, %broadcast_in_dim3A_469], %gather3A_473 : memref<256x128xf32, #tpu.memory_space<vmem>>[vector<16xi32>, vector<16xi32>], vector<16xf32>,
        %broadcast_in_dim3A_474 = arith.constant 67 : i32
        %broadcast_in_dim3A_475 = vector.broadcast %broadcast_in_dim3A_474 : i32 to vector<16xi32>
        %add3A_476 = arith.constant 67 : i32
        %add3A_477 = vector.broadcast %add3A_476 : i32 to vector<16xi32>
        %add3A_478 = arith.addi %mul3A_73, %add3A_477 : vector<16xi32>
        %gather3A_479 = tpu.vector_load_idx %arg6[%add3A_478] : memref<8192xf32, #tpu.memory_space<vmem>>[vector<16xi32>], vector<16xf32>,
        tpu.vector_store_idx %arg8[%add3A_70, %broadcast_in_dim3A_475], %gather3A_479 : memref<256x128xf32, #tpu.memory_space<vmem>>[vector<16xi32>, vector<16xi32>], vector<16xf32>,
        %broadcast_in_dim3A_480 = arith.constant 68 : i32
        %broadcast_in_dim3A_481 = vector.broadcast %broadcast_in_dim3A_480 : i32 to vector<16xi32>
        %add3A_482 = arith.constant 68 : i32
        %add3A_483 = vector.broadcast %add3A_482 : i32 to vector<16xi32>
        %add3A_484 = arith.addi %mul3A_73, %add3A_483 : vector<16xi32>
        %gather3A_485 = tpu.vector_load_idx %arg6[%add3A_484] : memref<8192xf32, #tpu.memory_space<vmem>>[vector<16xi32>], vector<16xf32>,
        tpu.vector_store_idx %arg8[%add3A_70, %broadcast_in_dim3A_481], %gather3A_485 : memref<256x128xf32, #tpu.memory_space<vmem>>[vector<16xi32>, vector<16xi32>], vector<16xf32>,
        %broadcast_in_dim3A_486 = arith.constant 69 : i32
        %broadcast_in_dim3A_487 = vector.broadcast %broadcast_in_dim3A_486 : i32 to vector<16xi32>
        %add3A_488 = arith.constant 69 : i32
        %add3A_489 = vector.broadcast %add3A_488 : i32 to vector<16xi32>
        %add3A_490 = arith.addi %mul3A_73, %add3A_489 : vector<16xi32>
        %gather3A_491 = tpu.vector_load_idx %arg6[%add3A_490] : memref<8192xf32, #tpu.memory_space<vmem>>[vector<16xi32>], vector<16xf32>,
        tpu.vector_store_idx %arg8[%add3A_70, %broadcast_in_dim3A_487], %gather3A_491 : memref<256x128xf32, #tpu.memory_space<vmem>>[vector<16xi32>, vector<16xi32>], vector<16xf32>,
        %broadcast_in_dim3A_492 = arith.constant 70 : i32
        %broadcast_in_dim3A_493 = vector.broadcast %broadcast_in_dim3A_492 : i32 to vector<16xi32>
        %add3A_494 = arith.constant 70 : i32
        %add3A_495 = vector.broadcast %add3A_494 : i32 to vector<16xi32>
        %add3A_496 = arith.addi %mul3A_73, %add3A_495 : vector<16xi32>
        %gather3A_497 = tpu.vector_load_idx %arg6[%add3A_496] : memref<8192xf32, #tpu.memory_space<vmem>>[vector<16xi32>], vector<16xf32>,
        tpu.vector_store_idx %arg8[%add3A_70, %broadcast_in_dim3A_493], %gather3A_497 : memref<256x128xf32, #tpu.memory_space<vmem>>[vector<16xi32>, vector<16xi32>], vector<16xf32>,
        %broadcast_in_dim3A_498 = arith.constant 71 : i32
        %broadcast_in_dim3A_499 = vector.broadcast %broadcast_in_dim3A_498 : i32 to vector<16xi32>
        %add3A_500 = arith.constant 71 : i32
        %add3A_501 = vector.broadcast %add3A_500 : i32 to vector<16xi32>
        %add3A_502 = arith.addi %mul3A_73, %add3A_501 : vector<16xi32>
        %gather3A_503 = tpu.vector_load_idx %arg6[%add3A_502] : memref<8192xf32, #tpu.memory_space<vmem>>[vector<16xi32>], vector<16xf32>,
        tpu.vector_store_idx %arg8[%add3A_70, %broadcast_in_dim3A_499], %gather3A_503 : memref<256x128xf32, #tpu.memory_space<vmem>>[vector<16xi32>, vector<16xi32>], vector<16xf32>,
        %broadcast_in_dim3A_504 = arith.constant 72 : i32
        %broadcast_in_dim3A_505 = vector.broadcast %broadcast_in_dim3A_504 : i32 to vector<16xi32>
        %add3A_506 = arith.constant 72 : i32
        %add3A_507 = vector.broadcast %add3A_506 : i32 to vector<16xi32>
        %add3A_508 = arith.addi %mul3A_73, %add3A_507 : vector<16xi32>
        %gather3A_509 = tpu.vector_load_idx %arg6[%add3A_508] : memref<8192xf32, #tpu.memory_space<vmem>>[vector<16xi32>], vector<16xf32>,
        tpu.vector_store_idx %arg8[%add3A_70, %broadcast_in_dim3A_505], %gather3A_509 : memref<256x128xf32, #tpu.memory_space<vmem>>[vector<16xi32>, vector<16xi32>], vector<16xf32>,
        %broadcast_in_dim3A_510 = arith.constant 73 : i32
        %broadcast_in_dim3A_511 = vector.broadcast %broadcast_in_dim3A_510 : i32 to vector<16xi32>
        %add3A_512 = arith.constant 73 : i32
        %add3A_513 = vector.broadcast %add3A_512 : i32 to vector<16xi32>
        %add3A_514 = arith.addi %mul3A_73, %add3A_513 : vector<16xi32>
        %gather3A_515 = tpu.vector_load_idx %arg6[%add3A_514] : memref<8192xf32, #tpu.memory_space<vmem>>[vector<16xi32>], vector<16xf32>,
        tpu.vector_store_idx %arg8[%add3A_70, %broadcast_in_dim3A_511], %gather3A_515 : memref<256x128xf32, #tpu.memory_space<vmem>>[vector<16xi32>, vector<16xi32>], vector<16xf32>,
        %broadcast_in_dim3A_516 = arith.constant 74 : i32
        %broadcast_in_dim3A_517 = vector.broadcast %broadcast_in_dim3A_516 : i32 to vector<16xi32>
        %add3A_518 = arith.constant 74 : i32
        %add3A_519 = vector.broadcast %add3A_518 : i32 to vector<16xi32>
        %add3A_520 = arith.addi %mul3A_73, %add3A_519 : vector<16xi32>
        %gather3A_521 = tpu.vector_load_idx %arg6[%add3A_520] : memref<8192xf32, #tpu.memory_space<vmem>>[vector<16xi32>], vector<16xf32>,
        tpu.vector_store_idx %arg8[%add3A_70, %broadcast_in_dim3A_517], %gather3A_521 : memref<256x128xf32, #tpu.memory_space<vmem>>[vector<16xi32>, vector<16xi32>], vector<16xf32>,
        %broadcast_in_dim3A_522 = arith.constant 75 : i32
        %broadcast_in_dim3A_523 = vector.broadcast %broadcast_in_dim3A_522 : i32 to vector<16xi32>
        %add3A_524 = arith.constant 75 : i32
        %add3A_525 = vector.broadcast %add3A_524 : i32 to vector<16xi32>
        %add3A_526 = arith.addi %mul3A_73, %add3A_525 : vector<16xi32>
        %gather3A_527 = tpu.vector_load_idx %arg6[%add3A_526] : memref<8192xf32, #tpu.memory_space<vmem>>[vector<16xi32>], vector<16xf32>,
        tpu.vector_store_idx %arg8[%add3A_70, %broadcast_in_dim3A_523], %gather3A_527 : memref<256x128xf32, #tpu.memory_space<vmem>>[vector<16xi32>, vector<16xi32>], vector<16xf32>,
        %broadcast_in_dim3A_528 = arith.constant 76 : i32
        %broadcast_in_dim3A_529 = vector.broadcast %broadcast_in_dim3A_528 : i32 to vector<16xi32>
        %add3A_530 = arith.constant 76 : i32
        %add3A_531 = vector.broadcast %add3A_530 : i32 to vector<16xi32>
        %add3A_532 = arith.addi %mul3A_73, %add3A_531 : vector<16xi32>
        %gather3A_533 = tpu.vector_load_idx %arg6[%add3A_532] : memref<8192xf32, #tpu.memory_space<vmem>>[vector<16xi32>], vector<16xf32>,
        tpu.vector_store_idx %arg8[%add3A_70, %broadcast_in_dim3A_529], %gather3A_533 : memref<256x128xf32, #tpu.memory_space<vmem>>[vector<16xi32>, vector<16xi32>], vector<16xf32>,
        %broadcast_in_dim3A_534 = arith.constant 77 : i32
        %broadcast_in_dim3A_535 = vector.broadcast %broadcast_in_dim3A_534 : i32 to vector<16xi32>
        %add3A_536 = arith.constant 77 : i32
        %add3A_537 = vector.broadcast %add3A_536 : i32 to vector<16xi32>
        %add3A_538 = arith.addi %mul3A_73, %add3A_537 : vector<16xi32>
        %gather3A_539 = tpu.vector_load_idx %arg6[%add3A_538] : memref<8192xf32, #tpu.memory_space<vmem>>[vector<16xi32>], vector<16xf32>,
        tpu.vector_store_idx %arg8[%add3A_70, %broadcast_in_dim3A_535], %gather3A_539 : memref<256x128xf32, #tpu.memory_space<vmem>>[vector<16xi32>, vector<16xi32>], vector<16xf32>,
        %broadcast_in_dim3A_540 = arith.constant 78 : i32
        %broadcast_in_dim3A_541 = vector.broadcast %broadcast_in_dim3A_540 : i32 to vector<16xi32>
        %add3A_542 = arith.constant 78 : i32
        %add3A_543 = vector.broadcast %add3A_542 : i32 to vector<16xi32>
        %add3A_544 = arith.addi %mul3A_73, %add3A_543 : vector<16xi32>
        %gather3A_545 = tpu.vector_load_idx %arg6[%add3A_544] : memref<8192xf32, #tpu.memory_space<vmem>>[vector<16xi32>], vector<16xf32>,
        tpu.vector_store_idx %arg8[%add3A_70, %broadcast_in_dim3A_541], %gather3A_545 : memref<256x128xf32, #tpu.memory_space<vmem>>[vector<16xi32>, vector<16xi32>], vector<16xf32>,
        %broadcast_in_dim3A_546 = arith.constant 79 : i32
        %broadcast_in_dim3A_547 = vector.broadcast %broadcast_in_dim3A_546 : i32 to vector<16xi32>
        %add3A_548 = arith.constant 79 : i32
        %add3A_549 = vector.broadcast %add3A_548 : i32 to vector<16xi32>
        %add3A_550 = arith.addi %mul3A_73, %add3A_549 : vector<16xi32>
        %gather3A_551 = tpu.vector_load_idx %arg6[%add3A_550] : memref<8192xf32, #tpu.memory_space<vmem>>[vector<16xi32>], vector<16xf32>,
        tpu.vector_store_idx %arg8[%add3A_70, %broadcast_in_dim3A_547], %gather3A_551 : memref<256x128xf32, #tpu.memory_space<vmem>>[vector<16xi32>, vector<16xi32>], vector<16xf32>,
        %broadcast_in_dim3A_552 = arith.constant 80 : i32
        %broadcast_in_dim3A_553 = vector.broadcast %broadcast_in_dim3A_552 : i32 to vector<16xi32>
        %add3A_554 = arith.constant 80 : i32
        %add3A_555 = vector.broadcast %add3A_554 : i32 to vector<16xi32>
        %add3A_556 = arith.addi %mul3A_73, %add3A_555 : vector<16xi32>
        %gather3A_557 = tpu.vector_load_idx %arg6[%add3A_556] : memref<8192xf32, #tpu.memory_space<vmem>>[vector<16xi32>], vector<16xf32>,
        tpu.vector_store_idx %arg8[%add3A_70, %broadcast_in_dim3A_553], %gather3A_557 : memref<256x128xf32, #tpu.memory_space<vmem>>[vector<16xi32>, vector<16xi32>], vector<16xf32>,
        %broadcast_in_dim3A_558 = arith.constant 81 : i32
        %broadcast_in_dim3A_559 = vector.broadcast %broadcast_in_dim3A_558 : i32 to vector<16xi32>
        %add3A_560 = arith.constant 81 : i32
        %add3A_561 = vector.broadcast %add3A_560 : i32 to vector<16xi32>
        %add3A_562 = arith.addi %mul3A_73, %add3A_561 : vector<16xi32>
        %gather3A_563 = tpu.vector_load_idx %arg6[%add3A_562] : memref<8192xf32, #tpu.memory_space<vmem>>[vector<16xi32>], vector<16xf32>,
        tpu.vector_store_idx %arg8[%add3A_70, %broadcast_in_dim3A_559], %gather3A_563 : memref<256x128xf32, #tpu.memory_space<vmem>>[vector<16xi32>, vector<16xi32>], vector<16xf32>,
        %broadcast_in_dim3A_564 = arith.constant 82 : i32
        %broadcast_in_dim3A_565 = vector.broadcast %broadcast_in_dim3A_564 : i32 to vector<16xi32>
        %add3A_566 = arith.constant 82 : i32
        %add3A_567 = vector.broadcast %add3A_566 : i32 to vector<16xi32>
        %add3A_568 = arith.addi %mul3A_73, %add3A_567 : vector<16xi32>
        %gather3A_569 = tpu.vector_load_idx %arg6[%add3A_568] : memref<8192xf32, #tpu.memory_space<vmem>>[vector<16xi32>], vector<16xf32>,
        tpu.vector_store_idx %arg8[%add3A_70, %broadcast_in_dim3A_565], %gather3A_569 : memref<256x128xf32, #tpu.memory_space<vmem>>[vector<16xi32>, vector<16xi32>], vector<16xf32>,
        %broadcast_in_dim3A_570 = arith.constant 83 : i32
        %broadcast_in_dim3A_571 = vector.broadcast %broadcast_in_dim3A_570 : i32 to vector<16xi32>
        %add3A_572 = arith.constant 83 : i32
        %add3A_573 = vector.broadcast %add3A_572 : i32 to vector<16xi32>
        %add3A_574 = arith.addi %mul3A_73, %add3A_573 : vector<16xi32>
        %gather3A_575 = tpu.vector_load_idx %arg6[%add3A_574] : memref<8192xf32, #tpu.memory_space<vmem>>[vector<16xi32>], vector<16xf32>,
        tpu.vector_store_idx %arg8[%add3A_70, %broadcast_in_dim3A_571], %gather3A_575 : memref<256x128xf32, #tpu.memory_space<vmem>>[vector<16xi32>, vector<16xi32>], vector<16xf32>,
        %broadcast_in_dim3A_576 = arith.constant 84 : i32
        %broadcast_in_dim3A_577 = vector.broadcast %broadcast_in_dim3A_576 : i32 to vector<16xi32>
        %add3A_578 = arith.constant 84 : i32
        %add3A_579 = vector.broadcast %add3A_578 : i32 to vector<16xi32>
        %add3A_580 = arith.addi %mul3A_73, %add3A_579 : vector<16xi32>
        %gather3A_581 = tpu.vector_load_idx %arg6[%add3A_580] : memref<8192xf32, #tpu.memory_space<vmem>>[vector<16xi32>], vector<16xf32>,
        tpu.vector_store_idx %arg8[%add3A_70, %broadcast_in_dim3A_577], %gather3A_581 : memref<256x128xf32, #tpu.memory_space<vmem>>[vector<16xi32>, vector<16xi32>], vector<16xf32>,
        %broadcast_in_dim3A_582 = arith.constant 85 : i32
        %broadcast_in_dim3A_583 = vector.broadcast %broadcast_in_dim3A_582 : i32 to vector<16xi32>
        %add3A_584 = arith.constant 85 : i32
        %add3A_585 = vector.broadcast %add3A_584 : i32 to vector<16xi32>
        %add3A_586 = arith.addi %mul3A_73, %add3A_585 : vector<16xi32>
        %gather3A_587 = tpu.vector_load_idx %arg6[%add3A_586] : memref<8192xf32, #tpu.memory_space<vmem>>[vector<16xi32>], vector<16xf32>,
        tpu.vector_store_idx %arg8[%add3A_70, %broadcast_in_dim3A_583], %gather3A_587 : memref<256x128xf32, #tpu.memory_space<vmem>>[vector<16xi32>, vector<16xi32>], vector<16xf32>,
        %broadcast_in_dim3A_588 = arith.constant 86 : i32
        %broadcast_in_dim3A_589 = vector.broadcast %broadcast_in_dim3A_588 : i32 to vector<16xi32>
        %add3A_590 = arith.constant 86 : i32
        %add3A_591 = vector.broadcast %add3A_590 : i32 to vector<16xi32>
        %add3A_592 = arith.addi %mul3A_73, %add3A_591 : vector<16xi32>
        %gather3A_593 = tpu.vector_load_idx %arg6[%add3A_592] : memref<8192xf32, #tpu.memory_space<vmem>>[vector<16xi32>], vector<16xf32>,
        tpu.vector_store_idx %arg8[%add3A_70, %broadcast_in_dim3A_589], %gather3A_593 : memref<256x128xf32, #tpu.memory_space<vmem>>[vector<16xi32>, vector<16xi32>], vector<16xf32>,
        %broadcast_in_dim3A_594 = arith.constant 87 : i32
        %broadcast_in_dim3A_595 = vector.broadcast %broadcast_in_dim3A_594 : i32 to vector<16xi32>
        %add3A_596 = arith.constant 87 : i32
        %add3A_597 = vector.broadcast %add3A_596 : i32 to vector<16xi32>
        %add3A_598 = arith.addi %mul3A_73, %add3A_597 : vector<16xi32>
        %gather3A_599 = tpu.vector_load_idx %arg6[%add3A_598] : memref<8192xf32, #tpu.memory_space<vmem>>[vector<16xi32>], vector<16xf32>,
        tpu.vector_store_idx %arg8[%add3A_70, %broadcast_in_dim3A_595], %gather3A_599 : memref<256x128xf32, #tpu.memory_space<vmem>>[vector<16xi32>, vector<16xi32>], vector<16xf32>,
        %broadcast_in_dim3A_600 = arith.constant 88 : i32
        %broadcast_in_dim3A_601 = vector.broadcast %broadcast_in_dim3A_600 : i32 to vector<16xi32>
        %add3A_602 = arith.constant 88 : i32
        %add3A_603 = vector.broadcast %add3A_602 : i32 to vector<16xi32>
        %add3A_604 = arith.addi %mul3A_73, %add3A_603 : vector<16xi32>
        %gather3A_605 = tpu.vector_load_idx %arg6[%add3A_604] : memref<8192xf32, #tpu.memory_space<vmem>>[vector<16xi32>], vector<16xf32>,
        tpu.vector_store_idx %arg8[%add3A_70, %broadcast_in_dim3A_601], %gather3A_605 : memref<256x128xf32, #tpu.memory_space<vmem>>[vector<16xi32>, vector<16xi32>], vector<16xf32>,
        %broadcast_in_dim3A_606 = arith.constant 89 : i32
        %broadcast_in_dim3A_607 = vector.broadcast %broadcast_in_dim3A_606 : i32 to vector<16xi32>
        %add3A_608 = arith.constant 89 : i32
        %add3A_609 = vector.broadcast %add3A_608 : i32 to vector<16xi32>
        %add3A_610 = arith.addi %mul3A_73, %add3A_609 : vector<16xi32>
        %gather3A_611 = tpu.vector_load_idx %arg6[%add3A_610] : memref<8192xf32, #tpu.memory_space<vmem>>[vector<16xi32>], vector<16xf32>,
        tpu.vector_store_idx %arg8[%add3A_70, %broadcast_in_dim3A_607], %gather3A_611 : memref<256x128xf32, #tpu.memory_space<vmem>>[vector<16xi32>, vector<16xi32>], vector<16xf32>,
        %broadcast_in_dim3A_612 = arith.constant 90 : i32
        %broadcast_in_dim3A_613 = vector.broadcast %broadcast_in_dim3A_612 : i32 to vector<16xi32>
        %add3A_614 = arith.constant 90 : i32
        %add3A_615 = vector.broadcast %add3A_614 : i32 to vector<16xi32>
        %add3A_616 = arith.addi %mul3A_73, %add3A_615 : vector<16xi32>
        %gather3A_617 = tpu.vector_load_idx %arg6[%add3A_616] : memref<8192xf32, #tpu.memory_space<vmem>>[vector<16xi32>], vector<16xf32>,
        tpu.vector_store_idx %arg8[%add3A_70, %broadcast_in_dim3A_613], %gather3A_617 : memref<256x128xf32, #tpu.memory_space<vmem>>[vector<16xi32>, vector<16xi32>], vector<16xf32>,
        %broadcast_in_dim3A_618 = arith.constant 91 : i32
        %broadcast_in_dim3A_619 = vector.broadcast %broadcast_in_dim3A_618 : i32 to vector<16xi32>
        %add3A_620 = arith.constant 91 : i32
        %add3A_621 = vector.broadcast %add3A_620 : i32 to vector<16xi32>
        %add3A_622 = arith.addi %mul3A_73, %add3A_621 : vector<16xi32>
        %gather3A_623 = tpu.vector_load_idx %arg6[%add3A_622] : memref<8192xf32, #tpu.memory_space<vmem>>[vector<16xi32>], vector<16xf32>,
        tpu.vector_store_idx %arg8[%add3A_70, %broadcast_in_dim3A_619], %gather3A_623 : memref<256x128xf32, #tpu.memory_space<vmem>>[vector<16xi32>, vector<16xi32>], vector<16xf32>,
        %broadcast_in_dim3A_624 = arith.constant 92 : i32
        %broadcast_in_dim3A_625 = vector.broadcast %broadcast_in_dim3A_624 : i32 to vector<16xi32>
        %add3A_626 = arith.constant 92 : i32
        %add3A_627 = vector.broadcast %add3A_626 : i32 to vector<16xi32>
        %add3A_628 = arith.addi %mul3A_73, %add3A_627 : vector<16xi32>
        %gather3A_629 = tpu.vector_load_idx %arg6[%add3A_628] : memref<8192xf32, #tpu.memory_space<vmem>>[vector<16xi32>], vector<16xf32>,
        tpu.vector_store_idx %arg8[%add3A_70, %broadcast_in_dim3A_625], %gather3A_629 : memref<256x128xf32, #tpu.memory_space<vmem>>[vector<16xi32>, vector<16xi32>], vector<16xf32>,
        %broadcast_in_dim3A_630 = arith.constant 93 : i32
        %broadcast_in_dim3A_631 = vector.broadcast %broadcast_in_dim3A_630 : i32 to vector<16xi32>
        %add3A_632 = arith.constant 93 : i32
        %add3A_633 = vector.broadcast %add3A_632 : i32 to vector<16xi32>
        %add3A_634 = arith.addi %mul3A_73, %add3A_633 : vector<16xi32>
        %gather3A_635 = tpu.vector_load_idx %arg6[%add3A_634] : memref<8192xf32, #tpu.memory_space<vmem>>[vector<16xi32>], vector<16xf32>,
        tpu.vector_store_idx %arg8[%add3A_70, %broadcast_in_dim3A_631], %gather3A_635 : memref<256x128xf32, #tpu.memory_space<vmem>>[vector<16xi32>, vector<16xi32>], vector<16xf32>,
        %broadcast_in_dim3A_636 = arith.constant 94 : i32
        %broadcast_in_dim3A_637 = vector.broadcast %broadcast_in_dim3A_636 : i32 to vector<16xi32>
        %add3A_638 = arith.constant 94 : i32
        %add3A_639 = vector.broadcast %add3A_638 : i32 to vector<16xi32>
        %add3A_640 = arith.addi %mul3A_73, %add3A_639 : vector<16xi32>
        %gather3A_641 = tpu.vector_load_idx %arg6[%add3A_640] : memref<8192xf32, #tpu.memory_space<vmem>>[vector<16xi32>], vector<16xf32>,
        tpu.vector_store_idx %arg8[%add3A_70, %broadcast_in_dim3A_637], %gather3A_641 : memref<256x128xf32, #tpu.memory_space<vmem>>[vector<16xi32>, vector<16xi32>], vector<16xf32>,
        %broadcast_in_dim3A_642 = arith.constant 95 : i32
        %broadcast_in_dim3A_643 = vector.broadcast %broadcast_in_dim3A_642 : i32 to vector<16xi32>
        %add3A_644 = arith.constant 95 : i32
        %add3A_645 = vector.broadcast %add3A_644 : i32 to vector<16xi32>
        %add3A_646 = arith.addi %mul3A_73, %add3A_645 : vector<16xi32>
        %gather3A_647 = tpu.vector_load_idx %arg6[%add3A_646] : memref<8192xf32, #tpu.memory_space<vmem>>[vector<16xi32>], vector<16xf32>,
        tpu.vector_store_idx %arg8[%add3A_70, %broadcast_in_dim3A_643], %gather3A_647 : memref<256x128xf32, #tpu.memory_space<vmem>>[vector<16xi32>, vector<16xi32>], vector<16xf32>,
        %broadcast_in_dim3A_648 = arith.constant 96 : i32
        %broadcast_in_dim3A_649 = vector.broadcast %broadcast_in_dim3A_648 : i32 to vector<16xi32>
        %add3A_650 = arith.constant 96 : i32
        %add3A_651 = vector.broadcast %add3A_650 : i32 to vector<16xi32>
        %add3A_652 = arith.addi %mul3A_73, %add3A_651 : vector<16xi32>
        %gather3A_653 = tpu.vector_load_idx %arg6[%add3A_652] : memref<8192xf32, #tpu.memory_space<vmem>>[vector<16xi32>], vector<16xf32>,
        tpu.vector_store_idx %arg8[%add3A_70, %broadcast_in_dim3A_649], %gather3A_653 : memref<256x128xf32, #tpu.memory_space<vmem>>[vector<16xi32>, vector<16xi32>], vector<16xf32>,
        %broadcast_in_dim3A_654 = arith.constant 97 : i32
        %broadcast_in_dim3A_655 = vector.broadcast %broadcast_in_dim3A_654 : i32 to vector<16xi32>
        %add3A_656 = arith.constant 97 : i32
        %add3A_657 = vector.broadcast %add3A_656 : i32 to vector<16xi32>
        %add3A_658 = arith.addi %mul3A_73, %add3A_657 : vector<16xi32>
        %gather3A_659 = tpu.vector_load_idx %arg6[%add3A_658] : memref<8192xf32, #tpu.memory_space<vmem>>[vector<16xi32>], vector<16xf32>,
        tpu.vector_store_idx %arg8[%add3A_70, %broadcast_in_dim3A_655], %gather3A_659 : memref<256x128xf32, #tpu.memory_space<vmem>>[vector<16xi32>, vector<16xi32>], vector<16xf32>,
        %broadcast_in_dim3A_660 = arith.constant 98 : i32
        %broadcast_in_dim3A_661 = vector.broadcast %broadcast_in_dim3A_660 : i32 to vector<16xi32>
        %add3A_662 = arith.constant 98 : i32
        %add3A_663 = vector.broadcast %add3A_662 : i32 to vector<16xi32>
        %add3A_664 = arith.addi %mul3A_73, %add3A_663 : vector<16xi32>
        %gather3A_665 = tpu.vector_load_idx %arg6[%add3A_664] : memref<8192xf32, #tpu.memory_space<vmem>>[vector<16xi32>], vector<16xf32>,
        tpu.vector_store_idx %arg8[%add3A_70, %broadcast_in_dim3A_661], %gather3A_665 : memref<256x128xf32, #tpu.memory_space<vmem>>[vector<16xi32>, vector<16xi32>], vector<16xf32>,
        %broadcast_in_dim3A_666 = arith.constant 99 : i32
        %broadcast_in_dim3A_667 = vector.broadcast %broadcast_in_dim3A_666 : i32 to vector<16xi32>
        %add3A_668 = arith.constant 99 : i32
        %add3A_669 = vector.broadcast %add3A_668 : i32 to vector<16xi32>
        %add3A_670 = arith.addi %mul3A_73, %add3A_669 : vector<16xi32>
        %gather3A_671 = tpu.vector_load_idx %arg6[%add3A_670] : memref<8192xf32, #tpu.memory_space<vmem>>[vector<16xi32>], vector<16xf32>,
        tpu.vector_store_idx %arg8[%add3A_70, %broadcast_in_dim3A_667], %gather3A_671 : memref<256x128xf32, #tpu.memory_space<vmem>>[vector<16xi32>, vector<16xi32>], vector<16xf32>,
        %broadcast_in_dim3A_672 = arith.constant 100 : i32
        %broadcast_in_dim3A_673 = vector.broadcast %broadcast_in_dim3A_672 : i32 to vector<16xi32>
        %add3A_674 = arith.constant 100 : i32
        %add3A_675 = vector.broadcast %add3A_674 : i32 to vector<16xi32>
        %add3A_676 = arith.addi %mul3A_73, %add3A_675 : vector<16xi32>
        %gather3A_677 = tpu.vector_load_idx %arg6[%add3A_676] : memref<8192xf32, #tpu.memory_space<vmem>>[vector<16xi32>], vector<16xf32>,
        tpu.vector_store_idx %arg8[%add3A_70, %broadcast_in_dim3A_673], %gather3A_677 : memref<256x128xf32, #tpu.memory_space<vmem>>[vector<16xi32>, vector<16xi32>], vector<16xf32>,
        %broadcast_in_dim3A_678 = arith.constant 101 : i32
        %broadcast_in_dim3A_679 = vector.broadcast %broadcast_in_dim3A_678 : i32 to vector<16xi32>
        %add3A_680 = arith.constant 101 : i32
        %add3A_681 = vector.broadcast %add3A_680 : i32 to vector<16xi32>
        %add3A_682 = arith.addi %mul3A_73, %add3A_681 : vector<16xi32>
        %gather3A_683 = tpu.vector_load_idx %arg6[%add3A_682] : memref<8192xf32, #tpu.memory_space<vmem>>[vector<16xi32>], vector<16xf32>,
        tpu.vector_store_idx %arg8[%add3A_70, %broadcast_in_dim3A_679], %gather3A_683 : memref<256x128xf32, #tpu.memory_space<vmem>>[vector<16xi32>, vector<16xi32>], vector<16xf32>,
        %broadcast_in_dim3A_684 = arith.constant 102 : i32
        %broadcast_in_dim3A_685 = vector.broadcast %broadcast_in_dim3A_684 : i32 to vector<16xi32>
        %add3A_686 = arith.constant 102 : i32
        %add3A_687 = vector.broadcast %add3A_686 : i32 to vector<16xi32>
        %add3A_688 = arith.addi %mul3A_73, %add3A_687 : vector<16xi32>
        %gather3A_689 = tpu.vector_load_idx %arg6[%add3A_688] : memref<8192xf32, #tpu.memory_space<vmem>>[vector<16xi32>], vector<16xf32>,
        tpu.vector_store_idx %arg8[%add3A_70, %broadcast_in_dim3A_685], %gather3A_689 : memref<256x128xf32, #tpu.memory_space<vmem>>[vector<16xi32>, vector<16xi32>], vector<16xf32>,
        %broadcast_in_dim3A_690 = arith.constant 103 : i32
        %broadcast_in_dim3A_691 = vector.broadcast %broadcast_in_dim3A_690 : i32 to vector<16xi32>
        %add3A_692 = arith.constant 103 : i32
        %add3A_693 = vector.broadcast %add3A_692 : i32 to vector<16xi32>
        %add3A_694 = arith.addi %mul3A_73, %add3A_693 : vector<16xi32>
        %gather3A_695 = tpu.vector_load_idx %arg6[%add3A_694] : memref<8192xf32, #tpu.memory_space<vmem>>[vector<16xi32>], vector<16xf32>,
        tpu.vector_store_idx %arg8[%add3A_70, %broadcast_in_dim3A_691], %gather3A_695 : memref<256x128xf32, #tpu.memory_space<vmem>>[vector<16xi32>, vector<16xi32>], vector<16xf32>,
        %broadcast_in_dim3A_696 = arith.constant 104 : i32
        %broadcast_in_dim3A_697 = vector.broadcast %broadcast_in_dim3A_696 : i32 to vector<16xi32>
        %add3A_698 = arith.constant 104 : i32
        %add3A_699 = vector.broadcast %add3A_698 : i32 to vector<16xi32>
        %add3A_700 = arith.addi %mul3A_73, %add3A_699 : vector<16xi32>
        %gather3A_701 = tpu.vector_load_idx %arg6[%add3A_700] : memref<8192xf32, #tpu.memory_space<vmem>>[vector<16xi32>], vector<16xf32>,
        tpu.vector_store_idx %arg8[%add3A_70, %broadcast_in_dim3A_697], %gather3A_701 : memref<256x128xf32, #tpu.memory_space<vmem>>[vector<16xi32>, vector<16xi32>], vector<16xf32>,
        %broadcast_in_dim3A_702 = arith.constant 105 : i32
        %broadcast_in_dim3A_703 = vector.broadcast %broadcast_in_dim3A_702 : i32 to vector<16xi32>
        %add3A_704 = arith.constant 105 : i32
        %add3A_705 = vector.broadcast %add3A_704 : i32 to vector<16xi32>
        %add3A_706 = arith.addi %mul3A_73, %add3A_705 : vector<16xi32>
        %gather3A_707 = tpu.vector_load_idx %arg6[%add3A_706] : memref<8192xf32, #tpu.memory_space<vmem>>[vector<16xi32>], vector<16xf32>,
        tpu.vector_store_idx %arg8[%add3A_70, %broadcast_in_dim3A_703], %gather3A_707 : memref<256x128xf32, #tpu.memory_space<vmem>>[vector<16xi32>, vector<16xi32>], vector<16xf32>,
        %broadcast_in_dim3A_708 = arith.constant 106 : i32
        %broadcast_in_dim3A_709 = vector.broadcast %broadcast_in_dim3A_708 : i32 to vector<16xi32>
        %add3A_710 = arith.constant 106 : i32
        %add3A_711 = vector.broadcast %add3A_710 : i32 to vector<16xi32>
        %add3A_712 = arith.addi %mul3A_73, %add3A_711 : vector<16xi32>
        %gather3A_713 = tpu.vector_load_idx %arg6[%add3A_712] : memref<8192xf32, #tpu.memory_space<vmem>>[vector<16xi32>], vector<16xf32>,
        tpu.vector_store_idx %arg8[%add3A_70, %broadcast_in_dim3A_709], %gather3A_713 : memref<256x128xf32, #tpu.memory_space<vmem>>[vector<16xi32>, vector<16xi32>], vector<16xf32>,
        %broadcast_in_dim3A_714 = arith.constant 107 : i32
        %broadcast_in_dim3A_715 = vector.broadcast %broadcast_in_dim3A_714 : i32 to vector<16xi32>
        %add3A_716 = arith.constant 107 : i32
        %add3A_717 = vector.broadcast %add3A_716 : i32 to vector<16xi32>
        %add3A_718 = arith.addi %mul3A_73, %add3A_717 : vector<16xi32>
        %gather3A_719 = tpu.vector_load_idx %arg6[%add3A_718] : memref<8192xf32, #tpu.memory_space<vmem>>[vector<16xi32>], vector<16xf32>,
        tpu.vector_store_idx %arg8[%add3A_70, %broadcast_in_dim3A_715], %gather3A_719 : memref<256x128xf32, #tpu.memory_space<vmem>>[vector<16xi32>, vector<16xi32>], vector<16xf32>,
        %broadcast_in_dim3A_720 = arith.constant 108 : i32
        %broadcast_in_dim3A_721 = vector.broadcast %broadcast_in_dim3A_720 : i32 to vector<16xi32>
        %add3A_722 = arith.constant 108 : i32
        %add3A_723 = vector.broadcast %add3A_722 : i32 to vector<16xi32>
        %add3A_724 = arith.addi %mul3A_73, %add3A_723 : vector<16xi32>
        %gather3A_725 = tpu.vector_load_idx %arg6[%add3A_724] : memref<8192xf32, #tpu.memory_space<vmem>>[vector<16xi32>], vector<16xf32>,
        tpu.vector_store_idx %arg8[%add3A_70, %broadcast_in_dim3A_721], %gather3A_725 : memref<256x128xf32, #tpu.memory_space<vmem>>[vector<16xi32>, vector<16xi32>], vector<16xf32>,
        %broadcast_in_dim3A_726 = arith.constant 109 : i32
        %broadcast_in_dim3A_727 = vector.broadcast %broadcast_in_dim3A_726 : i32 to vector<16xi32>
        %add3A_728 = arith.constant 109 : i32
        %add3A_729 = vector.broadcast %add3A_728 : i32 to vector<16xi32>
        %add3A_730 = arith.addi %mul3A_73, %add3A_729 : vector<16xi32>
        %gather3A_731 = tpu.vector_load_idx %arg6[%add3A_730] : memref<8192xf32, #tpu.memory_space<vmem>>[vector<16xi32>], vector<16xf32>,
        tpu.vector_store_idx %arg8[%add3A_70, %broadcast_in_dim3A_727], %gather3A_731 : memref<256x128xf32, #tpu.memory_space<vmem>>[vector<16xi32>, vector<16xi32>], vector<16xf32>,
        %broadcast_in_dim3A_732 = arith.constant 110 : i32
        %broadcast_in_dim3A_733 = vector.broadcast %broadcast_in_dim3A_732 : i32 to vector<16xi32>
        %add3A_734 = arith.constant 110 : i32
        %add3A_735 = vector.broadcast %add3A_734 : i32 to vector<16xi32>
        %add3A_736 = arith.addi %mul3A_73, %add3A_735 : vector<16xi32>
        %gather3A_737 = tpu.vector_load_idx %arg6[%add3A_736] : memref<8192xf32, #tpu.memory_space<vmem>>[vector<16xi32>], vector<16xf32>,
        tpu.vector_store_idx %arg8[%add3A_70, %broadcast_in_dim3A_733], %gather3A_737 : memref<256x128xf32, #tpu.memory_space<vmem>>[vector<16xi32>, vector<16xi32>], vector<16xf32>,
        %broadcast_in_dim3A_738 = arith.constant 111 : i32
        %broadcast_in_dim3A_739 = vector.broadcast %broadcast_in_dim3A_738 : i32 to vector<16xi32>
        %add3A_740 = arith.constant 111 : i32
        %add3A_741 = vector.broadcast %add3A_740 : i32 to vector<16xi32>
        %add3A_742 = arith.addi %mul3A_73, %add3A_741 : vector<16xi32>
        %gather3A_743 = tpu.vector_load_idx %arg6[%add3A_742] : memref<8192xf32, #tpu.memory_space<vmem>>[vector<16xi32>], vector<16xf32>,
        tpu.vector_store_idx %arg8[%add3A_70, %broadcast_in_dim3A_739], %gather3A_743 : memref<256x128xf32, #tpu.memory_space<vmem>>[vector<16xi32>, vector<16xi32>], vector<16xf32>,
        %broadcast_in_dim3A_744 = arith.constant 112 : i32
        %broadcast_in_dim3A_745 = vector.broadcast %broadcast_in_dim3A_744 : i32 to vector<16xi32>
        %add3A_746 = arith.constant 112 : i32
        %add3A_747 = vector.broadcast %add3A_746 : i32 to vector<16xi32>
        %add3A_748 = arith.addi %mul3A_73, %add3A_747 : vector<16xi32>
        %gather3A_749 = tpu.vector_load_idx %arg6[%add3A_748] : memref<8192xf32, #tpu.memory_space<vmem>>[vector<16xi32>], vector<16xf32>,
        tpu.vector_store_idx %arg8[%add3A_70, %broadcast_in_dim3A_745], %gather3A_749 : memref<256x128xf32, #tpu.memory_space<vmem>>[vector<16xi32>, vector<16xi32>], vector<16xf32>,
        %broadcast_in_dim3A_750 = arith.constant 113 : i32
        %broadcast_in_dim3A_751 = vector.broadcast %broadcast_in_dim3A_750 : i32 to vector<16xi32>
        %add3A_752 = arith.constant 113 : i32
        %add3A_753 = vector.broadcast %add3A_752 : i32 to vector<16xi32>
        %add3A_754 = arith.addi %mul3A_73, %add3A_753 : vector<16xi32>
        %gather3A_755 = tpu.vector_load_idx %arg6[%add3A_754] : memref<8192xf32, #tpu.memory_space<vmem>>[vector<16xi32>], vector<16xf32>,
        tpu.vector_store_idx %arg8[%add3A_70, %broadcast_in_dim3A_751], %gather3A_755 : memref<256x128xf32, #tpu.memory_space<vmem>>[vector<16xi32>, vector<16xi32>], vector<16xf32>,
        %broadcast_in_dim3A_756 = arith.constant 114 : i32
        %broadcast_in_dim3A_757 = vector.broadcast %broadcast_in_dim3A_756 : i32 to vector<16xi32>
        %add3A_758 = arith.constant 114 : i32
        %add3A_759 = vector.broadcast %add3A_758 : i32 to vector<16xi32>
        %add3A_760 = arith.addi %mul3A_73, %add3A_759 : vector<16xi32>
        %gather3A_761 = tpu.vector_load_idx %arg6[%add3A_760] : memref<8192xf32, #tpu.memory_space<vmem>>[vector<16xi32>], vector<16xf32>,
        tpu.vector_store_idx %arg8[%add3A_70, %broadcast_in_dim3A_757], %gather3A_761 : memref<256x128xf32, #tpu.memory_space<vmem>>[vector<16xi32>, vector<16xi32>], vector<16xf32>,
        %broadcast_in_dim3A_762 = arith.constant 115 : i32
        %broadcast_in_dim3A_763 = vector.broadcast %broadcast_in_dim3A_762 : i32 to vector<16xi32>
        %add3A_764 = arith.constant 115 : i32
        %add3A_765 = vector.broadcast %add3A_764 : i32 to vector<16xi32>
        %add3A_766 = arith.addi %mul3A_73, %add3A_765 : vector<16xi32>
        %gather3A_767 = tpu.vector_load_idx %arg6[%add3A_766] : memref<8192xf32, #tpu.memory_space<vmem>>[vector<16xi32>], vector<16xf32>,
        tpu.vector_store_idx %arg8[%add3A_70, %broadcast_in_dim3A_763], %gather3A_767 : memref<256x128xf32, #tpu.memory_space<vmem>>[vector<16xi32>, vector<16xi32>], vector<16xf32>,
        %broadcast_in_dim3A_768 = arith.constant 116 : i32
        %broadcast_in_dim3A_769 = vector.broadcast %broadcast_in_dim3A_768 : i32 to vector<16xi32>
        %add3A_770 = arith.constant 116 : i32
        %add3A_771 = vector.broadcast %add3A_770 : i32 to vector<16xi32>
        %add3A_772 = arith.addi %mul3A_73, %add3A_771 : vector<16xi32>
        %gather3A_773 = tpu.vector_load_idx %arg6[%add3A_772] : memref<8192xf32, #tpu.memory_space<vmem>>[vector<16xi32>], vector<16xf32>,
        tpu.vector_store_idx %arg8[%add3A_70, %broadcast_in_dim3A_769], %gather3A_773 : memref<256x128xf32, #tpu.memory_space<vmem>>[vector<16xi32>, vector<16xi32>], vector<16xf32>,
        %broadcast_in_dim3A_774 = arith.constant 117 : i32
        %broadcast_in_dim3A_775 = vector.broadcast %broadcast_in_dim3A_774 : i32 to vector<16xi32>
        %add3A_776 = arith.constant 117 : i32
        %add3A_777 = vector.broadcast %add3A_776 : i32 to vector<16xi32>
        %add3A_778 = arith.addi %mul3A_73, %add3A_777 : vector<16xi32>
        %gather3A_779 = tpu.vector_load_idx %arg6[%add3A_778] : memref<8192xf32, #tpu.memory_space<vmem>>[vector<16xi32>], vector<16xf32>,
        tpu.vector_store_idx %arg8[%add3A_70, %broadcast_in_dim3A_775], %gather3A_779 : memref<256x128xf32, #tpu.memory_space<vmem>>[vector<16xi32>, vector<16xi32>], vector<16xf32>,
        %broadcast_in_dim3A_780 = arith.constant 118 : i32
        %broadcast_in_dim3A_781 = vector.broadcast %broadcast_in_dim3A_780 : i32 to vector<16xi32>
        %add3A_782 = arith.constant 118 : i32
        %add3A_783 = vector.broadcast %add3A_782 : i32 to vector<16xi32>
        %add3A_784 = arith.addi %mul3A_73, %add3A_783 : vector<16xi32>
        %gather3A_785 = tpu.vector_load_idx %arg6[%add3A_784] : memref<8192xf32, #tpu.memory_space<vmem>>[vector<16xi32>], vector<16xf32>,
        tpu.vector_store_idx %arg8[%add3A_70, %broadcast_in_dim3A_781], %gather3A_785 : memref<256x128xf32, #tpu.memory_space<vmem>>[vector<16xi32>, vector<16xi32>], vector<16xf32>,
        %broadcast_in_dim3A_786 = arith.constant 119 : i32
        %broadcast_in_dim3A_787 = vector.broadcast %broadcast_in_dim3A_786 : i32 to vector<16xi32>
        %add3A_788 = arith.constant 119 : i32
        %add3A_789 = vector.broadcast %add3A_788 : i32 to vector<16xi32>
        %add3A_790 = arith.addi %mul3A_73, %add3A_789 : vector<16xi32>
        %gather3A_791 = tpu.vector_load_idx %arg6[%add3A_790] : memref<8192xf32, #tpu.memory_space<vmem>>[vector<16xi32>], vector<16xf32>,
        tpu.vector_store_idx %arg8[%add3A_70, %broadcast_in_dim3A_787], %gather3A_791 : memref<256x128xf32, #tpu.memory_space<vmem>>[vector<16xi32>, vector<16xi32>], vector<16xf32>,
        %broadcast_in_dim3A_792 = arith.constant 120 : i32
        %broadcast_in_dim3A_793 = vector.broadcast %broadcast_in_dim3A_792 : i32 to vector<16xi32>
        %add3A_794 = arith.constant 120 : i32
        %add3A_795 = vector.broadcast %add3A_794 : i32 to vector<16xi32>
        %add3A_796 = arith.addi %mul3A_73, %add3A_795 : vector<16xi32>
        %gather3A_797 = tpu.vector_load_idx %arg6[%add3A_796] : memref<8192xf32, #tpu.memory_space<vmem>>[vector<16xi32>], vector<16xf32>,
        tpu.vector_store_idx %arg8[%add3A_70, %broadcast_in_dim3A_793], %gather3A_797 : memref<256x128xf32, #tpu.memory_space<vmem>>[vector<16xi32>, vector<16xi32>], vector<16xf32>,
        %broadcast_in_dim3A_798 = arith.constant 121 : i32
        %broadcast_in_dim3A_799 = vector.broadcast %broadcast_in_dim3A_798 : i32 to vector<16xi32>
        %add3A_800 = arith.constant 121 : i32
        %add3A_801 = vector.broadcast %add3A_800 : i32 to vector<16xi32>
        %add3A_802 = arith.addi %mul3A_73, %add3A_801 : vector<16xi32>
        %gather3A_803 = tpu.vector_load_idx %arg6[%add3A_802] : memref<8192xf32, #tpu.memory_space<vmem>>[vector<16xi32>], vector<16xf32>,
        tpu.vector_store_idx %arg8[%add3A_70, %broadcast_in_dim3A_799], %gather3A_803 : memref<256x128xf32, #tpu.memory_space<vmem>>[vector<16xi32>, vector<16xi32>], vector<16xf32>,
        %broadcast_in_dim3A_804 = arith.constant 122 : i32
        %broadcast_in_dim3A_805 = vector.broadcast %broadcast_in_dim3A_804 : i32 to vector<16xi32>
        %add3A_806 = arith.constant 122 : i32
        %add3A_807 = vector.broadcast %add3A_806 : i32 to vector<16xi32>
        %add3A_808 = arith.addi %mul3A_73, %add3A_807 : vector<16xi32>
        %gather3A_809 = tpu.vector_load_idx %arg6[%add3A_808] : memref<8192xf32, #tpu.memory_space<vmem>>[vector<16xi32>], vector<16xf32>,
        tpu.vector_store_idx %arg8[%add3A_70, %broadcast_in_dim3A_805], %gather3A_809 : memref<256x128xf32, #tpu.memory_space<vmem>>[vector<16xi32>, vector<16xi32>], vector<16xf32>,
        %broadcast_in_dim3A_810 = arith.constant 123 : i32
        %broadcast_in_dim3A_811 = vector.broadcast %broadcast_in_dim3A_810 : i32 to vector<16xi32>
        %add3A_812 = arith.constant 123 : i32
        %add3A_813 = vector.broadcast %add3A_812 : i32 to vector<16xi32>
        %add3A_814 = arith.addi %mul3A_73, %add3A_813 : vector<16xi32>
        %gather3A_815 = tpu.vector_load_idx %arg6[%add3A_814] : memref<8192xf32, #tpu.memory_space<vmem>>[vector<16xi32>], vector<16xf32>,
        tpu.vector_store_idx %arg8[%add3A_70, %broadcast_in_dim3A_811], %gather3A_815 : memref<256x128xf32, #tpu.memory_space<vmem>>[vector<16xi32>, vector<16xi32>], vector<16xf32>,
        %broadcast_in_dim3A_816 = arith.constant 124 : i32
        %broadcast_in_dim3A_817 = vector.broadcast %broadcast_in_dim3A_816 : i32 to vector<16xi32>
        %add3A_818 = arith.constant 124 : i32
        %add3A_819 = vector.broadcast %add3A_818 : i32 to vector<16xi32>
        %add3A_820 = arith.addi %mul3A_73, %add3A_819 : vector<16xi32>
        %gather3A_821 = tpu.vector_load_idx %arg6[%add3A_820] : memref<8192xf32, #tpu.memory_space<vmem>>[vector<16xi32>], vector<16xf32>,
        tpu.vector_store_idx %arg8[%add3A_70, %broadcast_in_dim3A_817], %gather3A_821 : memref<256x128xf32, #tpu.memory_space<vmem>>[vector<16xi32>, vector<16xi32>], vector<16xf32>,
        %broadcast_in_dim3A_822 = arith.constant 125 : i32
        %broadcast_in_dim3A_823 = vector.broadcast %broadcast_in_dim3A_822 : i32 to vector<16xi32>
        %add3A_824 = arith.constant 125 : i32
        %add3A_825 = vector.broadcast %add3A_824 : i32 to vector<16xi32>
        %add3A_826 = arith.addi %mul3A_73, %add3A_825 : vector<16xi32>
        %gather3A_827 = tpu.vector_load_idx %arg6[%add3A_826] : memref<8192xf32, #tpu.memory_space<vmem>>[vector<16xi32>], vector<16xf32>,
        tpu.vector_store_idx %arg8[%add3A_70, %broadcast_in_dim3A_823], %gather3A_827 : memref<256x128xf32, #tpu.memory_space<vmem>>[vector<16xi32>, vector<16xi32>], vector<16xf32>,
        %broadcast_in_dim3A_828 = arith.constant 126 : i32
        %broadcast_in_dim3A_829 = vector.broadcast %broadcast_in_dim3A_828 : i32 to vector<16xi32>
        %add3A_830 = arith.constant 126 : i32
        %add3A_831 = vector.broadcast %add3A_830 : i32 to vector<16xi32>
        %add3A_832 = arith.addi %mul3A_73, %add3A_831 : vector<16xi32>
        %gather3A_833 = tpu.vector_load_idx %arg6[%add3A_832] : memref<8192xf32, #tpu.memory_space<vmem>>[vector<16xi32>], vector<16xf32>,
        tpu.vector_store_idx %arg8[%add3A_70, %broadcast_in_dim3A_829], %gather3A_833 : memref<256x128xf32, #tpu.memory_space<vmem>>[vector<16xi32>, vector<16xi32>], vector<16xf32>,
        %broadcast_in_dim3A_834 = arith.constant 127 : i32
        %broadcast_in_dim3A_835 = vector.broadcast %broadcast_in_dim3A_834 : i32 to vector<16xi32>
        %add3A_836 = arith.constant 127 : i32
        %add3A_837 = vector.broadcast %add3A_836 : i32 to vector<16xi32>
        %add3A_838 = arith.addi %mul3A_73, %add3A_837 : vector<16xi32>
        %gather3A_839 = tpu.vector_load_idx %arg6[%add3A_838] : memref<8192xf32, #tpu.memory_space<vmem>>[vector<16xi32>], vector<16xf32>,
        tpu.vector_store_idx %arg8[%add3A_70, %broadcast_in_dim3A_835], %gather3A_839 : memref<256x128xf32, #tpu.memory_space<vmem>>[vector<16xi32>, vector<16xi32>], vector<16xf32>,
      }
      %scan3A_52 = arith.constant 16 : i32
      %mul3A_53 = arith.constant 256 : i32
      %mul3A_54 = arith.muli %add3A_41, %mul3A_53 : i32
      %add3A_55 = arith.addi %mul3A_2, %mul3A_54 : i32
      %dma_start3A_56 = arith.constant 128 : i32
      %dma_start3A_57 = tpu.memref_slice %arg4[%add3A_55, %dma_start3A_56] : memref<524288x256xf32, #tpu.memory_space<hbm>> -> memref<256x128xf32, #tpu.memory_space<hbm>>
      %dma_start3A_58 = arith.constant 128 : i32
      %dma_start3A_59 = tpu.memref_slice %arg4[%add3A_55, %dma_start3A_58] : memref<524288x256xf32, #tpu.memory_space<hbm>> -> memref<256x128xf32, #tpu.memory_space<hbm>>
      tpu.enqueue_dma source(%arg8 : memref<256x128xf32, #tpu.memory_space<vmem>>) target(%dma_start3A_59 : memref<256x128xf32, #tpu.memory_space<hbm>>) target_semaphore(%arg9 : memref<!tpu.dma_semaphore, #tpu.memory_space<semaphore_mem>>)
    }
    %scan3A_7 = arith.constant 32 : i32
    %add3A_8 = arith.constant 15872 : i32
    %add3A_9 = arith.addi %mul3A_2, %add3A_8 : i32
    %dma_wait3A = arith.constant 128 : i32
    %dma_wait3A_10 = tpu.memref_slice %arg4[%add3A_9, %dma_wait3A] : memref<524288x256xf32, #tpu.memory_space<hbm>> -> memref<256x128xf32, #tpu.memory_space<hbm>>
    %dma_wait3A_11 = arith.constant 128 : i32
    %dma_wait3A_12 = tpu.memref_slice %arg4[%add3A_9, %dma_wait3A_11] : memref<524288x256xf32, #tpu.memory_space<hbm>> -> memref<256x128xf32, #tpu.memory_space<hbm>>
    tpu.wait_dma2 semaphore(%arg9 : memref<!tpu.dma_semaphore, #tpu.memory_space<semaphore_mem>>) src(%arg7 : memref<256x128xf32, #tpu.memory_space<vmem>>) dst(%dma_wait3A_12 : memref<256x128xf32, #tpu.memory_space<hbm>>)
    %add3A_13 = arith.constant 16128 : i32
    %add3A_14 = arith.addi %mul3A_2, %add3A_13 : i32
    %dma_wait3A_15 = arith.constant 128 : i32
    %dma_wait3A_16 = tpu.memref_slice %arg4[%add3A_14, %dma_wait3A_15] : memref<524288x256xf32, #tpu.memory_space<hbm>> -> memref<256x128xf32, #tpu.memory_space<hbm>>
    %dma_wait3A_17 = arith.constant 128 : i32
    %dma_wait3A_18 = tpu.memref_slice %arg4[%add3A_14, %dma_wait3A_17] : memref<524288x256xf32, #tpu.memory_space<hbm>> -> memref<256x128xf32, #tpu.memory_space<hbm>>
    tpu.wait_dma2 semaphore(%arg9 : memref<!tpu.dma_semaphore, #tpu.memory_space<semaphore_mem>>) src(%arg8 : memref<256x128xf32, #tpu.memory_space<vmem>>) dst(%dma_wait3A_18 : memref<256x128xf32, #tpu.memory_space<hbm>>)
    return
  }
}

module attributes {stable_mosaic.version = 14 : i64} {
  func.func @_tc_body(%arg0: i32, %arg1: memref<32x4x128xf32, #tpu.memory_space<vmem>>, %arg2: memref<4x128xf32, #tpu.memory_space<vmem>>, %arg3: memref<1x128xf32, #tpu.memory_space<vmem>>, %arg4: memref<524288x256xf32, #tpu.memory_space<hbm>>, %arg5: memref<4096x128xf32, #tpu.memory_space<vmem>>) attributes {dimension_semantics = [#tpu.dimension_semantics<parallel>], iteration_bounds = array<i64: 128>, scalar_prefetch = 0 : i64, scratch_operands = 0 : i64, tpu.core_type = #tpu.core_type<tc>, window_params = [{transform_indices = @transform_0, window_bounds = array<i64: 32, 4, 128>}, {pipeline_mode = #tpu.pipeline_mode<synchronous>, transform_indices = @transform_1, window_bounds = array<i64: 4, 128>}, {pipeline_mode = #tpu.pipeline_mode<synchronous>, transform_indices = @transform_2, window_bounds = array<i64: 1, 128>}, {}, {transform_indices = @transform_4, window_bounds = array<i64: 4096, 128>}]} {
    %get3A = arith.constant 0 : index
    %get3A_0 = arith.constant 0 : index
    %get3A_1 = arith.constant 0 : index
    %get3A_2 = vector.load %arg1[%get3A, %get3A_0, %get3A_1] : memref<32x4x128xf32, #tpu.memory_space<vmem>>, vector<1x4x128xf32>
    %get3A_3 = vector.shape_cast %get3A_2 : vector<1x4x128xf32> to vector<4x128xf32>
    %get3A_4 = arith.constant 0 : index
    %get3A_5 = arith.constant 0 : index
    %get3A_6 = vector.load %arg2[%get3A_4, %get3A_5] : memref<4x128xf32, #tpu.memory_space<vmem>>, vector<4x128xf32>
    %dot_general3A = arith.constant dense<0.000000e+00> : vector<128x128xf32>
    %dot_general3A_7 = tpu.matmul %get3A_3, %get3A_6, %dot_general3A {dimension_numbers = #tpu.dot_dimension_numbers<[0], [0], [1], [1], [0, 1, 1, 1], [], []>, transpose_lhs_hint = false} : vector<4x128xf32>, vector<4x128xf32>, vector<128x128xf32> -> vector<128x128xf32>
    %get3A_8 = arith.constant 0 : index
    %get3A_9 = arith.constant 0 : index
    %get3A_10 = vector.load %arg3[%get3A_8, %get3A_9] : memref<1x128xf32, #tpu.memory_space<vmem>>, vector<1x128xf32>
    %add3A = vector.broadcast %get3A_10 : vector<1x128xf32> to vector<128x128xf32>
    %add3A_11 = arith.addf %dot_general3A_7, %add3A : vector<128x128xf32>
    %swap3A = arith.constant 0 : index
    %swap3A_12 = arith.constant 0 : index
    %swap3A_13 = vector.load %arg5[%swap3A, %swap3A_12] : memref<4096x128xf32, #tpu.memory_space<vmem>>, vector<128x128xf32>
    tpu.vector_store %arg5[%swap3A, %swap3A_12], %add3A_11 {strides = array<i32>} : memref<4096x128xf32, #tpu.memory_space<vmem>>, vector<128x128xf32>,
    %get3A_14 = arith.constant 1 : index
    %get3A_15 = arith.constant 0 : index
    %get3A_16 = arith.constant 0 : index
    %get3A_17 = vector.load %arg1[%get3A_14, %get3A_15, %get3A_16] : memref<32x4x128xf32, #tpu.memory_space<vmem>>, vector<1x4x128xf32>
    %get3A_18 = vector.shape_cast %get3A_17 : vector<1x4x128xf32> to vector<4x128xf32>
    %get3A_19 = arith.constant 0 : index
    %get3A_20 = arith.constant 0 : index
    %get3A_21 = vector.load %arg2[%get3A_19, %get3A_20] : memref<4x128xf32, #tpu.memory_space<vmem>>, vector<4x128xf32>
    %dot_general3A_22 = arith.constant dense<0.000000e+00> : vector<128x128xf32>
    %dot_general3A_23 = tpu.matmul %get3A_18, %get3A_21, %dot_general3A_22 {dimension_numbers = #tpu.dot_dimension_numbers<[0], [0], [1], [1], [0, 1, 1, 1], [], []>, transpose_lhs_hint = false} : vector<4x128xf32>, vector<4x128xf32>, vector<128x128xf32> -> vector<128x128xf32>
    %get3A_24 = arith.constant 0 : index
    %get3A_25 = arith.constant 0 : index
    %get3A_26 = vector.load %arg3[%get3A_24, %get3A_25] : memref<1x128xf32, #tpu.memory_space<vmem>>, vector<1x128xf32>
    %add3A_27 = vector.broadcast %get3A_26 : vector<1x128xf32> to vector<128x128xf32>
    %add3A_28 = arith.addf %dot_general3A_23, %add3A_27 : vector<128x128xf32>
    %swap3A_29 = arith.constant 128 : index
    %swap3A_30 = arith.constant 0 : index
    %swap3A_31 = vector.load %arg5[%swap3A_29, %swap3A_30] : memref<4096x128xf32, #tpu.memory_space<vmem>>, vector<128x128xf32>
    tpu.vector_store %arg5[%swap3A_29, %swap3A_30], %add3A_28 {strides = array<i32>} : memref<4096x128xf32, #tpu.memory_space<vmem>>, vector<128x128xf32>,
    %get3A_32 = arith.constant 2 : index
    %get3A_33 = arith.constant 0 : index
    %get3A_34 = arith.constant 0 : index
    %get3A_35 = vector.load %arg1[%get3A_32, %get3A_33, %get3A_34] : memref<32x4x128xf32, #tpu.memory_space<vmem>>, vector<1x4x128xf32>
    %get3A_36 = vector.shape_cast %get3A_35 : vector<1x4x128xf32> to vector<4x128xf32>
    %get3A_37 = arith.constant 0 : index
    %get3A_38 = arith.constant 0 : index
    %get3A_39 = vector.load %arg2[%get3A_37, %get3A_38] : memref<4x128xf32, #tpu.memory_space<vmem>>, vector<4x128xf32>
    %dot_general3A_40 = arith.constant dense<0.000000e+00> : vector<128x128xf32>
    %dot_general3A_41 = tpu.matmul %get3A_36, %get3A_39, %dot_general3A_40 {dimension_numbers = #tpu.dot_dimension_numbers<[0], [0], [1], [1], [0, 1, 1, 1], [], []>, transpose_lhs_hint = false} : vector<4x128xf32>, vector<4x128xf32>, vector<128x128xf32> -> vector<128x128xf32>
    %get3A_42 = arith.constant 0 : index
    %get3A_43 = arith.constant 0 : index
    %get3A_44 = vector.load %arg3[%get3A_42, %get3A_43] : memref<1x128xf32, #tpu.memory_space<vmem>>, vector<1x128xf32>
    %add3A_45 = vector.broadcast %get3A_44 : vector<1x128xf32> to vector<128x128xf32>
    %add3A_46 = arith.addf %dot_general3A_41, %add3A_45 : vector<128x128xf32>
    %swap3A_47 = arith.constant 256 : index
    %swap3A_48 = arith.constant 0 : index
    %swap3A_49 = vector.load %arg5[%swap3A_47, %swap3A_48] : memref<4096x128xf32, #tpu.memory_space<vmem>>, vector<128x128xf32>
    tpu.vector_store %arg5[%swap3A_47, %swap3A_48], %add3A_46 {strides = array<i32>} : memref<4096x128xf32, #tpu.memory_space<vmem>>, vector<128x128xf32>,
    %get3A_50 = arith.constant 3 : index
    %get3A_51 = arith.constant 0 : index
    %get3A_52 = arith.constant 0 : index
    %get3A_53 = vector.load %arg1[%get3A_50, %get3A_51, %get3A_52] : memref<32x4x128xf32, #tpu.memory_space<vmem>>, vector<1x4x128xf32>
    %get3A_54 = vector.shape_cast %get3A_53 : vector<1x4x128xf32> to vector<4x128xf32>
    %get3A_55 = arith.constant 0 : index
    %get3A_56 = arith.constant 0 : index
    %get3A_57 = vector.load %arg2[%get3A_55, %get3A_56] : memref<4x128xf32, #tpu.memory_space<vmem>>, vector<4x128xf32>
    %dot_general3A_58 = arith.constant dense<0.000000e+00> : vector<128x128xf32>
    %dot_general3A_59 = tpu.matmul %get3A_54, %get3A_57, %dot_general3A_58 {dimension_numbers = #tpu.dot_dimension_numbers<[0], [0], [1], [1], [0, 1, 1, 1], [], []>, transpose_lhs_hint = false} : vector<4x128xf32>, vector<4x128xf32>, vector<128x128xf32> -> vector<128x128xf32>
    %get3A_60 = arith.constant 0 : index
    %get3A_61 = arith.constant 0 : index
    %get3A_62 = vector.load %arg3[%get3A_60, %get3A_61] : memref<1x128xf32, #tpu.memory_space<vmem>>, vector<1x128xf32>
    %add3A_63 = vector.broadcast %get3A_62 : vector<1x128xf32> to vector<128x128xf32>
    %add3A_64 = arith.addf %dot_general3A_59, %add3A_63 : vector<128x128xf32>
    %swap3A_65 = arith.constant 384 : index
    %swap3A_66 = arith.constant 0 : index
    %swap3A_67 = vector.load %arg5[%swap3A_65, %swap3A_66] : memref<4096x128xf32, #tpu.memory_space<vmem>>, vector<128x128xf32>
    tpu.vector_store %arg5[%swap3A_65, %swap3A_66], %add3A_64 {strides = array<i32>} : memref<4096x128xf32, #tpu.memory_space<vmem>>, vector<128x128xf32>,
    %get3A_68 = arith.constant 4 : index
    %get3A_69 = arith.constant 0 : index
    %get3A_70 = arith.constant 0 : index
    %get3A_71 = vector.load %arg1[%get3A_68, %get3A_69, %get3A_70] : memref<32x4x128xf32, #tpu.memory_space<vmem>>, vector<1x4x128xf32>
    %get3A_72 = vector.shape_cast %get3A_71 : vector<1x4x128xf32> to vector<4x128xf32>
    %get3A_73 = arith.constant 0 : index
    %get3A_74 = arith.constant 0 : index
    %get3A_75 = vector.load %arg2[%get3A_73, %get3A_74] : memref<4x128xf32, #tpu.memory_space<vmem>>, vector<4x128xf32>
    %dot_general3A_76 = arith.constant dense<0.000000e+00> : vector<128x128xf32>
    %dot_general3A_77 = tpu.matmul %get3A_72, %get3A_75, %dot_general3A_76 {dimension_numbers = #tpu.dot_dimension_numbers<[0], [0], [1], [1], [0, 1, 1, 1], [], []>, transpose_lhs_hint = false} : vector<4x128xf32>, vector<4x128xf32>, vector<128x128xf32> -> vector<128x128xf32>
    %get3A_78 = arith.constant 0 : index
    %get3A_79 = arith.constant 0 : index
    %get3A_80 = vector.load %arg3[%get3A_78, %get3A_79] : memref<1x128xf32, #tpu.memory_space<vmem>>, vector<1x128xf32>
    %add3A_81 = vector.broadcast %get3A_80 : vector<1x128xf32> to vector<128x128xf32>
    %add3A_82 = arith.addf %dot_general3A_77, %add3A_81 : vector<128x128xf32>
    %swap3A_83 = arith.constant 512 : index
    %swap3A_84 = arith.constant 0 : index
    %swap3A_85 = vector.load %arg5[%swap3A_83, %swap3A_84] : memref<4096x128xf32, #tpu.memory_space<vmem>>, vector<128x128xf32>
    tpu.vector_store %arg5[%swap3A_83, %swap3A_84], %add3A_82 {strides = array<i32>} : memref<4096x128xf32, #tpu.memory_space<vmem>>, vector<128x128xf32>,
    %get3A_86 = arith.constant 5 : index
    %get3A_87 = arith.constant 0 : index
    %get3A_88 = arith.constant 0 : index
    %get3A_89 = vector.load %arg1[%get3A_86, %get3A_87, %get3A_88] : memref<32x4x128xf32, #tpu.memory_space<vmem>>, vector<1x4x128xf32>
    %get3A_90 = vector.shape_cast %get3A_89 : vector<1x4x128xf32> to vector<4x128xf32>
    %get3A_91 = arith.constant 0 : index
    %get3A_92 = arith.constant 0 : index
    %get3A_93 = vector.load %arg2[%get3A_91, %get3A_92] : memref<4x128xf32, #tpu.memory_space<vmem>>, vector<4x128xf32>
    %dot_general3A_94 = arith.constant dense<0.000000e+00> : vector<128x128xf32>
    %dot_general3A_95 = tpu.matmul %get3A_90, %get3A_93, %dot_general3A_94 {dimension_numbers = #tpu.dot_dimension_numbers<[0], [0], [1], [1], [0, 1, 1, 1], [], []>, transpose_lhs_hint = false} : vector<4x128xf32>, vector<4x128xf32>, vector<128x128xf32> -> vector<128x128xf32>
    %get3A_96 = arith.constant 0 : index
    %get3A_97 = arith.constant 0 : index
    %get3A_98 = vector.load %arg3[%get3A_96, %get3A_97] : memref<1x128xf32, #tpu.memory_space<vmem>>, vector<1x128xf32>
    %add3A_99 = vector.broadcast %get3A_98 : vector<1x128xf32> to vector<128x128xf32>
    %add3A_100 = arith.addf %dot_general3A_95, %add3A_99 : vector<128x128xf32>
    %swap3A_101 = arith.constant 640 : index
    %swap3A_102 = arith.constant 0 : index
    %swap3A_103 = vector.load %arg5[%swap3A_101, %swap3A_102] : memref<4096x128xf32, #tpu.memory_space<vmem>>, vector<128x128xf32>
    tpu.vector_store %arg5[%swap3A_101, %swap3A_102], %add3A_100 {strides = array<i32>} : memref<4096x128xf32, #tpu.memory_space<vmem>>, vector<128x128xf32>,
    %get3A_104 = arith.constant 6 : index
    %get3A_105 = arith.constant 0 : index
    %get3A_106 = arith.constant 0 : index
    %get3A_107 = vector.load %arg1[%get3A_104, %get3A_105, %get3A_106] : memref<32x4x128xf32, #tpu.memory_space<vmem>>, vector<1x4x128xf32>
    %get3A_108 = vector.shape_cast %get3A_107 : vector<1x4x128xf32> to vector<4x128xf32>
    %get3A_109 = arith.constant 0 : index
    %get3A_110 = arith.constant 0 : index
    %get3A_111 = vector.load %arg2[%get3A_109, %get3A_110] : memref<4x128xf32, #tpu.memory_space<vmem>>, vector<4x128xf32>
    %dot_general3A_112 = arith.constant dense<0.000000e+00> : vector<128x128xf32>
    %dot_general3A_113 = tpu.matmul %get3A_108, %get3A_111, %dot_general3A_112 {dimension_numbers = #tpu.dot_dimension_numbers<[0], [0], [1], [1], [0, 1, 1, 1], [], []>, transpose_lhs_hint = false} : vector<4x128xf32>, vector<4x128xf32>, vector<128x128xf32> -> vector<128x128xf32>
    %get3A_114 = arith.constant 0 : index
    %get3A_115 = arith.constant 0 : index
    %get3A_116 = vector.load %arg3[%get3A_114, %get3A_115] : memref<1x128xf32, #tpu.memory_space<vmem>>, vector<1x128xf32>
    %add3A_117 = vector.broadcast %get3A_116 : vector<1x128xf32> to vector<128x128xf32>
    %add3A_118 = arith.addf %dot_general3A_113, %add3A_117 : vector<128x128xf32>
    %swap3A_119 = arith.constant 768 : index
    %swap3A_120 = arith.constant 0 : index
    %swap3A_121 = vector.load %arg5[%swap3A_119, %swap3A_120] : memref<4096x128xf32, #tpu.memory_space<vmem>>, vector<128x128xf32>
    tpu.vector_store %arg5[%swap3A_119, %swap3A_120], %add3A_118 {strides = array<i32>} : memref<4096x128xf32, #tpu.memory_space<vmem>>, vector<128x128xf32>,
    %get3A_122 = arith.constant 7 : index
    %get3A_123 = arith.constant 0 : index
    %get3A_124 = arith.constant 0 : index
    %get3A_125 = vector.load %arg1[%get3A_122, %get3A_123, %get3A_124] : memref<32x4x128xf32, #tpu.memory_space<vmem>>, vector<1x4x128xf32>
    %get3A_126 = vector.shape_cast %get3A_125 : vector<1x4x128xf32> to vector<4x128xf32>
    %get3A_127 = arith.constant 0 : index
    %get3A_128 = arith.constant 0 : index
    %get3A_129 = vector.load %arg2[%get3A_127, %get3A_128] : memref<4x128xf32, #tpu.memory_space<vmem>>, vector<4x128xf32>
    %dot_general3A_130 = arith.constant dense<0.000000e+00> : vector<128x128xf32>
    %dot_general3A_131 = tpu.matmul %get3A_126, %get3A_129, %dot_general3A_130 {dimension_numbers = #tpu.dot_dimension_numbers<[0], [0], [1], [1], [0, 1, 1, 1], [], []>, transpose_lhs_hint = false} : vector<4x128xf32>, vector<4x128xf32>, vector<128x128xf32> -> vector<128x128xf32>
    %get3A_132 = arith.constant 0 : index
    %get3A_133 = arith.constant 0 : index
    %get3A_134 = vector.load %arg3[%get3A_132, %get3A_133] : memref<1x128xf32, #tpu.memory_space<vmem>>, vector<1x128xf32>
    %add3A_135 = vector.broadcast %get3A_134 : vector<1x128xf32> to vector<128x128xf32>
    %add3A_136 = arith.addf %dot_general3A_131, %add3A_135 : vector<128x128xf32>
    %swap3A_137 = arith.constant 896 : index
    %swap3A_138 = arith.constant 0 : index
    %swap3A_139 = vector.load %arg5[%swap3A_137, %swap3A_138] : memref<4096x128xf32, #tpu.memory_space<vmem>>, vector<128x128xf32>
    tpu.vector_store %arg5[%swap3A_137, %swap3A_138], %add3A_136 {strides = array<i32>} : memref<4096x128xf32, #tpu.memory_space<vmem>>, vector<128x128xf32>,
    %get3A_140 = arith.constant 8 : index
    %get3A_141 = arith.constant 0 : index
    %get3A_142 = arith.constant 0 : index
    %get3A_143 = vector.load %arg1[%get3A_140, %get3A_141, %get3A_142] : memref<32x4x128xf32, #tpu.memory_space<vmem>>, vector<1x4x128xf32>
    %get3A_144 = vector.shape_cast %get3A_143 : vector<1x4x128xf32> to vector<4x128xf32>
    %get3A_145 = arith.constant 0 : index
    %get3A_146 = arith.constant 0 : index
    %get3A_147 = vector.load %arg2[%get3A_145, %get3A_146] : memref<4x128xf32, #tpu.memory_space<vmem>>, vector<4x128xf32>
    %dot_general3A_148 = arith.constant dense<0.000000e+00> : vector<128x128xf32>
    %dot_general3A_149 = tpu.matmul %get3A_144, %get3A_147, %dot_general3A_148 {dimension_numbers = #tpu.dot_dimension_numbers<[0], [0], [1], [1], [0, 1, 1, 1], [], []>, transpose_lhs_hint = false} : vector<4x128xf32>, vector<4x128xf32>, vector<128x128xf32> -> vector<128x128xf32>
    %get3A_150 = arith.constant 0 : index
    %get3A_151 = arith.constant 0 : index
    %get3A_152 = vector.load %arg3[%get3A_150, %get3A_151] : memref<1x128xf32, #tpu.memory_space<vmem>>, vector<1x128xf32>
    %add3A_153 = vector.broadcast %get3A_152 : vector<1x128xf32> to vector<128x128xf32>
    %add3A_154 = arith.addf %dot_general3A_149, %add3A_153 : vector<128x128xf32>
    %swap3A_155 = arith.constant 1024 : index
    %swap3A_156 = arith.constant 0 : index
    %swap3A_157 = vector.load %arg5[%swap3A_155, %swap3A_156] : memref<4096x128xf32, #tpu.memory_space<vmem>>, vector<128x128xf32>
    tpu.vector_store %arg5[%swap3A_155, %swap3A_156], %add3A_154 {strides = array<i32>} : memref<4096x128xf32, #tpu.memory_space<vmem>>, vector<128x128xf32>,
    %get3A_158 = arith.constant 9 : index
    %get3A_159 = arith.constant 0 : index
    %get3A_160 = arith.constant 0 : index
    %get3A_161 = vector.load %arg1[%get3A_158, %get3A_159, %get3A_160] : memref<32x4x128xf32, #tpu.memory_space<vmem>>, vector<1x4x128xf32>
    %get3A_162 = vector.shape_cast %get3A_161 : vector<1x4x128xf32> to vector<4x128xf32>
    %get3A_163 = arith.constant 0 : index
    %get3A_164 = arith.constant 0 : index
    %get3A_165 = vector.load %arg2[%get3A_163, %get3A_164] : memref<4x128xf32, #tpu.memory_space<vmem>>, vector<4x128xf32>
    %dot_general3A_166 = arith.constant dense<0.000000e+00> : vector<128x128xf32>
    %dot_general3A_167 = tpu.matmul %get3A_162, %get3A_165, %dot_general3A_166 {dimension_numbers = #tpu.dot_dimension_numbers<[0], [0], [1], [1], [0, 1, 1, 1], [], []>, transpose_lhs_hint = false} : vector<4x128xf32>, vector<4x128xf32>, vector<128x128xf32> -> vector<128x128xf32>
    %get3A_168 = arith.constant 0 : index
    %get3A_169 = arith.constant 0 : index
    %get3A_170 = vector.load %arg3[%get3A_168, %get3A_169] : memref<1x128xf32, #tpu.memory_space<vmem>>, vector<1x128xf32>
    %add3A_171 = vector.broadcast %get3A_170 : vector<1x128xf32> to vector<128x128xf32>
    %add3A_172 = arith.addf %dot_general3A_167, %add3A_171 : vector<128x128xf32>
    %swap3A_173 = arith.constant 1152 : index
    %swap3A_174 = arith.constant 0 : index
    %swap3A_175 = vector.load %arg5[%swap3A_173, %swap3A_174] : memref<4096x128xf32, #tpu.memory_space<vmem>>, vector<128x128xf32>
    tpu.vector_store %arg5[%swap3A_173, %swap3A_174], %add3A_172 {strides = array<i32>} : memref<4096x128xf32, #tpu.memory_space<vmem>>, vector<128x128xf32>,
    %get3A_176 = arith.constant 10 : index
    %get3A_177 = arith.constant 0 : index
    %get3A_178 = arith.constant 0 : index
    %get3A_179 = vector.load %arg1[%get3A_176, %get3A_177, %get3A_178] : memref<32x4x128xf32, #tpu.memory_space<vmem>>, vector<1x4x128xf32>
    %get3A_180 = vector.shape_cast %get3A_179 : vector<1x4x128xf32> to vector<4x128xf32>
    %get3A_181 = arith.constant 0 : index
    %get3A_182 = arith.constant 0 : index
    %get3A_183 = vector.load %arg2[%get3A_181, %get3A_182] : memref<4x128xf32, #tpu.memory_space<vmem>>, vector<4x128xf32>
    %dot_general3A_184 = arith.constant dense<0.000000e+00> : vector<128x128xf32>
    %dot_general3A_185 = tpu.matmul %get3A_180, %get3A_183, %dot_general3A_184 {dimension_numbers = #tpu.dot_dimension_numbers<[0], [0], [1], [1], [0, 1, 1, 1], [], []>, transpose_lhs_hint = false} : vector<4x128xf32>, vector<4x128xf32>, vector<128x128xf32> -> vector<128x128xf32>
    %get3A_186 = arith.constant 0 : index
    %get3A_187 = arith.constant 0 : index
    %get3A_188 = vector.load %arg3[%get3A_186, %get3A_187] : memref<1x128xf32, #tpu.memory_space<vmem>>, vector<1x128xf32>
    %add3A_189 = vector.broadcast %get3A_188 : vector<1x128xf32> to vector<128x128xf32>
    %add3A_190 = arith.addf %dot_general3A_185, %add3A_189 : vector<128x128xf32>
    %swap3A_191 = arith.constant 1280 : index
    %swap3A_192 = arith.constant 0 : index
    %swap3A_193 = vector.load %arg5[%swap3A_191, %swap3A_192] : memref<4096x128xf32, #tpu.memory_space<vmem>>, vector<128x128xf32>
    tpu.vector_store %arg5[%swap3A_191, %swap3A_192], %add3A_190 {strides = array<i32>} : memref<4096x128xf32, #tpu.memory_space<vmem>>, vector<128x128xf32>,
    %get3A_194 = arith.constant 11 : index
    %get3A_195 = arith.constant 0 : index
    %get3A_196 = arith.constant 0 : index
    %get3A_197 = vector.load %arg1[%get3A_194, %get3A_195, %get3A_196] : memref<32x4x128xf32, #tpu.memory_space<vmem>>, vector<1x4x128xf32>
    %get3A_198 = vector.shape_cast %get3A_197 : vector<1x4x128xf32> to vector<4x128xf32>
    %get3A_199 = arith.constant 0 : index
    %get3A_200 = arith.constant 0 : index
    %get3A_201 = vector.load %arg2[%get3A_199, %get3A_200] : memref<4x128xf32, #tpu.memory_space<vmem>>, vector<4x128xf32>
    %dot_general3A_202 = arith.constant dense<0.000000e+00> : vector<128x128xf32>
    %dot_general3A_203 = tpu.matmul %get3A_198, %get3A_201, %dot_general3A_202 {dimension_numbers = #tpu.dot_dimension_numbers<[0], [0], [1], [1], [0, 1, 1, 1], [], []>, transpose_lhs_hint = false} : vector<4x128xf32>, vector<4x128xf32>, vector<128x128xf32> -> vector<128x128xf32>
    %get3A_204 = arith.constant 0 : index
    %get3A_205 = arith.constant 0 : index
    %get3A_206 = vector.load %arg3[%get3A_204, %get3A_205] : memref<1x128xf32, #tpu.memory_space<vmem>>, vector<1x128xf32>
    %add3A_207 = vector.broadcast %get3A_206 : vector<1x128xf32> to vector<128x128xf32>
    %add3A_208 = arith.addf %dot_general3A_203, %add3A_207 : vector<128x128xf32>
    %swap3A_209 = arith.constant 1408 : index
    %swap3A_210 = arith.constant 0 : index
    %swap3A_211 = vector.load %arg5[%swap3A_209, %swap3A_210] : memref<4096x128xf32, #tpu.memory_space<vmem>>, vector<128x128xf32>
    tpu.vector_store %arg5[%swap3A_209, %swap3A_210], %add3A_208 {strides = array<i32>} : memref<4096x128xf32, #tpu.memory_space<vmem>>, vector<128x128xf32>,
    %get3A_212 = arith.constant 12 : index
    %get3A_213 = arith.constant 0 : index
    %get3A_214 = arith.constant 0 : index
    %get3A_215 = vector.load %arg1[%get3A_212, %get3A_213, %get3A_214] : memref<32x4x128xf32, #tpu.memory_space<vmem>>, vector<1x4x128xf32>
    %get3A_216 = vector.shape_cast %get3A_215 : vector<1x4x128xf32> to vector<4x128xf32>
    %get3A_217 = arith.constant 0 : index
    %get3A_218 = arith.constant 0 : index
    %get3A_219 = vector.load %arg2[%get3A_217, %get3A_218] : memref<4x128xf32, #tpu.memory_space<vmem>>, vector<4x128xf32>
    %dot_general3A_220 = arith.constant dense<0.000000e+00> : vector<128x128xf32>
    %dot_general3A_221 = tpu.matmul %get3A_216, %get3A_219, %dot_general3A_220 {dimension_numbers = #tpu.dot_dimension_numbers<[0], [0], [1], [1], [0, 1, 1, 1], [], []>, transpose_lhs_hint = false} : vector<4x128xf32>, vector<4x128xf32>, vector<128x128xf32> -> vector<128x128xf32>
    %get3A_222 = arith.constant 0 : index
    %get3A_223 = arith.constant 0 : index
    %get3A_224 = vector.load %arg3[%get3A_222, %get3A_223] : memref<1x128xf32, #tpu.memory_space<vmem>>, vector<1x128xf32>
    %add3A_225 = vector.broadcast %get3A_224 : vector<1x128xf32> to vector<128x128xf32>
    %add3A_226 = arith.addf %dot_general3A_221, %add3A_225 : vector<128x128xf32>
    %swap3A_227 = arith.constant 1536 : index
    %swap3A_228 = arith.constant 0 : index
    %swap3A_229 = vector.load %arg5[%swap3A_227, %swap3A_228] : memref<4096x128xf32, #tpu.memory_space<vmem>>, vector<128x128xf32>
    tpu.vector_store %arg5[%swap3A_227, %swap3A_228], %add3A_226 {strides = array<i32>} : memref<4096x128xf32, #tpu.memory_space<vmem>>, vector<128x128xf32>,
    %get3A_230 = arith.constant 13 : index
    %get3A_231 = arith.constant 0 : index
    %get3A_232 = arith.constant 0 : index
    %get3A_233 = vector.load %arg1[%get3A_230, %get3A_231, %get3A_232] : memref<32x4x128xf32, #tpu.memory_space<vmem>>, vector<1x4x128xf32>
    %get3A_234 = vector.shape_cast %get3A_233 : vector<1x4x128xf32> to vector<4x128xf32>
    %get3A_235 = arith.constant 0 : index
    %get3A_236 = arith.constant 0 : index
    %get3A_237 = vector.load %arg2[%get3A_235, %get3A_236] : memref<4x128xf32, #tpu.memory_space<vmem>>, vector<4x128xf32>
    %dot_general3A_238 = arith.constant dense<0.000000e+00> : vector<128x128xf32>
    %dot_general3A_239 = tpu.matmul %get3A_234, %get3A_237, %dot_general3A_238 {dimension_numbers = #tpu.dot_dimension_numbers<[0], [0], [1], [1], [0, 1, 1, 1], [], []>, transpose_lhs_hint = false} : vector<4x128xf32>, vector<4x128xf32>, vector<128x128xf32> -> vector<128x128xf32>
    %get3A_240 = arith.constant 0 : index
    %get3A_241 = arith.constant 0 : index
    %get3A_242 = vector.load %arg3[%get3A_240, %get3A_241] : memref<1x128xf32, #tpu.memory_space<vmem>>, vector<1x128xf32>
    %add3A_243 = vector.broadcast %get3A_242 : vector<1x128xf32> to vector<128x128xf32>
    %add3A_244 = arith.addf %dot_general3A_239, %add3A_243 : vector<128x128xf32>
    %swap3A_245 = arith.constant 1664 : index
    %swap3A_246 = arith.constant 0 : index
    %swap3A_247 = vector.load %arg5[%swap3A_245, %swap3A_246] : memref<4096x128xf32, #tpu.memory_space<vmem>>, vector<128x128xf32>
    tpu.vector_store %arg5[%swap3A_245, %swap3A_246], %add3A_244 {strides = array<i32>} : memref<4096x128xf32, #tpu.memory_space<vmem>>, vector<128x128xf32>,
    %get3A_248 = arith.constant 14 : index
    %get3A_249 = arith.constant 0 : index
    %get3A_250 = arith.constant 0 : index
    %get3A_251 = vector.load %arg1[%get3A_248, %get3A_249, %get3A_250] : memref<32x4x128xf32, #tpu.memory_space<vmem>>, vector<1x4x128xf32>
    %get3A_252 = vector.shape_cast %get3A_251 : vector<1x4x128xf32> to vector<4x128xf32>
    %get3A_253 = arith.constant 0 : index
    %get3A_254 = arith.constant 0 : index
    %get3A_255 = vector.load %arg2[%get3A_253, %get3A_254] : memref<4x128xf32, #tpu.memory_space<vmem>>, vector<4x128xf32>
    %dot_general3A_256 = arith.constant dense<0.000000e+00> : vector<128x128xf32>
    %dot_general3A_257 = tpu.matmul %get3A_252, %get3A_255, %dot_general3A_256 {dimension_numbers = #tpu.dot_dimension_numbers<[0], [0], [1], [1], [0, 1, 1, 1], [], []>, transpose_lhs_hint = false} : vector<4x128xf32>, vector<4x128xf32>, vector<128x128xf32> -> vector<128x128xf32>
    %get3A_258 = arith.constant 0 : index
    %get3A_259 = arith.constant 0 : index
    %get3A_260 = vector.load %arg3[%get3A_258, %get3A_259] : memref<1x128xf32, #tpu.memory_space<vmem>>, vector<1x128xf32>
    %add3A_261 = vector.broadcast %get3A_260 : vector<1x128xf32> to vector<128x128xf32>
    %add3A_262 = arith.addf %dot_general3A_257, %add3A_261 : vector<128x128xf32>
    %swap3A_263 = arith.constant 1792 : index
    %swap3A_264 = arith.constant 0 : index
    %swap3A_265 = vector.load %arg5[%swap3A_263, %swap3A_264] : memref<4096x128xf32, #tpu.memory_space<vmem>>, vector<128x128xf32>
    tpu.vector_store %arg5[%swap3A_263, %swap3A_264], %add3A_262 {strides = array<i32>} : memref<4096x128xf32, #tpu.memory_space<vmem>>, vector<128x128xf32>,
    %get3A_266 = arith.constant 15 : index
    %get3A_267 = arith.constant 0 : index
    %get3A_268 = arith.constant 0 : index
    %get3A_269 = vector.load %arg1[%get3A_266, %get3A_267, %get3A_268] : memref<32x4x128xf32, #tpu.memory_space<vmem>>, vector<1x4x128xf32>
    %get3A_270 = vector.shape_cast %get3A_269 : vector<1x4x128xf32> to vector<4x128xf32>
    %get3A_271 = arith.constant 0 : index
    %get3A_272 = arith.constant 0 : index
    %get3A_273 = vector.load %arg2[%get3A_271, %get3A_272] : memref<4x128xf32, #tpu.memory_space<vmem>>, vector<4x128xf32>
    %dot_general3A_274 = arith.constant dense<0.000000e+00> : vector<128x128xf32>
    %dot_general3A_275 = tpu.matmul %get3A_270, %get3A_273, %dot_general3A_274 {dimension_numbers = #tpu.dot_dimension_numbers<[0], [0], [1], [1], [0, 1, 1, 1], [], []>, transpose_lhs_hint = false} : vector<4x128xf32>, vector<4x128xf32>, vector<128x128xf32> -> vector<128x128xf32>
    %get3A_276 = arith.constant 0 : index
    %get3A_277 = arith.constant 0 : index
    %get3A_278 = vector.load %arg3[%get3A_276, %get3A_277] : memref<1x128xf32, #tpu.memory_space<vmem>>, vector<1x128xf32>
    %add3A_279 = vector.broadcast %get3A_278 : vector<1x128xf32> to vector<128x128xf32>
    %add3A_280 = arith.addf %dot_general3A_275, %add3A_279 : vector<128x128xf32>
    %swap3A_281 = arith.constant 1920 : index
    %swap3A_282 = arith.constant 0 : index
    %swap3A_283 = vector.load %arg5[%swap3A_281, %swap3A_282] : memref<4096x128xf32, #tpu.memory_space<vmem>>, vector<128x128xf32>
    tpu.vector_store %arg5[%swap3A_281, %swap3A_282], %add3A_280 {strides = array<i32>} : memref<4096x128xf32, #tpu.memory_space<vmem>>, vector<128x128xf32>,
    %get3A_284 = arith.constant 16 : index
    %get3A_285 = arith.constant 0 : index
    %get3A_286 = arith.constant 0 : index
    %get3A_287 = vector.load %arg1[%get3A_284, %get3A_285, %get3A_286] : memref<32x4x128xf32, #tpu.memory_space<vmem>>, vector<1x4x128xf32>
    %get3A_288 = vector.shape_cast %get3A_287 : vector<1x4x128xf32> to vector<4x128xf32>
    %get3A_289 = arith.constant 0 : index
    %get3A_290 = arith.constant 0 : index
    %get3A_291 = vector.load %arg2[%get3A_289, %get3A_290] : memref<4x128xf32, #tpu.memory_space<vmem>>, vector<4x128xf32>
    %dot_general3A_292 = arith.constant dense<0.000000e+00> : vector<128x128xf32>
    %dot_general3A_293 = tpu.matmul %get3A_288, %get3A_291, %dot_general3A_292 {dimension_numbers = #tpu.dot_dimension_numbers<[0], [0], [1], [1], [0, 1, 1, 1], [], []>, transpose_lhs_hint = false} : vector<4x128xf32>, vector<4x128xf32>, vector<128x128xf32> -> vector<128x128xf32>
    %get3A_294 = arith.constant 0 : index
    %get3A_295 = arith.constant 0 : index
    %get3A_296 = vector.load %arg3[%get3A_294, %get3A_295] : memref<1x128xf32, #tpu.memory_space<vmem>>, vector<1x128xf32>
    %add3A_297 = vector.broadcast %get3A_296 : vector<1x128xf32> to vector<128x128xf32>
    %add3A_298 = arith.addf %dot_general3A_293, %add3A_297 : vector<128x128xf32>
    %swap3A_299 = arith.constant 2048 : index
    %swap3A_300 = arith.constant 0 : index
    %swap3A_301 = vector.load %arg5[%swap3A_299, %swap3A_300] : memref<4096x128xf32, #tpu.memory_space<vmem>>, vector<128x128xf32>
    tpu.vector_store %arg5[%swap3A_299, %swap3A_300], %add3A_298 {strides = array<i32>} : memref<4096x128xf32, #tpu.memory_space<vmem>>, vector<128x128xf32>,
    %get3A_302 = arith.constant 17 : index
    %get3A_303 = arith.constant 0 : index
    %get3A_304 = arith.constant 0 : index
    %get3A_305 = vector.load %arg1[%get3A_302, %get3A_303, %get3A_304] : memref<32x4x128xf32, #tpu.memory_space<vmem>>, vector<1x4x128xf32>
    %get3A_306 = vector.shape_cast %get3A_305 : vector<1x4x128xf32> to vector<4x128xf32>
    %get3A_307 = arith.constant 0 : index
    %get3A_308 = arith.constant 0 : index
    %get3A_309 = vector.load %arg2[%get3A_307, %get3A_308] : memref<4x128xf32, #tpu.memory_space<vmem>>, vector<4x128xf32>
    %dot_general3A_310 = arith.constant dense<0.000000e+00> : vector<128x128xf32>
    %dot_general3A_311 = tpu.matmul %get3A_306, %get3A_309, %dot_general3A_310 {dimension_numbers = #tpu.dot_dimension_numbers<[0], [0], [1], [1], [0, 1, 1, 1], [], []>, transpose_lhs_hint = false} : vector<4x128xf32>, vector<4x128xf32>, vector<128x128xf32> -> vector<128x128xf32>
    %get3A_312 = arith.constant 0 : index
    %get3A_313 = arith.constant 0 : index
    %get3A_314 = vector.load %arg3[%get3A_312, %get3A_313] : memref<1x128xf32, #tpu.memory_space<vmem>>, vector<1x128xf32>
    %add3A_315 = vector.broadcast %get3A_314 : vector<1x128xf32> to vector<128x128xf32>
    %add3A_316 = arith.addf %dot_general3A_311, %add3A_315 : vector<128x128xf32>
    %swap3A_317 = arith.constant 2176 : index
    %swap3A_318 = arith.constant 0 : index
    %swap3A_319 = vector.load %arg5[%swap3A_317, %swap3A_318] : memref<4096x128xf32, #tpu.memory_space<vmem>>, vector<128x128xf32>
    tpu.vector_store %arg5[%swap3A_317, %swap3A_318], %add3A_316 {strides = array<i32>} : memref<4096x128xf32, #tpu.memory_space<vmem>>, vector<128x128xf32>,
    %get3A_320 = arith.constant 18 : index
    %get3A_321 = arith.constant 0 : index
    %get3A_322 = arith.constant 0 : index
    %get3A_323 = vector.load %arg1[%get3A_320, %get3A_321, %get3A_322] : memref<32x4x128xf32, #tpu.memory_space<vmem>>, vector<1x4x128xf32>
    %get3A_324 = vector.shape_cast %get3A_323 : vector<1x4x128xf32> to vector<4x128xf32>
    %get3A_325 = arith.constant 0 : index
    %get3A_326 = arith.constant 0 : index
    %get3A_327 = vector.load %arg2[%get3A_325, %get3A_326] : memref<4x128xf32, #tpu.memory_space<vmem>>, vector<4x128xf32>
    %dot_general3A_328 = arith.constant dense<0.000000e+00> : vector<128x128xf32>
    %dot_general3A_329 = tpu.matmul %get3A_324, %get3A_327, %dot_general3A_328 {dimension_numbers = #tpu.dot_dimension_numbers<[0], [0], [1], [1], [0, 1, 1, 1], [], []>, transpose_lhs_hint = false} : vector<4x128xf32>, vector<4x128xf32>, vector<128x128xf32> -> vector<128x128xf32>
    %get3A_330 = arith.constant 0 : index
    %get3A_331 = arith.constant 0 : index
    %get3A_332 = vector.load %arg3[%get3A_330, %get3A_331] : memref<1x128xf32, #tpu.memory_space<vmem>>, vector<1x128xf32>
    %add3A_333 = vector.broadcast %get3A_332 : vector<1x128xf32> to vector<128x128xf32>
    %add3A_334 = arith.addf %dot_general3A_329, %add3A_333 : vector<128x128xf32>
    %swap3A_335 = arith.constant 2304 : index
    %swap3A_336 = arith.constant 0 : index
    %swap3A_337 = vector.load %arg5[%swap3A_335, %swap3A_336] : memref<4096x128xf32, #tpu.memory_space<vmem>>, vector<128x128xf32>
    tpu.vector_store %arg5[%swap3A_335, %swap3A_336], %add3A_334 {strides = array<i32>} : memref<4096x128xf32, #tpu.memory_space<vmem>>, vector<128x128xf32>,
    %get3A_338 = arith.constant 19 : index
    %get3A_339 = arith.constant 0 : index
    %get3A_340 = arith.constant 0 : index
    %get3A_341 = vector.load %arg1[%get3A_338, %get3A_339, %get3A_340] : memref<32x4x128xf32, #tpu.memory_space<vmem>>, vector<1x4x128xf32>
    %get3A_342 = vector.shape_cast %get3A_341 : vector<1x4x128xf32> to vector<4x128xf32>
    %get3A_343 = arith.constant 0 : index
    %get3A_344 = arith.constant 0 : index
    %get3A_345 = vector.load %arg2[%get3A_343, %get3A_344] : memref<4x128xf32, #tpu.memory_space<vmem>>, vector<4x128xf32>
    %dot_general3A_346 = arith.constant dense<0.000000e+00> : vector<128x128xf32>
    %dot_general3A_347 = tpu.matmul %get3A_342, %get3A_345, %dot_general3A_346 {dimension_numbers = #tpu.dot_dimension_numbers<[0], [0], [1], [1], [0, 1, 1, 1], [], []>, transpose_lhs_hint = false} : vector<4x128xf32>, vector<4x128xf32>, vector<128x128xf32> -> vector<128x128xf32>
    %get3A_348 = arith.constant 0 : index
    %get3A_349 = arith.constant 0 : index
    %get3A_350 = vector.load %arg3[%get3A_348, %get3A_349] : memref<1x128xf32, #tpu.memory_space<vmem>>, vector<1x128xf32>
    %add3A_351 = vector.broadcast %get3A_350 : vector<1x128xf32> to vector<128x128xf32>
    %add3A_352 = arith.addf %dot_general3A_347, %add3A_351 : vector<128x128xf32>
    %swap3A_353 = arith.constant 2432 : index
    %swap3A_354 = arith.constant 0 : index
    %swap3A_355 = vector.load %arg5[%swap3A_353, %swap3A_354] : memref<4096x128xf32, #tpu.memory_space<vmem>>, vector<128x128xf32>
    tpu.vector_store %arg5[%swap3A_353, %swap3A_354], %add3A_352 {strides = array<i32>} : memref<4096x128xf32, #tpu.memory_space<vmem>>, vector<128x128xf32>,
    %get3A_356 = arith.constant 20 : index
    %get3A_357 = arith.constant 0 : index
    %get3A_358 = arith.constant 0 : index
    %get3A_359 = vector.load %arg1[%get3A_356, %get3A_357, %get3A_358] : memref<32x4x128xf32, #tpu.memory_space<vmem>>, vector<1x4x128xf32>
    %get3A_360 = vector.shape_cast %get3A_359 : vector<1x4x128xf32> to vector<4x128xf32>
    %get3A_361 = arith.constant 0 : index
    %get3A_362 = arith.constant 0 : index
    %get3A_363 = vector.load %arg2[%get3A_361, %get3A_362] : memref<4x128xf32, #tpu.memory_space<vmem>>, vector<4x128xf32>
    %dot_general3A_364 = arith.constant dense<0.000000e+00> : vector<128x128xf32>
    %dot_general3A_365 = tpu.matmul %get3A_360, %get3A_363, %dot_general3A_364 {dimension_numbers = #tpu.dot_dimension_numbers<[0], [0], [1], [1], [0, 1, 1, 1], [], []>, transpose_lhs_hint = false} : vector<4x128xf32>, vector<4x128xf32>, vector<128x128xf32> -> vector<128x128xf32>
    %get3A_366 = arith.constant 0 : index
    %get3A_367 = arith.constant 0 : index
    %get3A_368 = vector.load %arg3[%get3A_366, %get3A_367] : memref<1x128xf32, #tpu.memory_space<vmem>>, vector<1x128xf32>
    %add3A_369 = vector.broadcast %get3A_368 : vector<1x128xf32> to vector<128x128xf32>
    %add3A_370 = arith.addf %dot_general3A_365, %add3A_369 : vector<128x128xf32>
    %swap3A_371 = arith.constant 2560 : index
    %swap3A_372 = arith.constant 0 : index
    %swap3A_373 = vector.load %arg5[%swap3A_371, %swap3A_372] : memref<4096x128xf32, #tpu.memory_space<vmem>>, vector<128x128xf32>
    tpu.vector_store %arg5[%swap3A_371, %swap3A_372], %add3A_370 {strides = array<i32>} : memref<4096x128xf32, #tpu.memory_space<vmem>>, vector<128x128xf32>,
    %get3A_374 = arith.constant 21 : index
    %get3A_375 = arith.constant 0 : index
    %get3A_376 = arith.constant 0 : index
    %get3A_377 = vector.load %arg1[%get3A_374, %get3A_375, %get3A_376] : memref<32x4x128xf32, #tpu.memory_space<vmem>>, vector<1x4x128xf32>
    %get3A_378 = vector.shape_cast %get3A_377 : vector<1x4x128xf32> to vector<4x128xf32>
    %get3A_379 = arith.constant 0 : index
    %get3A_380 = arith.constant 0 : index
    %get3A_381 = vector.load %arg2[%get3A_379, %get3A_380] : memref<4x128xf32, #tpu.memory_space<vmem>>, vector<4x128xf32>
    %dot_general3A_382 = arith.constant dense<0.000000e+00> : vector<128x128xf32>
    %dot_general3A_383 = tpu.matmul %get3A_378, %get3A_381, %dot_general3A_382 {dimension_numbers = #tpu.dot_dimension_numbers<[0], [0], [1], [1], [0, 1, 1, 1], [], []>, transpose_lhs_hint = false} : vector<4x128xf32>, vector<4x128xf32>, vector<128x128xf32> -> vector<128x128xf32>
    %get3A_384 = arith.constant 0 : index
    %get3A_385 = arith.constant 0 : index
    %get3A_386 = vector.load %arg3[%get3A_384, %get3A_385] : memref<1x128xf32, #tpu.memory_space<vmem>>, vector<1x128xf32>
    %add3A_387 = vector.broadcast %get3A_386 : vector<1x128xf32> to vector<128x128xf32>
    %add3A_388 = arith.addf %dot_general3A_383, %add3A_387 : vector<128x128xf32>
    %swap3A_389 = arith.constant 2688 : index
    %swap3A_390 = arith.constant 0 : index
    %swap3A_391 = vector.load %arg5[%swap3A_389, %swap3A_390] : memref<4096x128xf32, #tpu.memory_space<vmem>>, vector<128x128xf32>
    tpu.vector_store %arg5[%swap3A_389, %swap3A_390], %add3A_388 {strides = array<i32>} : memref<4096x128xf32, #tpu.memory_space<vmem>>, vector<128x128xf32>,
    %get3A_392 = arith.constant 22 : index
    %get3A_393 = arith.constant 0 : index
    %get3A_394 = arith.constant 0 : index
    %get3A_395 = vector.load %arg1[%get3A_392, %get3A_393, %get3A_394] : memref<32x4x128xf32, #tpu.memory_space<vmem>>, vector<1x4x128xf32>
    %get3A_396 = vector.shape_cast %get3A_395 : vector<1x4x128xf32> to vector<4x128xf32>
    %get3A_397 = arith.constant 0 : index
    %get3A_398 = arith.constant 0 : index
    %get3A_399 = vector.load %arg2[%get3A_397, %get3A_398] : memref<4x128xf32, #tpu.memory_space<vmem>>, vector<4x128xf32>
    %dot_general3A_400 = arith.constant dense<0.000000e+00> : vector<128x128xf32>
    %dot_general3A_401 = tpu.matmul %get3A_396, %get3A_399, %dot_general3A_400 {dimension_numbers = #tpu.dot_dimension_numbers<[0], [0], [1], [1], [0, 1, 1, 1], [], []>, transpose_lhs_hint = false} : vector<4x128xf32>, vector<4x128xf32>, vector<128x128xf32> -> vector<128x128xf32>
    %get3A_402 = arith.constant 0 : index
    %get3A_403 = arith.constant 0 : index
    %get3A_404 = vector.load %arg3[%get3A_402, %get3A_403] : memref<1x128xf32, #tpu.memory_space<vmem>>, vector<1x128xf32>
    %add3A_405 = vector.broadcast %get3A_404 : vector<1x128xf32> to vector<128x128xf32>
    %add3A_406 = arith.addf %dot_general3A_401, %add3A_405 : vector<128x128xf32>
    %swap3A_407 = arith.constant 2816 : index
    %swap3A_408 = arith.constant 0 : index
    %swap3A_409 = vector.load %arg5[%swap3A_407, %swap3A_408] : memref<4096x128xf32, #tpu.memory_space<vmem>>, vector<128x128xf32>
    tpu.vector_store %arg5[%swap3A_407, %swap3A_408], %add3A_406 {strides = array<i32>} : memref<4096x128xf32, #tpu.memory_space<vmem>>, vector<128x128xf32>,
    %get3A_410 = arith.constant 23 : index
    %get3A_411 = arith.constant 0 : index
    %get3A_412 = arith.constant 0 : index
    %get3A_413 = vector.load %arg1[%get3A_410, %get3A_411, %get3A_412] : memref<32x4x128xf32, #tpu.memory_space<vmem>>, vector<1x4x128xf32>
    %get3A_414 = vector.shape_cast %get3A_413 : vector<1x4x128xf32> to vector<4x128xf32>
    %get3A_415 = arith.constant 0 : index
    %get3A_416 = arith.constant 0 : index
    %get3A_417 = vector.load %arg2[%get3A_415, %get3A_416] : memref<4x128xf32, #tpu.memory_space<vmem>>, vector<4x128xf32>
    %dot_general3A_418 = arith.constant dense<0.000000e+00> : vector<128x128xf32>
    %dot_general3A_419 = tpu.matmul %get3A_414, %get3A_417, %dot_general3A_418 {dimension_numbers = #tpu.dot_dimension_numbers<[0], [0], [1], [1], [0, 1, 1, 1], [], []>, transpose_lhs_hint = false} : vector<4x128xf32>, vector<4x128xf32>, vector<128x128xf32> -> vector<128x128xf32>
    %get3A_420 = arith.constant 0 : index
    %get3A_421 = arith.constant 0 : index
    %get3A_422 = vector.load %arg3[%get3A_420, %get3A_421] : memref<1x128xf32, #tpu.memory_space<vmem>>, vector<1x128xf32>
    %add3A_423 = vector.broadcast %get3A_422 : vector<1x128xf32> to vector<128x128xf32>
    %add3A_424 = arith.addf %dot_general3A_419, %add3A_423 : vector<128x128xf32>
    %swap3A_425 = arith.constant 2944 : index
    %swap3A_426 = arith.constant 0 : index
    %swap3A_427 = vector.load %arg5[%swap3A_425, %swap3A_426] : memref<4096x128xf32, #tpu.memory_space<vmem>>, vector<128x128xf32>
    tpu.vector_store %arg5[%swap3A_425, %swap3A_426], %add3A_424 {strides = array<i32>} : memref<4096x128xf32, #tpu.memory_space<vmem>>, vector<128x128xf32>,
    %get3A_428 = arith.constant 24 : index
    %get3A_429 = arith.constant 0 : index
    %get3A_430 = arith.constant 0 : index
    %get3A_431 = vector.load %arg1[%get3A_428, %get3A_429, %get3A_430] : memref<32x4x128xf32, #tpu.memory_space<vmem>>, vector<1x4x128xf32>
    %get3A_432 = vector.shape_cast %get3A_431 : vector<1x4x128xf32> to vector<4x128xf32>
    %get3A_433 = arith.constant 0 : index
    %get3A_434 = arith.constant 0 : index
    %get3A_435 = vector.load %arg2[%get3A_433, %get3A_434] : memref<4x128xf32, #tpu.memory_space<vmem>>, vector<4x128xf32>
    %dot_general3A_436 = arith.constant dense<0.000000e+00> : vector<128x128xf32>
    %dot_general3A_437 = tpu.matmul %get3A_432, %get3A_435, %dot_general3A_436 {dimension_numbers = #tpu.dot_dimension_numbers<[0], [0], [1], [1], [0, 1, 1, 1], [], []>, transpose_lhs_hint = false} : vector<4x128xf32>, vector<4x128xf32>, vector<128x128xf32> -> vector<128x128xf32>
    %get3A_438 = arith.constant 0 : index
    %get3A_439 = arith.constant 0 : index
    %get3A_440 = vector.load %arg3[%get3A_438, %get3A_439] : memref<1x128xf32, #tpu.memory_space<vmem>>, vector<1x128xf32>
    %add3A_441 = vector.broadcast %get3A_440 : vector<1x128xf32> to vector<128x128xf32>
    %add3A_442 = arith.addf %dot_general3A_437, %add3A_441 : vector<128x128xf32>
    %swap3A_443 = arith.constant 3072 : index
    %swap3A_444 = arith.constant 0 : index
    %swap3A_445 = vector.load %arg5[%swap3A_443, %swap3A_444] : memref<4096x128xf32, #tpu.memory_space<vmem>>, vector<128x128xf32>
    tpu.vector_store %arg5[%swap3A_443, %swap3A_444], %add3A_442 {strides = array<i32>} : memref<4096x128xf32, #tpu.memory_space<vmem>>, vector<128x128xf32>,
    %get3A_446 = arith.constant 25 : index
    %get3A_447 = arith.constant 0 : index
    %get3A_448 = arith.constant 0 : index
    %get3A_449 = vector.load %arg1[%get3A_446, %get3A_447, %get3A_448] : memref<32x4x128xf32, #tpu.memory_space<vmem>>, vector<1x4x128xf32>
    %get3A_450 = vector.shape_cast %get3A_449 : vector<1x4x128xf32> to vector<4x128xf32>
    %get3A_451 = arith.constant 0 : index
    %get3A_452 = arith.constant 0 : index
    %get3A_453 = vector.load %arg2[%get3A_451, %get3A_452] : memref<4x128xf32, #tpu.memory_space<vmem>>, vector<4x128xf32>
    %dot_general3A_454 = arith.constant dense<0.000000e+00> : vector<128x128xf32>
    %dot_general3A_455 = tpu.matmul %get3A_450, %get3A_453, %dot_general3A_454 {dimension_numbers = #tpu.dot_dimension_numbers<[0], [0], [1], [1], [0, 1, 1, 1], [], []>, transpose_lhs_hint = false} : vector<4x128xf32>, vector<4x128xf32>, vector<128x128xf32> -> vector<128x128xf32>
    %get3A_456 = arith.constant 0 : index
    %get3A_457 = arith.constant 0 : index
    %get3A_458 = vector.load %arg3[%get3A_456, %get3A_457] : memref<1x128xf32, #tpu.memory_space<vmem>>, vector<1x128xf32>
    %add3A_459 = vector.broadcast %get3A_458 : vector<1x128xf32> to vector<128x128xf32>
    %add3A_460 = arith.addf %dot_general3A_455, %add3A_459 : vector<128x128xf32>
    %swap3A_461 = arith.constant 3200 : index
    %swap3A_462 = arith.constant 0 : index
    %swap3A_463 = vector.load %arg5[%swap3A_461, %swap3A_462] : memref<4096x128xf32, #tpu.memory_space<vmem>>, vector<128x128xf32>
    tpu.vector_store %arg5[%swap3A_461, %swap3A_462], %add3A_460 {strides = array<i32>} : memref<4096x128xf32, #tpu.memory_space<vmem>>, vector<128x128xf32>,
    %get3A_464 = arith.constant 26 : index
    %get3A_465 = arith.constant 0 : index
    %get3A_466 = arith.constant 0 : index
    %get3A_467 = vector.load %arg1[%get3A_464, %get3A_465, %get3A_466] : memref<32x4x128xf32, #tpu.memory_space<vmem>>, vector<1x4x128xf32>
    %get3A_468 = vector.shape_cast %get3A_467 : vector<1x4x128xf32> to vector<4x128xf32>
    %get3A_469 = arith.constant 0 : index
    %get3A_470 = arith.constant 0 : index
    %get3A_471 = vector.load %arg2[%get3A_469, %get3A_470] : memref<4x128xf32, #tpu.memory_space<vmem>>, vector<4x128xf32>
    %dot_general3A_472 = arith.constant dense<0.000000e+00> : vector<128x128xf32>
    %dot_general3A_473 = tpu.matmul %get3A_468, %get3A_471, %dot_general3A_472 {dimension_numbers = #tpu.dot_dimension_numbers<[0], [0], [1], [1], [0, 1, 1, 1], [], []>, transpose_lhs_hint = false} : vector<4x128xf32>, vector<4x128xf32>, vector<128x128xf32> -> vector<128x128xf32>
    %get3A_474 = arith.constant 0 : index
    %get3A_475 = arith.constant 0 : index
    %get3A_476 = vector.load %arg3[%get3A_474, %get3A_475] : memref<1x128xf32, #tpu.memory_space<vmem>>, vector<1x128xf32>
    %add3A_477 = vector.broadcast %get3A_476 : vector<1x128xf32> to vector<128x128xf32>
    %add3A_478 = arith.addf %dot_general3A_473, %add3A_477 : vector<128x128xf32>
    %swap3A_479 = arith.constant 3328 : index
    %swap3A_480 = arith.constant 0 : index
    %swap3A_481 = vector.load %arg5[%swap3A_479, %swap3A_480] : memref<4096x128xf32, #tpu.memory_space<vmem>>, vector<128x128xf32>
    tpu.vector_store %arg5[%swap3A_479, %swap3A_480], %add3A_478 {strides = array<i32>} : memref<4096x128xf32, #tpu.memory_space<vmem>>, vector<128x128xf32>,
    %get3A_482 = arith.constant 27 : index
    %get3A_483 = arith.constant 0 : index
    %get3A_484 = arith.constant 0 : index
    %get3A_485 = vector.load %arg1[%get3A_482, %get3A_483, %get3A_484] : memref<32x4x128xf32, #tpu.memory_space<vmem>>, vector<1x4x128xf32>
    %get3A_486 = vector.shape_cast %get3A_485 : vector<1x4x128xf32> to vector<4x128xf32>
    %get3A_487 = arith.constant 0 : index
    %get3A_488 = arith.constant 0 : index
    %get3A_489 = vector.load %arg2[%get3A_487, %get3A_488] : memref<4x128xf32, #tpu.memory_space<vmem>>, vector<4x128xf32>
    %dot_general3A_490 = arith.constant dense<0.000000e+00> : vector<128x128xf32>
    %dot_general3A_491 = tpu.matmul %get3A_486, %get3A_489, %dot_general3A_490 {dimension_numbers = #tpu.dot_dimension_numbers<[0], [0], [1], [1], [0, 1, 1, 1], [], []>, transpose_lhs_hint = false} : vector<4x128xf32>, vector<4x128xf32>, vector<128x128xf32> -> vector<128x128xf32>
    %get3A_492 = arith.constant 0 : index
    %get3A_493 = arith.constant 0 : index
    %get3A_494 = vector.load %arg3[%get3A_492, %get3A_493] : memref<1x128xf32, #tpu.memory_space<vmem>>, vector<1x128xf32>
    %add3A_495 = vector.broadcast %get3A_494 : vector<1x128xf32> to vector<128x128xf32>
    %add3A_496 = arith.addf %dot_general3A_491, %add3A_495 : vector<128x128xf32>
    %swap3A_497 = arith.constant 3456 : index
    %swap3A_498 = arith.constant 0 : index
    %swap3A_499 = vector.load %arg5[%swap3A_497, %swap3A_498] : memref<4096x128xf32, #tpu.memory_space<vmem>>, vector<128x128xf32>
    tpu.vector_store %arg5[%swap3A_497, %swap3A_498], %add3A_496 {strides = array<i32>} : memref<4096x128xf32, #tpu.memory_space<vmem>>, vector<128x128xf32>,
    %get3A_500 = arith.constant 28 : index
    %get3A_501 = arith.constant 0 : index
    %get3A_502 = arith.constant 0 : index
    %get3A_503 = vector.load %arg1[%get3A_500, %get3A_501, %get3A_502] : memref<32x4x128xf32, #tpu.memory_space<vmem>>, vector<1x4x128xf32>
    %get3A_504 = vector.shape_cast %get3A_503 : vector<1x4x128xf32> to vector<4x128xf32>
    %get3A_505 = arith.constant 0 : index
    %get3A_506 = arith.constant 0 : index
    %get3A_507 = vector.load %arg2[%get3A_505, %get3A_506] : memref<4x128xf32, #tpu.memory_space<vmem>>, vector<4x128xf32>
    %dot_general3A_508 = arith.constant dense<0.000000e+00> : vector<128x128xf32>
    %dot_general3A_509 = tpu.matmul %get3A_504, %get3A_507, %dot_general3A_508 {dimension_numbers = #tpu.dot_dimension_numbers<[0], [0], [1], [1], [0, 1, 1, 1], [], []>, transpose_lhs_hint = false} : vector<4x128xf32>, vector<4x128xf32>, vector<128x128xf32> -> vector<128x128xf32>
    %get3A_510 = arith.constant 0 : index
    %get3A_511 = arith.constant 0 : index
    %get3A_512 = vector.load %arg3[%get3A_510, %get3A_511] : memref<1x128xf32, #tpu.memory_space<vmem>>, vector<1x128xf32>
    %add3A_513 = vector.broadcast %get3A_512 : vector<1x128xf32> to vector<128x128xf32>
    %add3A_514 = arith.addf %dot_general3A_509, %add3A_513 : vector<128x128xf32>
    %swap3A_515 = arith.constant 3584 : index
    %swap3A_516 = arith.constant 0 : index
    %swap3A_517 = vector.load %arg5[%swap3A_515, %swap3A_516] : memref<4096x128xf32, #tpu.memory_space<vmem>>, vector<128x128xf32>
    tpu.vector_store %arg5[%swap3A_515, %swap3A_516], %add3A_514 {strides = array<i32>} : memref<4096x128xf32, #tpu.memory_space<vmem>>, vector<128x128xf32>,
    %get3A_518 = arith.constant 29 : index
    %get3A_519 = arith.constant 0 : index
    %get3A_520 = arith.constant 0 : index
    %get3A_521 = vector.load %arg1[%get3A_518, %get3A_519, %get3A_520] : memref<32x4x128xf32, #tpu.memory_space<vmem>>, vector<1x4x128xf32>
    %get3A_522 = vector.shape_cast %get3A_521 : vector<1x4x128xf32> to vector<4x128xf32>
    %get3A_523 = arith.constant 0 : index
    %get3A_524 = arith.constant 0 : index
    %get3A_525 = vector.load %arg2[%get3A_523, %get3A_524] : memref<4x128xf32, #tpu.memory_space<vmem>>, vector<4x128xf32>
    %dot_general3A_526 = arith.constant dense<0.000000e+00> : vector<128x128xf32>
    %dot_general3A_527 = tpu.matmul %get3A_522, %get3A_525, %dot_general3A_526 {dimension_numbers = #tpu.dot_dimension_numbers<[0], [0], [1], [1], [0, 1, 1, 1], [], []>, transpose_lhs_hint = false} : vector<4x128xf32>, vector<4x128xf32>, vector<128x128xf32> -> vector<128x128xf32>
    %get3A_528 = arith.constant 0 : index
    %get3A_529 = arith.constant 0 : index
    %get3A_530 = vector.load %arg3[%get3A_528, %get3A_529] : memref<1x128xf32, #tpu.memory_space<vmem>>, vector<1x128xf32>
    %add3A_531 = vector.broadcast %get3A_530 : vector<1x128xf32> to vector<128x128xf32>
    %add3A_532 = arith.addf %dot_general3A_527, %add3A_531 : vector<128x128xf32>
    %swap3A_533 = arith.constant 3712 : index
    %swap3A_534 = arith.constant 0 : index
    %swap3A_535 = vector.load %arg5[%swap3A_533, %swap3A_534] : memref<4096x128xf32, #tpu.memory_space<vmem>>, vector<128x128xf32>
    tpu.vector_store %arg5[%swap3A_533, %swap3A_534], %add3A_532 {strides = array<i32>} : memref<4096x128xf32, #tpu.memory_space<vmem>>, vector<128x128xf32>,
    %get3A_536 = arith.constant 30 : index
    %get3A_537 = arith.constant 0 : index
    %get3A_538 = arith.constant 0 : index
    %get3A_539 = vector.load %arg1[%get3A_536, %get3A_537, %get3A_538] : memref<32x4x128xf32, #tpu.memory_space<vmem>>, vector<1x4x128xf32>
    %get3A_540 = vector.shape_cast %get3A_539 : vector<1x4x128xf32> to vector<4x128xf32>
    %get3A_541 = arith.constant 0 : index
    %get3A_542 = arith.constant 0 : index
    %get3A_543 = vector.load %arg2[%get3A_541, %get3A_542] : memref<4x128xf32, #tpu.memory_space<vmem>>, vector<4x128xf32>
    %dot_general3A_544 = arith.constant dense<0.000000e+00> : vector<128x128xf32>
    %dot_general3A_545 = tpu.matmul %get3A_540, %get3A_543, %dot_general3A_544 {dimension_numbers = #tpu.dot_dimension_numbers<[0], [0], [1], [1], [0, 1, 1, 1], [], []>, transpose_lhs_hint = false} : vector<4x128xf32>, vector<4x128xf32>, vector<128x128xf32> -> vector<128x128xf32>
    %get3A_546 = arith.constant 0 : index
    %get3A_547 = arith.constant 0 : index
    %get3A_548 = vector.load %arg3[%get3A_546, %get3A_547] : memref<1x128xf32, #tpu.memory_space<vmem>>, vector<1x128xf32>
    %add3A_549 = vector.broadcast %get3A_548 : vector<1x128xf32> to vector<128x128xf32>
    %add3A_550 = arith.addf %dot_general3A_545, %add3A_549 : vector<128x128xf32>
    %swap3A_551 = arith.constant 3840 : index
    %swap3A_552 = arith.constant 0 : index
    %swap3A_553 = vector.load %arg5[%swap3A_551, %swap3A_552] : memref<4096x128xf32, #tpu.memory_space<vmem>>, vector<128x128xf32>
    tpu.vector_store %arg5[%swap3A_551, %swap3A_552], %add3A_550 {strides = array<i32>} : memref<4096x128xf32, #tpu.memory_space<vmem>>, vector<128x128xf32>,
    %get3A_554 = arith.constant 31 : index
    %get3A_555 = arith.constant 0 : index
    %get3A_556 = arith.constant 0 : index
    %get3A_557 = vector.load %arg1[%get3A_554, %get3A_555, %get3A_556] : memref<32x4x128xf32, #tpu.memory_space<vmem>>, vector<1x4x128xf32>
    %get3A_558 = vector.shape_cast %get3A_557 : vector<1x4x128xf32> to vector<4x128xf32>
    %get3A_559 = arith.constant 0 : index
    %get3A_560 = arith.constant 0 : index
    %get3A_561 = vector.load %arg2[%get3A_559, %get3A_560] : memref<4x128xf32, #tpu.memory_space<vmem>>, vector<4x128xf32>
    %dot_general3A_562 = arith.constant dense<0.000000e+00> : vector<128x128xf32>
    %dot_general3A_563 = tpu.matmul %get3A_558, %get3A_561, %dot_general3A_562 {dimension_numbers = #tpu.dot_dimension_numbers<[0], [0], [1], [1], [0, 1, 1, 1], [], []>, transpose_lhs_hint = false} : vector<4x128xf32>, vector<4x128xf32>, vector<128x128xf32> -> vector<128x128xf32>
    %get3A_564 = arith.constant 0 : index
    %get3A_565 = arith.constant 0 : index
    %get3A_566 = vector.load %arg3[%get3A_564, %get3A_565] : memref<1x128xf32, #tpu.memory_space<vmem>>, vector<1x128xf32>
    %add3A_567 = vector.broadcast %get3A_566 : vector<1x128xf32> to vector<128x128xf32>
    %add3A_568 = arith.addf %dot_general3A_563, %add3A_567 : vector<128x128xf32>
    %swap3A_569 = arith.constant 3968 : index
    %swap3A_570 = arith.constant 0 : index
    %swap3A_571 = vector.load %arg5[%swap3A_569, %swap3A_570] : memref<4096x128xf32, #tpu.memory_space<vmem>>, vector<128x128xf32>
    tpu.vector_store %arg5[%swap3A_569, %swap3A_570], %add3A_568 {strides = array<i32>} : memref<4096x128xf32, #tpu.memory_space<vmem>>, vector<128x128xf32>,
    return
  }
  func.func @transform_0(%arg0: i32) -> (i32, i32, i32) {
    %c0_i32 = arith.constant 0 : i32
    %c0_i32_0 = arith.constant 0 : i32
    %c0_i32_1 = arith.constant 0 : i32
    return %arg0, %c0_i32, %c0_i32_0 : i32, i32, i32
  }
  func.func @transform_1(%arg0: i32) -> (i32, i32) {
    %c0_i32 = arith.constant 0 : i32
    %c0_i32_0 = arith.constant 0 : i32
    %c0_i32_1 = arith.constant 0 : i32
    return %c0_i32, %c0_i32_0 : i32, i32
  }
  func.func @transform_2(%arg0: i32) -> (i32, i32) {
    %c0_i32 = arith.constant 0 : i32
    %c0_i32_0 = arith.constant 0 : i32
    %c0_i32_1 = arith.constant 0 : i32
    return %c0_i32, %c0_i32_0 : i32, i32
  }
  func.func @transform_4(%arg0: i32) -> (i32, i32) {
    %c0_i32 = arith.constant 0 : i32
    %c0_i32_0 = arith.constant 0 : i32
    return %arg0, %c0_i32 : i32, i32
  }
}

</mosaic_0001>

<sc_bundles>
// kernel: _run.4.cloned.1.call-start
scs
__scs_entry_jumppad:
0x0: {  	(pc) =	sbr.rel $0x88, $3  }
0x1: {  	(tag) =	ssettag $0x0;
	lr =	simm.s32 $0x1  }
0x2: {  	[smem:$0x3F9A] =	sst lr;
	_ =	strace $0xD0000000  }
0x3: {  	_ = 	snop  }
0x4: {  	_ = 	snop  }
0x5: {  	_ = 	snop  }
0x6: {  	_ = 	snop  }
0x7: {  	_ = 	snop  }
__scs_overlays_trampoline_lowered:
0x8: {  	[smem:$0x3FA9] =	sst s0  }
0x9: {  	[smem:$0x3FAA] =	sst s1  }
0xa: {  	[smem:$0x3FAB] =	sst s2  }
0xb: {  	[smem:$0x3FAC] =	sst s3  }
0xc: {  	[smem:$0x3FAD] =	sst s4  }
0xd: {  	[smem:$0x3FAE] =	sst s5  }
0xe: {  	[smem:$0x3FAF] =	sst s6  }
0xf: {  	[smem:$0x3FB0] =	sst s7  }
0x10: {  	[smem:$0x3FB1] =	sst s8  }
0x11: {  	[smem:$0x3FB2] =	sst s9;
	s0 =	simm.s32 @!p0 $0x0  }
0x12: {  	s1 =	sld [smem:$0x3F98];
	s0 =	simm.s32 @p0 $0x1  }
0x13: {  	[smem:$0x3FB3] =	sst s0;
	s0 =	simm.s32 @!p1 $0x0  }
0x14: {  	s2 =	sld [smem:$0x3F97];
	s0 =	simm.s32 @p1 $0x1  }
0x15: {  	[smem:$0x3FB4] =	sst s0;
	s0 =	simm.s32 @!p2 $0x0  }
0x16: {  	s3 =	sld [smem:$0x3FDB];
	s0 =	simm.s32 @p2 $0x1  }
0x17: {  	s4 =	simm.s32 $0x1BF5;
	[smem:$0x3FB6] =	sst s0  }
0x18: {  	s0 =	sld [smem:$0x3F99];
	_ =	swait.ge [sflag:s4], $0x0  }
0x19: {  	s7 =	sld [smem:$0x3F9A]  }
0x1a: {  	s8 =	sadd.s32 $0xFFFFE003, lr  }
0x1b: {  	s9 =	sadd.s32 $0xFFFFFEF7, lr;
	s5 =	simm.s32 $0xFFFFFFFF;
	p2 =	slt.u32 s8, $0xFFFFF086  }
0x1c: {  	p1 =	slt.u32 s9, $0xF7A;
	s5 =	simm.s32 @!p2 $0x0  }
0x1d: {  	s5 =	simm.s32 @p1 $0x1;
	p0 =	seq.s32 s7, s2  }
0x1e: {  	s7 =	smul.u32 @!p0 $0xF7A, s2;
	p2 =	seq.s32 @!p0 s5, $0x0  }
0x1f: {  	s9 =	smul.u32 $0xF7A, s1;
	s8 =	simm.s32 @!p0 $0x1BF5;
	p2 =	por !p2, p0  }
0x20: {  	[sflag:s8] =	ssyncset.s32 @!p0 $0xFFFFF086;
	s6 =	sadd.s32 @!p0 s3, s7;
	s7 =	simm.s32 @!p0 $0x108  }
0x21: {  	s3 =	sadd.s32 s3, s9;
	s6 =	sadd.s32 @!p0 $0x88, s6;
	s7 =	simm.s32 @p2 $0x1082  }
0x22: {  	[simem:s7], [sflag:s8] =	dma.local @!p0 [hbm:s6], $0xF7A  }
0x23: {  	s9 =	sor.u32 $0xD0000000, s2;
	s6 =	simm.s32 $0x108;
	_ =	swait.ge @!p0 [sflag:s8], $0x0  }
0x24: {  	s3 =	sadd.s32 $0x88, s3;
	s6 =	simm.s32 @!p1 $0x1082;
	[sflag:s4] =	ssyncset.s32 $0xFFFFF086  }
0x25: {  	[simem:s6], [sflag:s4] =	dma.local [hbm:s3], $0xF7A  }
0x26: {  	[smem:$0x3F9A] =	sst s1;
	(tag) =	ssettag s2;
	_ =	strace s9  }
0x27: {  	s1 =	sld [smem:$0x3FAA]  }
0x28: {  	s2 =	sld [smem:$0x3FAB]  }
0x29: {  	s4 =	sld [smem:$0x3FAD]  }
0x2a: {  	p0 =	seq.s32 s5, $0x0;
	s5 =	sld [smem:$0x3FAE]  }
0x2b: {  	s6 =	sld [smem:$0x3FAF]  }
0x2c: {  	s7 =	sld [smem:$0x3FB0]  }
0x2d: {  	s3 =	simm.s32 $0x108;
	s8 =	sld [smem:$0x3FB1]  }
0x2e: {  	s3 =	simm.s32 @!p0 $0x1082;
	s9 =	sld [smem:$0x3FB2]  }
0x2f: {  	lr =	sadd.s32 s0, s3;
	s0 =	sld [smem:$0x3FA9]  }
0x30: {  	s3 =	sld [smem:$0x3FAC]  }
0x31: {  	[smem:$0x3FB5] =	sst s10  }
0x32: {  	s10 =	sld [smem:$0x3FB3];
	_ =	sdelay $0x3  }
0x33: {  	p0 =	seq.s32 s10, $0x1;
	s10 =	sld [smem:$0x3FB5];
	_ =	sdelay $0x3  }
0x34: {  	[smem:$0x3FB5] =	sst s10  }
0x35: {  	s10 =	sld [smem:$0x3FB4];
	_ =	sdelay $0x3  }
0x36: {  	p1 =	seq.s32 s10, $0x1;
	s10 =	sld [smem:$0x3FB5];
	_ =	sdelay $0x3  }
0x37: {  	[smem:$0x3FB5] =	sst s10  }
0x38: {  	s10 =	sld [smem:$0x3FB6]  }
0x39: {  	_ = 	snop;
	(pc) =	sbr.ind lr, $3  }
0x3a: {  	_ = 	snop  }
0x3b: {  	_ = 	snop  }
0x3c: {  	p2 =	seq.s32 s10, $0x1;
	s10 =	sld [smem:$0x3FB5]  }
0x3d: {  	_ =	shalt  }
0x3e: {  	_ =	shalt  }
0x3f: {  	_ =	shalt  }
0x40: {  	_ =	shalt  }
0x41: {  	_ =	shalt  }
0x42: {  	_ =	shalt  }
0x43: {  	_ =	shalt  }
0x44: {  	_ =	shalt  }
0x45: {  	_ =	shalt  }
0x46: {  	_ =	shalt  }
0x47: {  	_ =	shalt  }
0x48: {  	_ =	shalt  }
0x49: {  	_ =	shalt  }
0x4a: {  	_ =	shalt  }
0x4b: {  	_ =	shalt  }
0x4c: {  	_ =	shalt  }
0x4d: {  	_ =	shalt  }
0x4e: {  	_ =	shalt  }
0x4f: {  	_ =	shalt  }
0x50: {  	_ =	shalt  }
0x51: {  	_ =	shalt  }
0x52: {  	_ =	shalt  }
0x53: {  	_ =	shalt  }
0x54: {  	_ =	shalt  }
0x55: {  	_ =	shalt  }
0x56: {  	_ =	shalt  }
0x57: {  	_ =	shalt  }
0x58: {  	_ =	shalt  }
0x59: {  	_ =	shalt  }
0x5a: {  	_ =	shalt  }
0x5b: {  	_ =	shalt  }
0x5c: {  	_ =	shalt  }
0x5d: {  	_ =	shalt  }
0x5e: {  	_ =	shalt  }
0x5f: {  	_ =	shalt  }
0x60: {  	_ =	shalt  }
0x61: {  	_ =	shalt  }
0x62: {  	_ =	shalt  }
0x63: {  	_ =	shalt  }
0x64: {  	_ =	shalt  }
0x65: {  	_ =	shalt  }
0x66: {  	_ =	shalt  }
0x67: {  	_ =	shalt  }
0x68: {  	_ =	shalt  }
0x69: {  	_ =	shalt  }
0x6a: {  	_ =	shalt  }
0x6b: {  	_ =	shalt  }
0x6c: {  	_ =	shalt  }
0x6d: {  	_ =	shalt  }
0x6e: {  	_ =	shalt  }
0x6f: {  	_ =	shalt  }
0x70: {  	_ =	shalt  }
0x71: {  	_ =	shalt  }
0x72: {  	_ =	shalt  }
0x73: {  	_ =	shalt  }
0x74: {  	_ =	shalt  }
0x75: {  	_ =	shalt  }
0x76: {  	_ =	shalt  }
0x77: {  	_ =	shalt  }
0x78: {  	_ =	shalt  }
0x79: {  	_ =	shalt  }
0x7a: {  	_ =	shalt  }
0x7b: {  	_ =	shalt  }
0x7c: {  	_ =	shalt  }
0x7d: {  	_ =	shalt  }
0x7e: {  	_ =	shalt  }
0x7f: {  	_ =	shalt  }
0x80: {  	_ =	shalt  }
0x81: {  	_ =	shalt  }
0x82: {  	_ =	shalt  }
0x83: {  	_ =	shalt  }
0x84: {  	_ =	shalt  }
0x85: {  	_ =	shalt  }
0x86: {  	_ =	shalt  }
0x87: {  	_ =	shalt  }
.Lfunc_end0:
.L_simem_size_0:
called_computation_lowered:
.L_overlay_start_0:
0x88: {  	s2 =	sld [smem:$0x3FD9]  }
0x89: {  	s3 =	sld [smem:$0x3FFE];
	_ =	sdelay $0x1  }
0x8a: {  	s1 =	srdreg.scid  }
0x8b: {  	s0 =	sand.u32 $0x1, s1  }
0x8c: {  	s17 =	sshll.u32 s0, $0xA;
	s2 =	sadd.s32 s3, s2  }
0x8d: {  	s2 =	sadd.s32 s2, s17  }
0x8e: {  	[smem:$0x3FC1] =	sst s2  }
0x8f: {  	_ = 	snop  }
0x90: {  	s2 =	sld [smem:$0x3FD0];
	(tm) =	ssettm $0x1  }
0x91: {  	s18 =	sld [smem:$0x3FFB];
	_ =	sdelay $0x3  }
0x92: {  	_ =	strace s18  }
0x93: {  	s3 =	sld [smem:$0x3FFC];
	_ =	sdelay $0x3  }
0x94: {  	_ =	strace s3  }
0x95: {  	s3 =	sld [smem:$0x3FFD];
	_ =	sdelay $0x3  }
0x96: {  	_ =	strace s3  }
0x97: {  	_ =	strace $0x8FFFFFFF  }
0x98: {  	s19 =	sld [smem:$0x3FDB];
	_ =	sdelay $0x1  }
0x99: {  	s4 =	simm.s32 $_scs_section_size  }
0x9a: {  	s5 =	simm.s32 $_size__tile_overlayer_lowered;
	s6 =	simm.s32 $_tile_overlayer_lowered  }
0x9b: {  	s22 =	simm.s32 $0x1BFF;
	s21 =	sshll.u32 s6, $0x1;
	s3 =	sadd.s32 s4, s19  }
0x9c: {  	s7 =	simm.s32 $0x0;
	s20 =	sshll.u32 s5, $0x1;
	s5 =	sadd.s32 s21, s3  }
0x9d: {  	[timem:s7], [sflag:s22] =	dma.local [hbm:s5], s20  }
0x9e: {  	_ =	swait.ge [sflag:s22], s20  }
0x9f: {  	s4 =	ssub.s32 $0x0, s20;
	[sflag:s22] =	ssyncset.done $0x0  }
0xa0: {  	[sflag:s22] =	ssyncadd.s32 s4;
	_ =	sdelay $0x1  }
0xa1: {  	s23 =	simm.s32 $0x1B8B  }
0xa2: {  	_ =	swait.ge [sflag:s23], $0x1  }
0xa3: {  	[sflag:s23] =	ssyncset.done $0x0  }
0xa4: {  	s25 =	simm.s32 $0x1B8E;
	s24 =	sld [smem:$0x3FFE];
	[sflag:s23] =	ssyncadd.s32 $0xFFFFFFFF  }
0xa5: {  	s26 =	simm.s32 $execute0_lowered;
	[smem:$0x3FD2] =	sst s25  }
0xa6: {  	s5 =	sshll.u32 s26, $0x1;
	_ =	strace $0x80000046;
	[dreg:$0x1] =	wrdreg $0xFFFFFFFF  }
0xa7: {  	s28 =	simm.s32 $_size_execute0_lowered;
	s3 =	sadd.s32 s3, s5;
	[dreg:$0x0] =	wrdreg $0x0  }
0xa8: {  	s5 =	sshll.u32 s28, $0x1;
	[dreg:$0x2] =	wrdreg s3  }
0xa9: {  	[dreg:$0x3] =	wrdreg s5  }
0xaa: {  	[dreg:$0x4] =	wrdreg $0xC0  }
0xab: {  	_ =	task [dreg:s7], $0x5FFFF  }
0xac: {  	[dreg:$0x1] =	wrdreg $0xFFFFFFFF  }
0xad: {  	[dreg:$0x0] =	wrdreg $0x60  }
0xae: {  	[dreg:$0x2] =	wrdreg s24  }
0xaf: {  	[dreg:$0x3] =	wrdreg s2  }
0xb0: {  	[dreg:$0x4] =	wrdreg $0x9  }
0xb1: {  	_ =	task.clear_ibuf [dreg:s7], $0x5FFFF;
	_ =	strace $0x90000046  }
0xb2: {  	s29 =	simm.s32 $0x9;
	_ =	strace $0x80000048  }
0xb3: {  	_ =	swait.ge [sflag:s29], $0x1  }
0xb4: {  	[sflag:s29] =	ssyncadd.s32 $0xFFFFFFFF  }
0xb5: {  	_ =	strace $0x90000048  }
0xb6: {  	_ =	sfence  }
0xb7: {  	s30 =	sld [smem:$0x0];
	_ =	sdelay $0x2  }
0xb8: {  	s31 =	sshll.u32 s1, $0xD;
	s1 =	sshrl.u32 s1, $0x2  }
0xb9: {  	s3 =	sand.u32 $0x4000, s31;
	s1 =	sadd.s32 s1, s30  }
0xba: {  	s0 =	sor.u32 s3, s0;
	s1 =	sshll.u32 s1, $0x11  }
0xbb: {  	s0 =	sor.u32 s1, s0  }
0xbc: {  	s0 =	sadd.s32 $0x8F2B, s0  }
0xbd: {  	[sflag:s0] =	ssyncadd.remote.s32 $0x1  }
0xbe: {  	_ =	sfence.sel $0xFFFF  }
0xbf: {  	[dreg:$0x0] =	wrdreg $0xFFFFFFFF;
	(pc) =	sbr.abs _section_cstart, $3  }
0xc0: {  	[dreg:$0x1] =	wrdreg $0xFFFFFFFF  }
0xc1: {  	_ =	task.clear_ibuf [dreg:s7], $0x2FFFF;
	_ =	strace $0x9FFFFFFF  }
0xc2: {  	(tm) =	ssettm $0x7FFFFFFF  }
0xc3: {  	_ =	shalt  }
tec
execute0_lowered:
.L_overlay_start_1:
0x0: {  	(tag) =	ssettag $0x1  }
0x1: {  	s3 =	rddreg [dreg:$0x0]  }
0x2: {  	s4 =	rddreg [dreg:$0x1]  }
0x3: {  	s2 =	srdreg.scid;
	s0 =	rddreg [dreg:$0x2]  }
0x4: {  	s1 =	stileid.u32;
	s9 =	simm.s32 $0x6000;
	s10 =	simm.s32 $0x400  }
0x5: {  	s11 =	simm.s32 $0x800;
	s12 =	simm.s32 $0xE000;
	s13 =	simm.s32 $0x1  }
0x6: {  	s14 =	simm.s32 $0x0;
	s5 =	sand.u32 $0x1, s2;
	s2 =	simm.s32 $0x0  }
0x7: {  	s6 =	sshll.u32 s1, $0xF;
	s7 =	sshll.u32 s5, $0xE;
	[smem:$0x7FF] =	sst s2  }
0x8: {  	s5 =	ssub.s32 $0x2, s5;
	s6 =	sor.u32 s7, s6;
	_ =	strace $0x80000047  }
0x9: {  	s8 =	sshrl.u32 s5, $0x1;
	s7 =	sshrl.u32 s6, $0x3;
	s6 =	sshll.u32 s6, $0x5  }
0xa: {  	s8 =	ssub.s32 s5, s8;
	s7 =	sadd.s32 s7, s3;
	s6 =	sadd.s32 s6, s4  }
0xb: {  	v0 =	vlaneseq.u32;
	s3 =	sadd.s32 $0xC00, s3;
	s4 =	sadd.s32 $0x1000, s7;
	s5 =	sadd.s32 $0x80, s6  }
0xc: {  	v0 =	vmul.u32 $0x80, v0;
	s6 =	smax.u32 s8, $0x1;
	s7 =	simm.s32 $0x2;
	s8 =	simm.s32 $0x4000  }
.LBB2_1:
0xd: {  	[tilespmem:s2], [sflag:$0x2] =	stream.linear.gather [hbm4b:s4+s2], $0x4000, $0x38;
	[tilespmem:$0x16000] =	vst v63  }
0xe: {  	_ =	swait.ge [sflag:s7], $0x4000  }
0xf: {  	[sflag:s7] =	ssyncset.done $0x0  }
0x10: {  	[sflag:s7] =	ssyncadd.s32 $0xFFFFC000  }
0x11: {  	[tilespmem:s8], [sflag:$0x2] =	stream.linear.gather [hbm4b:s3+s2], $0x2000, $0x38;
	[tilespmem:$0x16000] =	vst v63  }
0x12: {  	_ =	swait.ge [sflag:s7], $0x2000  }
0x13: {  	[sflag:s7] =	ssyncset.done $0x0  }
0x14: {  	s15 =	simm.s32 $0x0;
	[sflag:s7] =	ssyncadd.s32 $0xFFFFE000  }
.LBB2_2:
0x15: {  	p0 =	seq.s32 s15, $0x0  }
0x16: {  	s17 =	simm.s32 @!p0 $0x1  }
0x17: {  	_ =	swait.ge @!p0 [sflag:s17], $0x8000  }
0x18: {  	s16 =	sshll.u32 s15, $0x1;
	s18 =	sshll.u32 s15, $0x9;
	[sflag:s17] =	ssyncset.done @!p0 $0x0  }
0x19: {  	[sflag:s17] =	ssyncadd.s32 @!p0 $0xFFFF8000;
	s17 =	sand.u32 $0x3FFFFE00, s18;
	s18 =	simm.s32 $0x0  }
.LBB2_3:
0x1a: {  	s19 =	sand.u32 $0x80, s18  }
0x1b: {  	s20 =	sand.u32 $0x70, s18;
	s19 =	sadd.s32 s19, s17  }
0x1c: {  	s19 =	sadd.s32 s20, s19  }
0x1d: {  	v1 =	vld [tilespmem:s19+$0x0];
	_ =	sdelay $0x4  }
0x1e: {  	v1 =	vshll.u32 v1, $0x7;
	_ =	sdelay $0x2  }
0x1f: {  	v2 =	vmov s18  }
0x20: {  	v2 =	vshll.u32 v2, $0x7  }
0x21: {  	v2 =	vor.u32 v0, v2;
	v3 =	vld.idx.msk [tilespmem:v1+s8+$0x0], $0xffff  }
0x22: {  	v4 =	vor.u32 $0x1, v1;
	_ =	sdelay $0x3  }
0x23: {  	[tilespmem:v2+s9+$0x0] =	vst.idx.msk $0xffff, v3  }
0x24: {  	v38 =	vor.u32 $0x1, v2;
	v3 =	vld.idx.msk [tilespmem:v4+s8+$0x0], $0xffff  }
0x25: {  	v5 =	vor.u32 $0x2, v1;
	_ =	sdelay $0x3  }
0x26: {  	[tilespmem:v38+s9+$0x0] =	vst.idx.msk $0xffff, v3  }
0x27: {  	v39 =	vor.u32 $0x2, v2;
	v3 =	vld.idx.msk [tilespmem:v5+s8+$0x0], $0xffff  }
0x28: {  	v40 =	vor.u32 $0x3, v1;
	_ =	sdelay $0x3  }
0x29: {  	[tilespmem:v39+s9+$0x0] =	vst.idx.msk $0xffff, v3  }
0x2a: {  	v41 =	vor.u32 $0x3, v2;
	v3 =	vld.idx.msk [tilespmem:v40+s8+$0x0], $0xffff  }
0x2b: {  	v42 =	vor.u32 $0x4, v1;
	_ =	sdelay $0x3  }
0x2c: {  	[tilespmem:v41+s9+$0x0] =	vst.idx.msk $0xffff, v3  }
0x2d: {  	v43 =	vor.u32 $0x4, v2;
	v3 =	vld.idx.msk [tilespmem:v42+s8+$0x0], $0xffff  }
0x2e: {  	v44 =	vor.u32 $0x5, v1;
	_ =	sdelay $0x3  }
0x2f: {  	[tilespmem:v43+s9+$0x0] =	vst.idx.msk $0xffff, v3  }
0x30: {  	v45 =	vor.u32 $0x5, v2;
	v3 =	vld.idx.msk [tilespmem:v44+s8+$0x0], $0xffff  }
0x31: {  	v46 =	vor.u32 $0x6, v1;
	_ =	sdelay $0x3  }
0x32: {  	[tilespmem:v45+s9+$0x0] =	vst.idx.msk $0xffff, v3  }
0x33: {  	v47 =	vor.u32 $0x6, v2;
	v3 =	vld.idx.msk [tilespmem:v46+s8+$0x0], $0xffff  }
0x34: {  	v48 =	vor.u32 $0x7, v1;
	_ =	sdelay $0x3  }
0x35: {  	[tilespmem:v47+s9+$0x0] =	vst.idx.msk $0xffff, v3  }
0x36: {  	v49 =	vor.u32 $0x7, v2;
	v3 =	vld.idx.msk [tilespmem:v48+s8+$0x0], $0xffff  }
0x37: {  	v50 =	vor.u32 $0x8, v1;
	_ =	sdelay $0x3  }
0x38: {  	[tilespmem:v49+s9+$0x0] =	vst.idx.msk $0xffff, v3  }
0x39: {  	v51 =	vor.u32 $0x8, v2;
	v3 =	vld.idx.msk [tilespmem:v50+s8+$0x0], $0xffff  }
0x3a: {  	v52 =	vor.u32 $0x9, v1;
	_ =	sdelay $0x3  }
0x3b: {  	[tilespmem:v51+s9+$0x0] =	vst.idx.msk $0xffff, v3  }
0x3c: {  	v53 =	vor.u32 $0x9, v2;
	v3 =	vld.idx.msk [tilespmem:v52+s8+$0x0], $0xffff  }
0x3d: {  	v54 =	vor.u32 $0xA, v1;
	_ =	sdelay $0x3  }
0x3e: {  	[tilespmem:v53+s9+$0x0] =	vst.idx.msk $0xffff, v3  }
0x3f: {  	v55 =	vor.u32 $0xA, v2;
	v3 =	vld.idx.msk [tilespmem:v54+s8+$0x0], $0xffff  }
0x40: {  	v56 =	vor.u32 $0xB, v1;
	_ =	sdelay $0x3  }
0x41: {  	[tilespmem:v55+s9+$0x0] =	vst.idx.msk $0xffff, v3  }
0x42: {  	v57 =	vor.u32 $0xB, v2;
	v3 =	vld.idx.msk [tilespmem:v56+s8+$0x0], $0xffff  }
0x43: {  	v58 =	vor.u32 $0xC, v1;
	_ =	sdelay $0x3  }
0x44: {  	[tilespmem:v57+s9+$0x0] =	vst.idx.msk $0xffff, v3  }
0x45: {  	v59 =	vor.u32 $0xC, v2;
	v3 =	vld.idx.msk [tilespmem:v58+s8+$0x0], $0xffff  }
0x46: {  	v60 =	vor.u32 $0xD, v1;
	_ =	sdelay $0x3  }
0x47: {  	[tilespmem:v59+s9+$0x0] =	vst.idx.msk $0xffff, v3  }
0x48: {  	v61 =	vor.u32 $0xD, v2;
	v3 =	vld.idx.msk [tilespmem:v60+s8+$0x0], $0xffff  }
0x49: {  	v62 =	vor.u32 $0xE, v1;
	_ =	sdelay $0x3  }
0x4a: {  	[tilespmem:v61+s9+$0x0] =	vst.idx.msk $0xffff, v3  }
0x4b: {  	v63 =	vor.u32 $0xE, v2;
	v3 =	vld.idx.msk [tilespmem:v62+s8+$0x0], $0xffff  }
0x4c: {  	v8 =	vor.u32 $0xF, v1;
	_ =	sdelay $0x3  }
0x4d: {  	[tilespmem:v63+s9+$0x0] =	vst.idx.msk $0xffff, v3  }
0x4e: {  	v9 =	vor.u32 $0xF, v2;
	v3 =	vld.idx.msk [tilespmem:v8+s8+$0x0], $0xffff  }
0x4f: {  	v10 =	vor.u32 $0x10, v1;
	_ =	sdelay $0x3  }
0x50: {  	[tilespmem:v9+s9+$0x0] =	vst.idx.msk $0xffff, v3  }
0x51: {  	v11 =	vor.u32 $0x10, v2;
	v3 =	vld.idx.msk [tilespmem:v10+s8+$0x0], $0xffff  }
0x52: {  	v12 =	vor.u32 $0x11, v1;
	_ =	sdelay $0x3  }
0x53: {  	[tilespmem:v11+s9+$0x0] =	vst.idx.msk $0xffff, v3  }
0x54: {  	v13 =	vor.u32 $0x11, v2;
	v3 =	vld.idx.msk [tilespmem:v12+s8+$0x0], $0xffff  }
0x55: {  	v14 =	vor.u32 $0x12, v1;
	_ =	sdelay $0x3  }
0x56: {  	[tilespmem:v13+s9+$0x0] =	vst.idx.msk $0xffff, v3  }
0x57: {  	v15 =	vor.u32 $0x12, v2;
	v3 =	vld.idx.msk [tilespmem:v14+s8+$0x0], $0xffff  }
0x58: {  	v16 =	vor.u32 $0x13, v1;
	_ =	sdelay $0x3  }
0x59: {  	[tilespmem:v15+s9+$0x0] =	vst.idx.msk $0xffff, v3  }
0x5a: {  	v17 =	vor.u32 $0x13, v2;
	v3 =	vld.idx.msk [tilespmem:v16+s8+$0x0], $0xffff  }
0x5b: {  	v18 =	vor.u32 $0x14, v1;
	_ =	sdelay $0x3  }
0x5c: {  	[tilespmem:v17+s9+$0x0] =	vst.idx.msk $0xffff, v3  }
0x5d: {  	v19 =	vor.u32 $0x14, v2;
	v3 =	vld.idx.msk [tilespmem:v18+s8+$0x0], $0xffff  }
0x5e: {  	v20 =	vor.u32 $0x15, v1;
	_ =	sdelay $0x3  }
0x5f: {  	[tilespmem:v19+s9+$0x0] =	vst.idx.msk $0xffff, v3  }
0x60: {  	v21 =	vor.u32 $0x15, v2;
	v3 =	vld.idx.msk [tilespmem:v20+s8+$0x0], $0xffff  }
0x61: {  	v22 =	vor.u32 $0x16, v1;
	_ =	sdelay $0x3  }
0x62: {  	[tilespmem:v21+s9+$0x0] =	vst.idx.msk $0xffff, v3  }
0x63: {  	v23 =	vor.u32 $0x16, v2;
	v3 =	vld.idx.msk [tilespmem:v22+s8+$0x0], $0xffff  }
0x64: {  	v24 =	vor.u32 $0x17, v1;
	_ =	sdelay $0x3  }
0x65: {  	[tilespmem:v23+s9+$0x0] =	vst.idx.msk $0xffff, v3  }
0x66: {  	v25 =	vor.u32 $0x17, v2;
	v3 =	vld.idx.msk [tilespmem:v24+s8+$0x0], $0xffff  }
0x67: {  	v26 =	vor.u32 $0x18, v1;
	_ =	sdelay $0x3  }
0x68: {  	[tilespmem:v25+s9+$0x0] =	vst.idx.msk $0xffff, v3  }
0x69: {  	v27 =	vor.u32 $0x18, v2;
	v3 =	vld.idx.msk [tilespmem:v26+s8+$0x0], $0xffff  }
0x6a: {  	v28 =	vor.u32 $0x19, v1;
	_ =	sdelay $0x3  }
0x6b: {  	[tilespmem:v27+s9+$0x0] =	vst.idx.msk $0xffff, v3  }
0x6c: {  	v29 =	vor.u32 $0x19, v2;
	v3 =	vld.idx.msk [tilespmem:v28+s8+$0x0], $0xffff  }
0x6d: {  	v30 =	vor.u32 $0x1A, v1;
	_ =	sdelay $0x3  }
0x6e: {  	[tilespmem:v29+s9+$0x0] =	vst.idx.msk $0xffff, v3  }
0x6f: {  	v31 =	vor.u32 $0x1A, v2;
	v3 =	vld.idx.msk [tilespmem:v30+s8+$0x0], $0xffff  }
0x70: {  	v32 =	vor.u32 $0x1B, v1;
	_ =	sdelay $0x3  }
0x71: {  	[tilespmem:v31+s9+$0x0] =	vst.idx.msk $0xffff, v3  }
0x72: {  	v33 =	vor.u32 $0x1B, v2;
	v3 =	vld.idx.msk [tilespmem:v32+s8+$0x0], $0xffff  }
0x73: {  	v34 =	vor.u32 $0x1C, v1;
	_ =	sdelay $0x3  }
0x74: {  	[tilespmem:v33+s9+$0x0] =	vst.idx.msk $0xffff, v3  }
0x75: {  	v35 =	vor.u32 $0x1C, v2;
	v3 =	vld.idx.msk [tilespmem:v34+s8+$0x0], $0xffff  }
0x76: {  	v36 =	vor.u32 $0x1D, v1;
	_ =	sdelay $0x3  }
0x77: {  	[tilespmem:v35+s9+$0x0] =	vst.idx.msk $0xffff, v3  }
0x78: {  	v37 =	vor.u32 $0x1D, v2;
	v3 =	vld.idx.msk [tilespmem:v36+s8+$0x0], $0xffff  }
0x79: {  	v38 =	vor.u32 $0x1E, v1;
	_ =	sdelay $0x3  }
0x7a: {  	[tilespmem:v37+s9+$0x0] =	vst.idx.msk $0xffff, v3  }
0x7b: {  	v39 =	vor.u32 $0x1E, v2;
	v3 =	vld.idx.msk [tilespmem:v38+s8+$0x0], $0xffff  }
0x7c: {  	v40 =	vor.u32 $0x1F, v1;
	_ =	sdelay $0x3  }
0x7d: {  	[tilespmem:v39+s9+$0x0] =	vst.idx.msk $0xffff, v3  }
0x7e: {  	v41 =	vor.u32 $0x1F, v2;
	v3 =	vld.idx.msk [tilespmem:v40+s8+$0x0], $0xffff  }
0x7f: {  	v42 =	vor.u32 $0x20, v1;
	_ =	sdelay $0x3  }
0x80: {  	[tilespmem:v41+s9+$0x0] =	vst.idx.msk $0xffff, v3  }
0x81: {  	v43 =	vor.u32 $0x20, v2;
	v3 =	vld.idx.msk [tilespmem:v42+s8+$0x0], $0xffff  }
0x82: {  	v44 =	vor.u32 $0x21, v1;
	_ =	sdelay $0x3  }
0x83: {  	[tilespmem:v43+s9+$0x0] =	vst.idx.msk $0xffff, v3  }
0x84: {  	v45 =	vor.u32 $0x21, v2;
	v3 =	vld.idx.msk [tilespmem:v44+s8+$0x0], $0xffff  }
0x85: {  	v46 =	vor.u32 $0x22, v1;
	_ =	sdelay $0x3  }
0x86: {  	[tilespmem:v45+s9+$0x0] =	vst.idx.msk $0xffff, v3  }
0x87: {  	v47 =	vor.u32 $0x22, v2;
	v3 =	vld.idx.msk [tilespmem:v46+s8+$0x0], $0xffff  }
0x88: {  	v48 =	vor.u32 $0x23, v1;
	_ =	sdelay $0x3  }
0x89: {  	[tilespmem:v47+s9+$0x0] =	vst.idx.msk $0xffff, v3  }
0x8a: {  	v49 =	vor.u32 $0x23, v2;
	v3 =	vld.idx.msk [tilespmem:v48+s8+$0x0], $0xffff  }
0x8b: {  	v50 =	vor.u32 $0x24, v1;
	_ =	sdelay $0x3  }
0x8c: {  	[tilespmem:v49+s9+$0x0] =	vst.idx.msk $0xffff, v3  }
0x8d: {  	v51 =	vor.u32 $0x24, v2;
	v3 =	vld.idx.msk [tilespmem:v50+s8+$0x0], $0xffff  }
0x8e: {  	v52 =	vor.u32 $0x25, v1;
	_ =	sdelay $0x3  }
0x8f: {  	[tilespmem:v51+s9+$0x0] =	vst.idx.msk $0xffff, v3  }
0x90: {  	v53 =	vor.u32 $0x25, v2;
	v3 =	vld.idx.msk [tilespmem:v52+s8+$0x0], $0xffff  }
0x91: {  	v54 =	vor.u32 $0x26, v1;
	_ =	sdelay $0x3  }
0x92: {  	[tilespmem:v53+s9+$0x0] =	vst.idx.msk $0xffff, v3  }
0x93: {  	v55 =	vor.u32 $0x26, v2;
	v3 =	vld.idx.msk [tilespmem:v54+s8+$0x0], $0xffff  }
0x94: {  	v56 =	vor.u32 $0x27, v1;
	_ =	sdelay $0x3  }
0x95: {  	[tilespmem:v55+s9+$0x0] =	vst.idx.msk $0xffff, v3  }
0x96: {  	v57 =	vor.u32 $0x27, v2;
	v3 =	vld.idx.msk [tilespmem:v56+s8+$0x0], $0xffff  }
0x97: {  	v58 =	vor.u32 $0x28, v1;
	_ =	sdelay $0x3  }
0x98: {  	[tilespmem:v57+s9+$0x0] =	vst.idx.msk $0xffff, v3  }
0x99: {  	v59 =	vor.u32 $0x28, v2;
	v3 =	vld.idx.msk [tilespmem:v58+s8+$0x0], $0xffff  }
0x9a: {  	v60 =	vor.u32 $0x29, v1;
	_ =	sdelay $0x3  }
0x9b: {  	[tilespmem:v59+s9+$0x0] =	vst.idx.msk $0xffff, v3  }
0x9c: {  	v61 =	vor.u32 $0x29, v2;
	v3 =	vld.idx.msk [tilespmem:v60+s8+$0x0], $0xffff  }
0x9d: {  	v62 =	vor.u32 $0x2A, v1;
	_ =	sdelay $0x3  }
0x9e: {  	[tilespmem:v61+s9+$0x0] =	vst.idx.msk $0xffff, v3  }
0x9f: {  	v63 =	vor.u32 $0x2A, v2;
	v3 =	vld.idx.msk [tilespmem:v62+s8+$0x0], $0xffff  }
0xa0: {  	v8 =	vor.u32 $0x2B, v1;
	_ =	sdelay $0x3  }
0xa1: {  	[tilespmem:v63+s9+$0x0] =	vst.idx.msk $0xffff, v3  }
0xa2: {  	v9 =	vor.u32 $0x2B, v2;
	v3 =	vld.idx.msk [tilespmem:v8+s8+$0x0], $0xffff  }
0xa3: {  	v10 =	vor.u32 $0x2C, v1;
	_ =	sdelay $0x3  }
0xa4: {  	[tilespmem:v9+s9+$0x0] =	vst.idx.msk $0xffff, v3  }
0xa5: {  	v11 =	vor.u32 $0x2C, v2;
	v3 =	vld.idx.msk [tilespmem:v10+s8+$0x0], $0xffff  }
0xa6: {  	v12 =	vor.u32 $0x2D, v1;
	_ =	sdelay $0x3  }
0xa7: {  	[tilespmem:v11+s9+$0x0] =	vst.idx.msk $0xffff, v3  }
0xa8: {  	v13 =	vor.u32 $0x2D, v2;
	v3 =	vld.idx.msk [tilespmem:v12+s8+$0x0], $0xffff  }
0xa9: {  	v14 =	vor.u32 $0x2E, v1;
	_ =	sdelay $0x3  }
0xaa: {  	[tilespmem:v13+s9+$0x0] =	vst.idx.msk $0xffff, v3  }
0xab: {  	v15 =	vor.u32 $0x2E, v2;
	v3 =	vld.idx.msk [tilespmem:v14+s8+$0x0], $0xffff  }
0xac: {  	v16 =	vor.u32 $0x2F, v1;
	_ =	sdelay $0x3  }
0xad: {  	[tilespmem:v15+s9+$0x0] =	vst.idx.msk $0xffff, v3  }
0xae: {  	v17 =	vor.u32 $0x2F, v2;
	v3 =	vld.idx.msk [tilespmem:v16+s8+$0x0], $0xffff  }
0xaf: {  	v18 =	vor.u32 $0x30, v1;
	_ =	sdelay $0x3  }
0xb0: {  	[tilespmem:v17+s9+$0x0] =	vst.idx.msk $0xffff, v3  }
0xb1: {  	v19 =	vor.u32 $0x30, v2;
	v3 =	vld.idx.msk [tilespmem:v18+s8+$0x0], $0xffff  }
0xb2: {  	v20 =	vor.u32 $0x31, v1;
	_ =	sdelay $0x3  }
0xb3: {  	[tilespmem:v19+s9+$0x0] =	vst.idx.msk $0xffff, v3  }
0xb4: {  	v21 =	vor.u32 $0x31, v2;
	v3 =	vld.idx.msk [tilespmem:v20+s8+$0x0], $0xffff  }
0xb5: {  	v22 =	vor.u32 $0x32, v1;
	_ =	sdelay $0x3  }
0xb6: {  	[tilespmem:v21+s9+$0x0] =	vst.idx.msk $0xffff, v3  }
0xb7: {  	v23 =	vor.u32 $0x32, v2;
	v3 =	vld.idx.msk [tilespmem:v22+s8+$0x0], $0xffff  }
0xb8: {  	v24 =	vor.u32 $0x33, v1;
	_ =	sdelay $0x3  }
0xb9: {  	[tilespmem:v23+s9+$0x0] =	vst.idx.msk $0xffff, v3  }
0xba: {  	v25 =	vor.u32 $0x33, v2;
	v3 =	vld.idx.msk [tilespmem:v24+s8+$0x0], $0xffff  }
0xbb: {  	v26 =	vor.u32 $0x34, v1;
	_ =	sdelay $0x3  }
0xbc: {  	[tilespmem:v25+s9+$0x0] =	vst.idx.msk $0xffff, v3  }
0xbd: {  	v27 =	vor.u32 $0x34, v2;
	v3 =	vld.idx.msk [tilespmem:v26+s8+$0x0], $0xffff  }
0xbe: {  	v28 =	vor.u32 $0x35, v1;
	_ =	sdelay $0x3  }
0xbf: {  	[tilespmem:v27+s9+$0x0] =	vst.idx.msk $0xffff, v3  }
0xc0: {  	v29 =	vor.u32 $0x35, v2;
	v3 =	vld.idx.msk [tilespmem:v28+s8+$0x0], $0xffff  }
0xc1: {  	v30 =	vor.u32 $0x36, v1;
	_ =	sdelay $0x3  }
0xc2: {  	[tilespmem:v29+s9+$0x0] =	vst.idx.msk $0xffff, v3  }
0xc3: {  	v31 =	vor.u32 $0x36, v2;
	v3 =	vld.idx.msk [tilespmem:v30+s8+$0x0], $0xffff  }
0xc4: {  	v32 =	vor.u32 $0x37, v1;
	_ =	sdelay $0x3  }
0xc5: {  	[tilespmem:v31+s9+$0x0] =	vst.idx.msk $0xffff, v3  }
0xc6: {  	v33 =	vor.u32 $0x37, v2;
	v3 =	vld.idx.msk [tilespmem:v32+s8+$0x0], $0xffff  }
0xc7: {  	v34 =	vor.u32 $0x38, v1;
	_ =	sdelay $0x3  }
0xc8: {  	[tilespmem:v33+s9+$0x0] =	vst.idx.msk $0xffff, v3  }
0xc9: {  	v35 =	vor.u32 $0x38, v2;
	v3 =	vld.idx.msk [tilespmem:v34+s8+$0x0], $0xffff  }
0xca: {  	v36 =	vor.u32 $0x39, v1;
	_ =	sdelay $0x3  }
0xcb: {  	[tilespmem:v35+s9+$0x0] =	vst.idx.msk $0xffff, v3  }
0xcc: {  	v37 =	vor.u32 $0x39, v2;
	v3 =	vld.idx.msk [tilespmem:v36+s8+$0x0], $0xffff  }
0xcd: {  	v38 =	vor.u32 $0x3A, v1;
	_ =	sdelay $0x3  }
0xce: {  	[tilespmem:v37+s9+$0x0] =	vst.idx.msk $0xffff, v3  }
0xcf: {  	v39 =	vor.u32 $0x3A, v2;
	v3 =	vld.idx.msk [tilespmem:v38+s8+$0x0], $0xffff  }
0xd0: {  	v40 =	vor.u32 $0x3B, v1;
	_ =	sdelay $0x3  }
0xd1: {  	[tilespmem:v39+s9+$0x0] =	vst.idx.msk $0xffff, v3  }
0xd2: {  	v41 =	vor.u32 $0x3B, v2;
	v3 =	vld.idx.msk [tilespmem:v40+s8+$0x0], $0xffff  }
0xd3: {  	v42 =	vor.u32 $0x3C, v1;
	_ =	sdelay $0x3  }
0xd4: {  	[tilespmem:v41+s9+$0x0] =	vst.idx.msk $0xffff, v3  }
0xd5: {  	v43 =	vor.u32 $0x3C, v2;
	v3 =	vld.idx.msk [tilespmem:v42+s8+$0x0], $0xffff  }
0xd6: {  	v44 =	vor.u32 $0x3D, v1;
	_ =	sdelay $0x3  }
0xd7: {  	[tilespmem:v43+s9+$0x0] =	vst.idx.msk $0xffff, v3  }
0xd8: {  	v45 =	vor.u32 $0x3D, v2;
	v3 =	vld.idx.msk [tilespmem:v44+s8+$0x0], $0xffff  }
0xd9: {  	v46 =	vor.u32 $0x3E, v1;
	_ =	sdelay $0x3  }
0xda: {  	[tilespmem:v45+s9+$0x0] =	vst.idx.msk $0xffff, v3  }
0xdb: {  	v47 =	vor.u32 $0x3E, v2;
	v3 =	vld.idx.msk [tilespmem:v46+s8+$0x0], $0xffff  }
0xdc: {  	v48 =	vor.u32 $0x3F, v1;
	_ =	sdelay $0x3  }
0xdd: {  	[tilespmem:v47+s9+$0x0] =	vst.idx.msk $0xffff, v3  }
0xde: {  	v49 =	vor.u32 $0x3F, v2;
	v3 =	vld.idx.msk [tilespmem:v48+s8+$0x0], $0xffff  }
0xdf: {  	v50 =	vor.u32 $0x40, v1;
	_ =	sdelay $0x3  }
0xe0: {  	[tilespmem:v49+s9+$0x0] =	vst.idx.msk $0xffff, v3  }
0xe1: {  	v51 =	vor.u32 $0x40, v2;
	v3 =	vld.idx.msk [tilespmem:v50+s8+$0x0], $0xffff  }
0xe2: {  	v52 =	vor.u32 $0x41, v1;
	_ =	sdelay $0x3  }
0xe3: {  	[tilespmem:v51+s9+$0x0] =	vst.idx.msk $0xffff, v3  }
0xe4: {  	v53 =	vor.u32 $0x41, v2;
	v3 =	vld.idx.msk [tilespmem:v52+s8+$0x0], $0xffff  }
0xe5: {  	v54 =	vor.u32 $0x42, v1;
	_ =	sdelay $0x3  }
0xe6: {  	[tilespmem:v53+s9+$0x0] =	vst.idx.msk $0xffff, v3  }
0xe7: {  	v55 =	vor.u32 $0x42, v2;
	v3 =	vld.idx.msk [tilespmem:v54+s8+$0x0], $0xffff  }
0xe8: {  	v56 =	vor.u32 $0x43, v1;
	_ =	sdelay $0x3  }
0xe9: {  	[tilespmem:v55+s9+$0x0] =	vst.idx.msk $0xffff, v3  }
0xea: {  	v57 =	vor.u32 $0x43, v2;
	v3 =	vld.idx.msk [tilespmem:v56+s8+$0x0], $0xffff  }
0xeb: {  	v58 =	vor.u32 $0x44, v1;
	_ =	sdelay $0x3  }
0xec: {  	[tilespmem:v57+s9+$0x0] =	vst.idx.msk $0xffff, v3  }
0xed: {  	v59 =	vor.u32 $0x44, v2;
	v3 =	vld.idx.msk [tilespmem:v58+s8+$0x0], $0xffff  }
0xee: {  	v60 =	vor.u32 $0x45, v1;
	_ =	sdelay $0x3  }
0xef: {  	[tilespmem:v59+s9+$0x0] =	vst.idx.msk $0xffff, v3  }
0xf0: {  	v61 =	vor.u32 $0x45, v2;
	v3 =	vld.idx.msk [tilespmem:v60+s8+$0x0], $0xffff  }
0xf1: {  	v62 =	vor.u32 $0x46, v1;
	_ =	sdelay $0x3  }
0xf2: {  	[tilespmem:v61+s9+$0x0] =	vst.idx.msk $0xffff, v3  }
0xf3: {  	v63 =	vor.u32 $0x46, v2;
	v3 =	vld.idx.msk [tilespmem:v62+s8+$0x0], $0xffff  }
0xf4: {  	v8 =	vor.u32 $0x47, v1;
	_ =	sdelay $0x3  }
0xf5: {  	[tilespmem:v63+s9+$0x0] =	vst.idx.msk $0xffff, v3  }
0xf6: {  	v9 =	vor.u32 $0x47, v2;
	v3 =	vld.idx.msk [tilespmem:v8+s8+$0x0], $0xffff  }
0xf7: {  	v10 =	vor.u32 $0x48, v1;
	_ =	sdelay $0x3  }
0xf8: {  	[tilespmem:v9+s9+$0x0] =	vst.idx.msk $0xffff, v3  }
0xf9: {  	v11 =	vor.u32 $0x48, v2;
	v3 =	vld.idx.msk [tilespmem:v10+s8+$0x0], $0xffff  }
0xfa: {  	v12 =	vor.u32 $0x49, v1;
	_ =	sdelay $0x3  }
0xfb: {  	[tilespmem:v11+s9+$0x0] =	vst.idx.msk $0xffff, v3  }
0xfc: {  	v13 =	vor.u32 $0x49, v2;
	v3 =	vld.idx.msk [tilespmem:v12+s8+$0x0], $0xffff  }
0xfd: {  	v14 =	vor.u32 $0x4A, v1;
	_ =	sdelay $0x3  }
0xfe: {  	[tilespmem:v13+s9+$0x0] =	vst.idx.msk $0xffff, v3  }
0xff: {  	v15 =	vor.u32 $0x4A, v2;
	v3 =	vld.idx.msk [tilespmem:v14+s8+$0x0], $0xffff  }
0x100: {  	v16 =	vor.u32 $0x4B, v1;
	_ =	sdelay $0x3  }
0x101: {  	[tilespmem:v15+s9+$0x0] =	vst.idx.msk $0xffff, v3  }
0x102: {  	v17 =	vor.u32 $0x4B, v2;
	v3 =	vld.idx.msk [tilespmem:v16+s8+$0x0], $0xffff  }
0x103: {  	v18 =	vor.u32 $0x4C, v1;
	_ =	sdelay $0x3  }
0x104: {  	[tilespmem:v17+s9+$0x0] =	vst.idx.msk $0xffff, v3  }
0x105: {  	v19 =	vor.u32 $0x4C, v2;
	v3 =	vld.idx.msk [tilespmem:v18+s8+$0x0], $0xffff  }
0x106: {  	v20 =	vor.u32 $0x4D, v1;
	_ =	sdelay $0x3  }
0x107: {  	[tilespmem:v19+s9+$0x0] =	vst.idx.msk $0xffff, v3  }
0x108: {  	v21 =	vor.u32 $0x4D, v2;
	v3 =	vld.idx.msk [tilespmem:v20+s8+$0x0], $0xffff  }
0x109: {  	v22 =	vor.u32 $0x4E, v1;
	_ =	sdelay $0x3  }
0x10a: {  	[tilespmem:v21+s9+$0x0] =	vst.idx.msk $0xffff, v3  }
0x10b: {  	v23 =	vor.u32 $0x4E, v2;
	v3 =	vld.idx.msk [tilespmem:v22+s8+$0x0], $0xffff  }
0x10c: {  	v24 =	vor.u32 $0x4F, v1;
	_ =	sdelay $0x3  }
0x10d: {  	[tilespmem:v23+s9+$0x0] =	vst.idx.msk $0xffff, v3  }
0x10e: {  	v25 =	vor.u32 $0x4F, v2;
	v3 =	vld.idx.msk [tilespmem:v24+s8+$0x0], $0xffff  }
0x10f: {  	v26 =	vor.u32 $0x50, v1;
	_ =	sdelay $0x3  }
0x110: {  	[tilespmem:v25+s9+$0x0] =	vst.idx.msk $0xffff, v3  }
0x111: {  	v27 =	vor.u32 $0x50, v2;
	v3 =	vld.idx.msk [tilespmem:v26+s8+$0x0], $0xffff  }
0x112: {  	v28 =	vor.u32 $0x51, v1;
	_ =	sdelay $0x3  }
0x113: {  	[tilespmem:v27+s9+$0x0] =	vst.idx.msk $0xffff, v3  }
0x114: {  	v29 =	vor.u32 $0x51, v2;
	v3 =	vld.idx.msk [tilespmem:v28+s8+$0x0], $0xffff  }
0x115: {  	v30 =	vor.u32 $0x52, v1;
	_ =	sdelay $0x3  }
0x116: {  	[tilespmem:v29+s9+$0x0] =	vst.idx.msk $0xffff, v3  }
0x117: {  	v31 =	vor.u32 $0x52, v2;
	v3 =	vld.idx.msk [tilespmem:v30+s8+$0x0], $0xffff  }
0x118: {  	v32 =	vor.u32 $0x53, v1;
	_ =	sdelay $0x3  }
0x119: {  	[tilespmem:v31+s9+$0x0] =	vst.idx.msk $0xffff, v3  }
0x11a: {  	v33 =	vor.u32 $0x53, v2;
	v3 =	vld.idx.msk [tilespmem:v32+s8+$0x0], $0xffff  }
0x11b: {  	v34 =	vor.u32 $0x54, v1;
	_ =	sdelay $0x3  }
0x11c: {  	[tilespmem:v33+s9+$0x0] =	vst.idx.msk $0xffff, v3  }
0x11d: {  	v35 =	vor.u32 $0x54, v2;
	v3 =	vld.idx.msk [tilespmem:v34+s8+$0x0], $0xffff  }
0x11e: {  	v36 =	vor.u32 $0x55, v1;
	_ =	sdelay $0x3  }
0x11f: {  	[tilespmem:v35+s9+$0x0] =	vst.idx.msk $0xffff, v3  }
0x120: {  	v37 =	vor.u32 $0x55, v2;
	v3 =	vld.idx.msk [tilespmem:v36+s8+$0x0], $0xffff  }
0x121: {  	v38 =	vor.u32 $0x56, v1;
	_ =	sdelay $0x3  }
0x122: {  	[tilespmem:v37+s9+$0x0] =	vst.idx.msk $0xffff, v3  }
0x123: {  	v39 =	vor.u32 $0x56, v2;
	v3 =	vld.idx.msk [tilespmem:v38+s8+$0x0], $0xffff  }
0x124: {  	v40 =	vor.u32 $0x57, v1;
	_ =	sdelay $0x3  }
0x125: {  	[tilespmem:v39+s9+$0x0] =	vst.idx.msk $0xffff, v3  }
0x126: {  	v41 =	vor.u32 $0x57, v2;
	v3 =	vld.idx.msk [tilespmem:v40+s8+$0x0], $0xffff  }
0x127: {  	v42 =	vor.u32 $0x58, v1;
	_ =	sdelay $0x3  }
0x128: {  	[tilespmem:v41+s9+$0x0] =	vst.idx.msk $0xffff, v3  }
0x129: {  	v43 =	vor.u32 $0x58, v2;
	v3 =	vld.idx.msk [tilespmem:v42+s8+$0x0], $0xffff  }
0x12a: {  	v44 =	vor.u32 $0x59, v1;
	_ =	sdelay $0x3  }
0x12b: {  	[tilespmem:v43+s9+$0x0] =	vst.idx.msk $0xffff, v3  }
0x12c: {  	v45 =	vor.u32 $0x59, v2;
	v3 =	vld.idx.msk [tilespmem:v44+s8+$0x0], $0xffff  }
0x12d: {  	v46 =	vor.u32 $0x5A, v1;
	_ =	sdelay $0x3  }
0x12e: {  	[tilespmem:v45+s9+$0x0] =	vst.idx.msk $0xffff, v3  }
0x12f: {  	v47 =	vor.u32 $0x5A, v2;
	v3 =	vld.idx.msk [tilespmem:v46+s8+$0x0], $0xffff  }
0x130: {  	v48 =	vor.u32 $0x5B, v1;
	_ =	sdelay $0x3  }
0x131: {  	[tilespmem:v47+s9+$0x0] =	vst.idx.msk $0xffff, v3  }
0x132: {  	v49 =	vor.u32 $0x5B, v2;
	v3 =	vld.idx.msk [tilespmem:v48+s8+$0x0], $0xffff  }
0x133: {  	v50 =	vor.u32 $0x5C, v1;
	_ =	sdelay $0x3  }
0x134: {  	[tilespmem:v49+s9+$0x0] =	vst.idx.msk $0xffff, v3  }
0x135: {  	v51 =	vor.u32 $0x5C, v2;
	v3 =	vld.idx.msk [tilespmem:v50+s8+$0x0], $0xffff  }
0x136: {  	v52 =	vor.u32 $0x5D, v1;
	_ =	sdelay $0x3  }
0x137: {  	[tilespmem:v51+s9+$0x0] =	vst.idx.msk $0xffff, v3  }
0x138: {  	v53 =	vor.u32 $0x5D, v2;
	v3 =	vld.idx.msk [tilespmem:v52+s8+$0x0], $0xffff  }
0x139: {  	v54 =	vor.u32 $0x5E, v1;
	_ =	sdelay $0x3  }
0x13a: {  	[tilespmem:v53+s9+$0x0] =	vst.idx.msk $0xffff, v3  }
0x13b: {  	v55 =	vor.u32 $0x5E, v2;
	v3 =	vld.idx.msk [tilespmem:v54+s8+$0x0], $0xffff  }
0x13c: {  	v56 =	vor.u32 $0x5F, v1;
	_ =	sdelay $0x3  }
0x13d: {  	[tilespmem:v55+s9+$0x0] =	vst.idx.msk $0xffff, v3  }
0x13e: {  	v57 =	vor.u32 $0x5F, v2;
	v3 =	vld.idx.msk [tilespmem:v56+s8+$0x0], $0xffff  }
0x13f: {  	v58 =	vor.u32 $0x60, v1;
	_ =	sdelay $0x3  }
0x140: {  	[tilespmem:v57+s9+$0x0] =	vst.idx.msk $0xffff, v3  }
0x141: {  	v59 =	vor.u32 $0x60, v2;
	v3 =	vld.idx.msk [tilespmem:v58+s8+$0x0], $0xffff  }
0x142: {  	v60 =	vor.u32 $0x61, v1;
	_ =	sdelay $0x3  }
0x143: {  	[tilespmem:v59+s9+$0x0] =	vst.idx.msk $0xffff, v3  }
0x144: {  	v61 =	vor.u32 $0x61, v2;
	v3 =	vld.idx.msk [tilespmem:v60+s8+$0x0], $0xffff  }
0x145: {  	v62 =	vor.u32 $0x62, v1;
	_ =	sdelay $0x3  }
0x146: {  	[tilespmem:v61+s9+$0x0] =	vst.idx.msk $0xffff, v3  }
0x147: {  	v63 =	vor.u32 $0x62, v2;
	v3 =	vld.idx.msk [tilespmem:v62+s8+$0x0], $0xffff  }
0x148: {  	v8 =	vor.u32 $0x63, v1;
	_ =	sdelay $0x3  }
0x149: {  	[tilespmem:v63+s9+$0x0] =	vst.idx.msk $0xffff, v3  }
0x14a: {  	v9 =	vor.u32 $0x63, v2;
	v3 =	vld.idx.msk [tilespmem:v8+s8+$0x0], $0xffff  }
0x14b: {  	v10 =	vor.u32 $0x64, v1;
	_ =	sdelay $0x3  }
0x14c: {  	[tilespmem:v9+s9+$0x0] =	vst.idx.msk $0xffff, v3  }
0x14d: {  	v11 =	vor.u32 $0x64, v2;
	v3 =	vld.idx.msk [tilespmem:v10+s8+$0x0], $0xffff  }
0x14e: {  	v12 =	vor.u32 $0x65, v1;
	_ =	sdelay $0x3  }
0x14f: {  	[tilespmem:v11+s9+$0x0] =	vst.idx.msk $0xffff, v3  }
0x150: {  	v13 =	vor.u32 $0x65, v2;
	v3 =	vld.idx.msk [tilespmem:v12+s8+$0x0], $0xffff  }
0x151: {  	v14 =	vor.u32 $0x66, v1;
	_ =	sdelay $0x3  }
0x152: {  	[tilespmem:v13+s9+$0x0] =	vst.idx.msk $0xffff, v3  }
0x153: {  	v15 =	vor.u32 $0x66, v2;
	v3 =	vld.idx.msk [tilespmem:v14+s8+$0x0], $0xffff  }
0x154: {  	v16 =	vor.u32 $0x67, v1;
	_ =	sdelay $0x3  }
0x155: {  	[tilespmem:v15+s9+$0x0] =	vst.idx.msk $0xffff, v3  }
0x156: {  	v17 =	vor.u32 $0x67, v2;
	v3 =	vld.idx.msk [tilespmem:v16+s8+$0x0], $0xffff  }
0x157: {  	v18 =	vor.u32 $0x68, v1;
	_ =	sdelay $0x3  }
0x158: {  	[tilespmem:v17+s9+$0x0] =	vst.idx.msk $0xffff, v3  }
0x159: {  	v19 =	vor.u32 $0x68, v2;
	v3 =	vld.idx.msk [tilespmem:v18+s8+$0x0], $0xffff  }
0x15a: {  	v20 =	vor.u32 $0x69, v1;
	_ =	sdelay $0x3  }
0x15b: {  	[tilespmem:v19+s9+$0x0] =	vst.idx.msk $0xffff, v3  }
0x15c: {  	v21 =	vor.u32 $0x69, v2;
	v3 =	vld.idx.msk [tilespmem:v20+s8+$0x0], $0xffff  }
0x15d: {  	v22 =	vor.u32 $0x6A, v1;
	_ =	sdelay $0x3  }
0x15e: {  	[tilespmem:v21+s9+$0x0] =	vst.idx.msk $0xffff, v3  }
0x15f: {  	v23 =	vor.u32 $0x6A, v2;
	v3 =	vld.idx.msk [tilespmem:v22+s8+$0x0], $0xffff  }
0x160: {  	v24 =	vor.u32 $0x6B, v1;
	_ =	sdelay $0x3  }
0x161: {  	[tilespmem:v23+s9+$0x0] =	vst.idx.msk $0xffff, v3  }
0x162: {  	v25 =	vor.u32 $0x6B, v2;
	v3 =	vld.idx.msk [tilespmem:v24+s8+$0x0], $0xffff  }
0x163: {  	v26 =	vor.u32 $0x6C, v1;
	_ =	sdelay $0x3  }
0x164: {  	[tilespmem:v25+s9+$0x0] =	vst.idx.msk $0xffff, v3  }
0x165: {  	v27 =	vor.u32 $0x6C, v2;
	v3 =	vld.idx.msk [tilespmem:v26+s8+$0x0], $0xffff  }
0x166: {  	v28 =	vor.u32 $0x6D, v1;
	_ =	sdelay $0x3  }
0x167: {  	[tilespmem:v27+s9+$0x0] =	vst.idx.msk $0xffff, v3  }
0x168: {  	v29 =	vor.u32 $0x6D, v2;
	v3 =	vld.idx.msk [tilespmem:v28+s8+$0x0], $0xffff  }
0x169: {  	v30 =	vor.u32 $0x6E, v1;
	_ =	sdelay $0x3  }
0x16a: {  	[tilespmem:v29+s9+$0x0] =	vst.idx.msk $0xffff, v3  }
0x16b: {  	v31 =	vor.u32 $0x6E, v2;
	v3 =	vld.idx.msk [tilespmem:v30+s8+$0x0], $0xffff  }
0x16c: {  	v32 =	vor.u32 $0x6F, v1;
	_ =	sdelay $0x3  }
0x16d: {  	[tilespmem:v31+s9+$0x0] =	vst.idx.msk $0xffff, v3  }
0x16e: {  	v33 =	vor.u32 $0x6F, v2;
	v3 =	vld.idx.msk [tilespmem:v32+s8+$0x0], $0xffff  }
0x16f: {  	v34 =	vor.u32 $0x70, v1;
	_ =	sdelay $0x3  }
0x170: {  	[tilespmem:v33+s9+$0x0] =	vst.idx.msk $0xffff, v3  }
0x171: {  	v35 =	vor.u32 $0x70, v2;
	v3 =	vld.idx.msk [tilespmem:v34+s8+$0x0], $0xffff  }
0x172: {  	v36 =	vor.u32 $0x71, v1;
	_ =	sdelay $0x3  }
0x173: {  	[tilespmem:v35+s9+$0x0] =	vst.idx.msk $0xffff, v3  }
0x174: {  	v37 =	vor.u32 $0x71, v2;
	v3 =	vld.idx.msk [tilespmem:v36+s8+$0x0], $0xffff  }
0x175: {  	v38 =	vor.u32 $0x72, v1;
	_ =	sdelay $0x3  }
0x176: {  	[tilespmem:v37+s9+$0x0] =	vst.idx.msk $0xffff, v3  }
0x177: {  	v39 =	vor.u32 $0x72, v2;
	v3 =	vld.idx.msk [tilespmem:v38+s8+$0x0], $0xffff  }
0x178: {  	v40 =	vor.u32 $0x73, v1;
	_ =	sdelay $0x3  }
0x179: {  	[tilespmem:v39+s9+$0x0] =	vst.idx.msk $0xffff, v3  }
0x17a: {  	v41 =	vor.u32 $0x73, v2;
	v3 =	vld.idx.msk [tilespmem:v40+s8+$0x0], $0xffff  }
0x17b: {  	v42 =	vor.u32 $0x74, v1;
	_ =	sdelay $0x3  }
0x17c: {  	[tilespmem:v41+s9+$0x0] =	vst.idx.msk $0xffff, v3  }
0x17d: {  	v43 =	vor.u32 $0x74, v2;
	v3 =	vld.idx.msk [tilespmem:v42+s8+$0x0], $0xffff  }
0x17e: {  	v44 =	vor.u32 $0x75, v1;
	_ =	sdelay $0x3  }
0x17f: {  	[tilespmem:v43+s9+$0x0] =	vst.idx.msk $0xffff, v3  }
0x180: {  	v45 =	vor.u32 $0x75, v2;
	v3 =	vld.idx.msk [tilespmem:v44+s8+$0x0], $0xffff  }
0x181: {  	v46 =	vor.u32 $0x76, v1;
	_ =	sdelay $0x3  }
0x182: {  	[tilespmem:v45+s9+$0x0] =	vst.idx.msk $0xffff, v3  }
0x183: {  	v47 =	vor.u32 $0x76, v2;
	v3 =	vld.idx.msk [tilespmem:v46+s8+$0x0], $0xffff  }
0x184: {  	v48 =	vor.u32 $0x77, v1;
	_ =	sdelay $0x3  }
0x185: {  	[tilespmem:v47+s9+$0x0] =	vst.idx.msk $0xffff, v3  }
0x186: {  	v49 =	vor.u32 $0x77, v2;
	v3 =	vld.idx.msk [tilespmem:v48+s8+$0x0], $0xffff  }
0x187: {  	v50 =	vor.u32 $0x78, v1;
	_ =	sdelay $0x3  }
0x188: {  	[tilespmem:v49+s9+$0x0] =	vst.idx.msk $0xffff, v3  }
0x189: {  	v51 =	vor.u32 $0x78, v2;
	v3 =	vld.idx.msk [tilespmem:v50+s8+$0x0], $0xffff  }
0x18a: {  	v52 =	vor.u32 $0x79, v1;
	_ =	sdelay $0x3  }
0x18b: {  	[tilespmem:v51+s9+$0x0] =	vst.idx.msk $0xffff, v3  }
0x18c: {  	v53 =	vor.u32 $0x79, v2;
	v3 =	vld.idx.msk [tilespmem:v52+s8+$0x0], $0xffff  }
0x18d: {  	v54 =	vor.u32 $0x7A, v1;
	_ =	sdelay $0x3  }
0x18e: {  	[tilespmem:v53+s9+$0x0] =	vst.idx.msk $0xffff, v3  }
0x18f: {  	v55 =	vor.u32 $0x7A, v2;
	v3 =	vld.idx.msk [tilespmem:v54+s8+$0x0], $0xffff  }
0x190: {  	v56 =	vor.u32 $0x7B, v1;
	_ =	sdelay $0x3  }
0x191: {  	[tilespmem:v55+s9+$0x0] =	vst.idx.msk $0xffff, v3  }
0x192: {  	v57 =	vor.u32 $0x7B, v2;
	v3 =	vld.idx.msk [tilespmem:v56+s8+$0x0], $0xffff  }
0x193: {  	v58 =	vor.u32 $0x7C, v1;
	_ =	sdelay $0x3  }
0x194: {  	[tilespmem:v57+s9+$0x0] =	vst.idx.msk $0xffff, v3  }
0x195: {  	v59 =	vor.u32 $0x7C, v2;
	v3 =	vld.idx.msk [tilespmem:v58+s8+$0x0], $0xffff  }
0x196: {  	v60 =	vor.u32 $0x7D, v1;
	_ =	sdelay $0x3  }
0x197: {  	[tilespmem:v59+s9+$0x0] =	vst.idx.msk $0xffff, v3  }
0x198: {  	v61 =	vor.u32 $0x7D, v2;
	v3 =	vld.idx.msk [tilespmem:v60+s8+$0x0], $0xffff  }
0x199: {  	v62 =	vor.u32 $0x7E, v1;
	_ =	sdelay $0x3  }
0x19a: {  	[tilespmem:v61+s9+$0x0] =	vst.idx.msk $0xffff, v3  }
0x19b: {  	v63 =	vor.u32 $0x7E, v2;
	v3 =	vld.idx.msk [tilespmem:v62+s8+$0x0], $0xffff  }
0x19c: {  	v1 =	vor.u32 $0x7F, v1;
	_ =	sdelay $0x3  }
0x19d: {  	[tilespmem:v63+s9+$0x0] =	vst.idx.msk $0xffff, v3  }
0x19e: {  	p1 =	sne.s32 s18, $0xF0;
	v2 =	vor.u32 $0x7F, v2;
	v1 =	vld.idx.msk [tilespmem:v1+s8+$0x0], $0xffff  }
.Ltmp0:
0x19f: {  	_ = 	snop;
	(pc) =	sbr.rel @p1 .LBB2_3-.Ltmp0, $2  }
0x1a0: {  	_ =	sdelay $0x2  }
0x1a1: {  	s18 =	sadd.s32 $0x10, s18;
	[tilespmem:v2+s9+$0x0] =	vst.idx.msk $0xffff, v1  }
0x1a2: {  	s17 =	sshll.u32 s15, $0xE  }
0x1a3: {  	s17 =	sadd.s32 s17, s5  }
0x1a4: {  	[hbm4b:s17+s10] =	stream.strided.scatter [tilespmem:s9], [sflag:$0x1], $0x8000, s11, s10, $0x38;
	[tilespmem:$0x16000] =	vst v63  }
0x1a5: {  	s17 =	simm.s32 @!p0 $0x1  }
0x1a6: {  	s16 =	sor.u32 $0x1, s16;
	_ =	swait.ge @!p0 [sflag:s17], $0x8000  }
0x1a7: {  	s18 =	sshll.u32 s16, $0x8;
	[sflag:s17] =	ssyncset.done @!p0 $0x0  }
0x1a8: {  	[sflag:s17] =	ssyncadd.s32 @!p0 $0xFFFF8000;
	s17 =	sand.u32 $0x3FFFFF00, s18;
	s18 =	simm.s32 $0x0  }
.LBB2_5:
0x1a9: {  	s19 =	sand.u32 $0x80, s18  }
0x1aa: {  	s20 =	sand.u32 $0x70, s18;
	s19 =	sadd.s32 s19, s17  }
0x1ab: {  	s19 =	sadd.s32 s20, s19  }
0x1ac: {  	v1 =	vld [tilespmem:s19+$0x0];
	_ =	sdelay $0x4  }
0x1ad: {  	v1 =	vshll.u32 v1, $0x7;
	_ =	sdelay $0x2  }
0x1ae: {  	v2 =	vmov s18  }
0x1af: {  	v2 =	vshll.u32 v2, $0x7  }
0x1b0: {  	v2 =	vor.u32 v0, v2;
	v3 =	vld.idx.msk [tilespmem:v1+s8+$0x0], $0xffff  }
0x1b1: {  	v4 =	vor.u32 $0x1, v1;
	_ =	sdelay $0x3  }
0x1b2: {  	[tilespmem:v2+s12+$0x0] =	vst.idx.msk $0xffff, v3  }
0x1b3: {  	v38 =	vor.u32 $0x1, v2;
	v3 =	vld.idx.msk [tilespmem:v4+s8+$0x0], $0xffff  }
0x1b4: {  	v5 =	vor.u32 $0x2, v1;
	_ =	sdelay $0x3  }
0x1b5: {  	[tilespmem:v38+s12+$0x0] =	vst.idx.msk $0xffff, v3  }
0x1b6: {  	v39 =	vor.u32 $0x2, v2;
	v3 =	vld.idx.msk [tilespmem:v5+s8+$0x0], $0xffff  }
0x1b7: {  	v40 =	vor.u32 $0x3, v1;
	_ =	sdelay $0x3  }
0x1b8: {  	[tilespmem:v39+s12+$0x0] =	vst.idx.msk $0xffff, v3  }
0x1b9: {  	v41 =	vor.u32 $0x3, v2;
	v3 =	vld.idx.msk [tilespmem:v40+s8+$0x0], $0xffff  }
0x1ba: {  	v42 =	vor.u32 $0x4, v1;
	_ =	sdelay $0x3  }
0x1bb: {  	[tilespmem:v41+s12+$0x0] =	vst.idx.msk $0xffff, v3  }
0x1bc: {  	v43 =	vor.u32 $0x4, v2;
	v3 =	vld.idx.msk [tilespmem:v42+s8+$0x0], $0xffff  }
0x1bd: {  	v44 =	vor.u32 $0x5, v1;
	_ =	sdelay $0x3  }
0x1be: {  	[tilespmem:v43+s12+$0x0] =	vst.idx.msk $0xffff, v3  }
0x1bf: {  	v45 =	vor.u32 $0x5, v2;
	v3 =	vld.idx.msk [tilespmem:v44+s8+$0x0], $0xffff  }
0x1c0: {  	v46 =	vor.u32 $0x6, v1;
	_ =	sdelay $0x3  }
0x1c1: {  	[tilespmem:v45+s12+$0x0] =	vst.idx.msk $0xffff, v3  }
0x1c2: {  	v47 =	vor.u32 $0x6, v2;
	v3 =	vld.idx.msk [tilespmem:v46+s8+$0x0], $0xffff  }
0x1c3: {  	v48 =	vor.u32 $0x7, v1;
	_ =	sdelay $0x3  }
0x1c4: {  	[tilespmem:v47+s12+$0x0] =	vst.idx.msk $0xffff, v3  }
0x1c5: {  	v49 =	vor.u32 $0x7, v2;
	v3 =	vld.idx.msk [tilespmem:v48+s8+$0x0], $0xffff  }
0x1c6: {  	v50 =	vor.u32 $0x8, v1;
	_ =	sdelay $0x3  }
0x1c7: {  	[tilespmem:v49+s12+$0x0] =	vst.idx.msk $0xffff, v3  }
0x1c8: {  	v51 =	vor.u32 $0x8, v2;
	v3 =	vld.idx.msk [tilespmem:v50+s8+$0x0], $0xffff  }
0x1c9: {  	v52 =	vor.u32 $0x9, v1;
	_ =	sdelay $0x3  }
0x1ca: {  	[tilespmem:v51+s12+$0x0] =	vst.idx.msk $0xffff, v3  }
0x1cb: {  	v53 =	vor.u32 $0x9, v2;
	v3 =	vld.idx.msk [tilespmem:v52+s8+$0x0], $0xffff  }
0x1cc: {  	v54 =	vor.u32 $0xA, v1;
	_ =	sdelay $0x3  }
0x1cd: {  	[tilespmem:v53+s12+$0x0] =	vst.idx.msk $0xffff, v3  }
0x1ce: {  	v55 =	vor.u32 $0xA, v2;
	v3 =	vld.idx.msk [tilespmem:v54+s8+$0x0], $0xffff  }
0x1cf: {  	v56 =	vor.u32 $0xB, v1;
	_ =	sdelay $0x3  }
0x1d0: {  	[tilespmem:v55+s12+$0x0] =	vst.idx.msk $0xffff, v3  }
0x1d1: {  	v57 =	vor.u32 $0xB, v2;
	v3 =	vld.idx.msk [tilespmem:v56+s8+$0x0], $0xffff  }
0x1d2: {  	v58 =	vor.u32 $0xC, v1;
	_ =	sdelay $0x3  }
0x1d3: {  	[tilespmem:v57+s12+$0x0] =	vst.idx.msk $0xffff, v3  }
0x1d4: {  	v59 =	vor.u32 $0xC, v2;
	v3 =	vld.idx.msk [tilespmem:v58+s8+$0x0], $0xffff  }
0x1d5: {  	v60 =	vor.u32 $0xD, v1;
	_ =	sdelay $0x3  }
0x1d6: {  	[tilespmem:v59+s12+$0x0] =	vst.idx.msk $0xffff, v3  }
0x1d7: {  	v61 =	vor.u32 $0xD, v2;
	v3 =	vld.idx.msk [tilespmem:v60+s8+$0x0], $0xffff  }
0x1d8: {  	v62 =	vor.u32 $0xE, v1;
	_ =	sdelay $0x3  }
0x1d9: {  	[tilespmem:v61+s12+$0x0] =	vst.idx.msk $0xffff, v3  }
0x1da: {  	v63 =	vor.u32 $0xE, v2;
	v3 =	vld.idx.msk [tilespmem:v62+s8+$0x0], $0xffff  }
0x1db: {  	v8 =	vor.u32 $0xF, v1;
	_ =	sdelay $0x3  }
0x1dc: {  	[tilespmem:v63+s12+$0x0] =	vst.idx.msk $0xffff, v3  }
0x1dd: {  	v9 =	vor.u32 $0xF, v2;
	v3 =	vld.idx.msk [tilespmem:v8+s8+$0x0], $0xffff  }
0x1de: {  	v10 =	vor.u32 $0x10, v1;
	_ =	sdelay $0x3  }
0x1df: {  	[tilespmem:v9+s12+$0x0] =	vst.idx.msk $0xffff, v3  }
0x1e0: {  	v11 =	vor.u32 $0x10, v2;
	v3 =	vld.idx.msk [tilespmem:v10+s8+$0x0], $0xffff  }
0x1e1: {  	v12 =	vor.u32 $0x11, v1;
	_ =	sdelay $0x3  }
0x1e2: {  	[tilespmem:v11+s12+$0x0] =	vst.idx.msk $0xffff, v3  }
0x1e3: {  	v13 =	vor.u32 $0x11, v2;
	v3 =	vld.idx.msk [tilespmem:v12+s8+$0x0], $0xffff  }
0x1e4: {  	v14 =	vor.u32 $0x12, v1;
	_ =	sdelay $0x3  }
0x1e5: {  	[tilespmem:v13+s12+$0x0] =	vst.idx.msk $0xffff, v3  }
0x1e6: {  	v15 =	vor.u32 $0x12, v2;
	v3 =	vld.idx.msk [tilespmem:v14+s8+$0x0], $0xffff  }
0x1e7: {  	v16 =	vor.u32 $0x13, v1;
	_ =	sdelay $0x3  }
0x1e8: {  	[tilespmem:v15+s12+$0x0] =	vst.idx.msk $0xffff, v3  }
0x1e9: {  	v17 =	vor.u32 $0x13, v2;
	v3 =	vld.idx.msk [tilespmem:v16+s8+$0x0], $0xffff  }
0x1ea: {  	v18 =	vor.u32 $0x14, v1;
	_ =	sdelay $0x3  }
0x1eb: {  	[tilespmem:v17+s12+$0x0] =	vst.idx.msk $0xffff, v3  }
0x1ec: {  	v19 =	vor.u32 $0x14, v2;
	v3 =	vld.idx.msk [tilespmem:v18+s8+$0x0], $0xffff  }
0x1ed: {  	v20 =	vor.u32 $0x15, v1;
	_ =	sdelay $0x3  }
0x1ee: {  	[tilespmem:v19+s12+$0x0] =	vst.idx.msk $0xffff, v3  }
0x1ef: {  	v21 =	vor.u32 $0x15, v2;
	v3 =	vld.idx.msk [tilespmem:v20+s8+$0x0], $0xffff  }
0x1f0: {  	v22 =	vor.u32 $0x16, v1;
	_ =	sdelay $0x3  }
0x1f1: {  	[tilespmem:v21+s12+$0x0] =	vst.idx.msk $0xffff, v3  }
0x1f2: {  	v23 =	vor.u32 $0x16, v2;
	v3 =	vld.idx.msk [tilespmem:v22+s8+$0x0], $0xffff  }
0x1f3: {  	v24 =	vor.u32 $0x17, v1;
	_ =	sdelay $0x3  }
0x1f4: {  	[tilespmem:v23+s12+$0x0] =	vst.idx.msk $0xffff, v3  }
0x1f5: {  	v25 =	vor.u32 $0x17, v2;
	v3 =	vld.idx.msk [tilespmem:v24+s8+$0x0], $0xffff  }
0x1f6: {  	v26 =	vor.u32 $0x18, v1;
	_ =	sdelay $0x3  }
0x1f7: {  	[tilespmem:v25+s12+$0x0] =	vst.idx.msk $0xffff, v3  }
0x1f8: {  	v27 =	vor.u32 $0x18, v2;
	v3 =	vld.idx.msk [tilespmem:v26+s8+$0x0], $0xffff  }
0x1f9: {  	v28 =	vor.u32 $0x19, v1;
	_ =	sdelay $0x3  }
0x1fa: {  	[tilespmem:v27+s12+$0x0] =	vst.idx.msk $0xffff, v3  }
0x1fb: {  	v29 =	vor.u32 $0x19, v2;
	v3 =	vld.idx.msk [tilespmem:v28+s8+$0x0], $0xffff  }
0x1fc: {  	v30 =	vor.u32 $0x1A, v1;
	_ =	sdelay $0x3  }
0x1fd: {  	[tilespmem:v29+s12+$0x0] =	vst.idx.msk $0xffff, v3  }
0x1fe: {  	v31 =	vor.u32 $0x1A, v2;
	v3 =	vld.idx.msk [tilespmem:v30+s8+$0x0], $0xffff  }
0x1ff: {  	v32 =	vor.u32 $0x1B, v1;
	_ =	sdelay $0x3  }
0x200: {  	[tilespmem:v31+s12+$0x0] =	vst.idx.msk $0xffff, v3  }
0x201: {  	v33 =	vor.u32 $0x1B, v2;
	v3 =	vld.idx.msk [tilespmem:v32+s8+$0x0], $0xffff  }
0x202: {  	v34 =	vor.u32 $0x1C, v1;
	_ =	sdelay $0x3  }
0x203: {  	[tilespmem:v33+s12+$0x0] =	vst.idx.msk $0xffff, v3  }
0x204: {  	v35 =	vor.u32 $0x1C, v2;
	v3 =	vld.idx.msk [tilespmem:v34+s8+$0x0], $0xffff  }
0x205: {  	v36 =	vor.u32 $0x1D, v1;
	_ =	sdelay $0x3  }
0x206: {  	[tilespmem:v35+s12+$0x0] =	vst.idx.msk $0xffff, v3  }
0x207: {  	v37 =	vor.u32 $0x1D, v2;
	v3 =	vld.idx.msk [tilespmem:v36+s8+$0x0], $0xffff  }
0x208: {  	v38 =	vor.u32 $0x1E, v1;
	_ =	sdelay $0x3  }
0x209: {  	[tilespmem:v37+s12+$0x0] =	vst.idx.msk $0xffff, v3  }
0x20a: {  	v39 =	vor.u32 $0x1E, v2;
	v3 =	vld.idx.msk [tilespmem:v38+s8+$0x0], $0xffff  }
0x20b: {  	v40 =	vor.u32 $0x1F, v1;
	_ =	sdelay $0x3  }
0x20c: {  	[tilespmem:v39+s12+$0x0] =	vst.idx.msk $0xffff, v3  }
0x20d: {  	v41 =	vor.u32 $0x1F, v2;
	v3 =	vld.idx.msk [tilespmem:v40+s8+$0x0], $0xffff  }
0x20e: {  	v42 =	vor.u32 $0x20, v1;
	_ =	sdelay $0x3  }
0x20f: {  	[tilespmem:v41+s12+$0x0] =	vst.idx.msk $0xffff, v3  }
0x210: {  	v43 =	vor.u32 $0x20, v2;
	v3 =	vld.idx.msk [tilespmem:v42+s8+$0x0], $0xffff  }
0x211: {  	v44 =	vor.u32 $0x21, v1;
	_ =	sdelay $0x3  }
0x212: {  	[tilespmem:v43+s12+$0x0] =	vst.idx.msk $0xffff, v3  }
0x213: {  	v45 =	vor.u32 $0x21, v2;
	v3 =	vld.idx.msk [tilespmem:v44+s8+$0x0], $0xffff  }
0x214: {  	v46 =	vor.u32 $0x22, v1;
	_ =	sdelay $0x3  }
0x215: {  	[tilespmem:v45+s12+$0x0] =	vst.idx.msk $0xffff, v3  }
0x216: {  	v47 =	vor.u32 $0x22, v2;
	v3 =	vld.idx.msk [tilespmem:v46+s8+$0x0], $0xffff  }
0x217: {  	v48 =	vor.u32 $0x23, v1;
	_ =	sdelay $0x3  }
0x218: {  	[tilespmem:v47+s12+$0x0] =	vst.idx.msk $0xffff, v3  }
0x219: {  	v49 =	vor.u32 $0x23, v2;
	v3 =	vld.idx.msk [tilespmem:v48+s8+$0x0], $0xffff  }
0x21a: {  	v50 =	vor.u32 $0x24, v1;
	_ =	sdelay $0x3  }
0x21b: {  	[tilespmem:v49+s12+$0x0] =	vst.idx.msk $0xffff, v3  }
0x21c: {  	v51 =	vor.u32 $0x24, v2;
	v3 =	vld.idx.msk [tilespmem:v50+s8+$0x0], $0xffff  }
0x21d: {  	v52 =	vor.u32 $0x25, v1;
	_ =	sdelay $0x3  }
0x21e: {  	[tilespmem:v51+s12+$0x0] =	vst.idx.msk $0xffff, v3  }
0x21f: {  	v53 =	vor.u32 $0x25, v2;
	v3 =	vld.idx.msk [tilespmem:v52+s8+$0x0], $0xffff  }
0x220: {  	v54 =	vor.u32 $0x26, v1;
	_ =	sdelay $0x3  }
0x221: {  	[tilespmem:v53+s12+$0x0] =	vst.idx.msk $0xffff, v3  }
0x222: {  	v55 =	vor.u32 $0x26, v2;
	v3 =	vld.idx.msk [tilespmem:v54+s8+$0x0], $0xffff  }
0x223: {  	v56 =	vor.u32 $0x27, v1;
	_ =	sdelay $0x3  }
0x224: {  	[tilespmem:v55+s12+$0x0] =	vst.idx.msk $0xffff, v3  }
0x225: {  	v57 =	vor.u32 $0x27, v2;
	v3 =	vld.idx.msk [tilespmem:v56+s8+$0x0], $0xffff  }
0x226: {  	v58 =	vor.u32 $0x28, v1;
	_ =	sdelay $0x3  }
0x227: {  	[tilespmem:v57+s12+$0x0] =	vst.idx.msk $0xffff, v3  }
0x228: {  	v59 =	vor.u32 $0x28, v2;
	v3 =	vld.idx.msk [tilespmem:v58+s8+$0x0], $0xffff  }
0x229: {  	v60 =	vor.u32 $0x29, v1;
	_ =	sdelay $0x3  }
0x22a: {  	[tilespmem:v59+s12+$0x0] =	vst.idx.msk $0xffff, v3  }
0x22b: {  	v61 =	vor.u32 $0x29, v2;
	v3 =	vld.idx.msk [tilespmem:v60+s8+$0x0], $0xffff  }
0x22c: {  	v62 =	vor.u32 $0x2A, v1;
	_ =	sdelay $0x3  }
0x22d: {  	[tilespmem:v61+s12+$0x0] =	vst.idx.msk $0xffff, v3  }
0x22e: {  	v63 =	vor.u32 $0x2A, v2;
	v3 =	vld.idx.msk [tilespmem:v62+s8+$0x0], $0xffff  }
0x22f: {  	v8 =	vor.u32 $0x2B, v1;
	_ =	sdelay $0x3  }
0x230: {  	[tilespmem:v63+s12+$0x0] =	vst.idx.msk $0xffff, v3  }
0x231: {  	v9 =	vor.u32 $0x2B, v2;
	v3 =	vld.idx.msk [tilespmem:v8+s8+$0x0], $0xffff  }
0x232: {  	v10 =	vor.u32 $0x2C, v1;
	_ =	sdelay $0x3  }
0x233: {  	[tilespmem:v9+s12+$0x0] =	vst.idx.msk $0xffff, v3  }
0x234: {  	v11 =	vor.u32 $0x2C, v2;
	v3 =	vld.idx.msk [tilespmem:v10+s8+$0x0], $0xffff  }
0x235: {  	v12 =	vor.u32 $0x2D, v1;
	_ =	sdelay $0x3  }
0x236: {  	[tilespmem:v11+s12+$0x0] =	vst.idx.msk $0xffff, v3  }
0x237: {  	v13 =	vor.u32 $0x2D, v2;
	v3 =	vld.idx.msk [tilespmem:v12+s8+$0x0], $0xffff  }
0x238: {  	v14 =	vor.u32 $0x2E, v1;
	_ =	sdelay $0x3  }
0x239: {  	[tilespmem:v13+s12+$0x0] =	vst.idx.msk $0xffff, v3  }
0x23a: {  	v15 =	vor.u32 $0x2E, v2;
	v3 =	vld.idx.msk [tilespmem:v14+s8+$0x0], $0xffff  }
0x23b: {  	v16 =	vor.u32 $0x2F, v1;
	_ =	sdelay $0x3  }
0x23c: {  	[tilespmem:v15+s12+$0x0] =	vst.idx.msk $0xffff, v3  }
0x23d: {  	v17 =	vor.u32 $0x2F, v2;
	v3 =	vld.idx.msk [tilespmem:v16+s8+$0x0], $0xffff  }
0x23e: {  	v18 =	vor.u32 $0x30, v1;
	_ =	sdelay $0x3  }
0x23f: {  	[tilespmem:v17+s12+$0x0] =	vst.idx.msk $0xffff, v3  }
0x240: {  	v19 =	vor.u32 $0x30, v2;
	v3 =	vld.idx.msk [tilespmem:v18+s8+$0x0], $0xffff  }
0x241: {  	v20 =	vor.u32 $0x31, v1;
	_ =	sdelay $0x3  }
0x242: {  	[tilespmem:v19+s12+$0x0] =	vst.idx.msk $0xffff, v3  }
0x243: {  	v21 =	vor.u32 $0x31, v2;
	v3 =	vld.idx.msk [tilespmem:v20+s8+$0x0], $0xffff  }
0x244: {  	v22 =	vor.u32 $0x32, v1;
	_ =	sdelay $0x3  }
0x245: {  	[tilespmem:v21+s12+$0x0] =	vst.idx.msk $0xffff, v3  }
0x246: {  	v23 =	vor.u32 $0x32, v2;
	v3 =	vld.idx.msk [tilespmem:v22+s8+$0x0], $0xffff  }
0x247: {  	v24 =	vor.u32 $0x33, v1;
	_ =	sdelay $0x3  }
0x248: {  	[tilespmem:v23+s12+$0x0] =	vst.idx.msk $0xffff, v3  }
0x249: {  	v25 =	vor.u32 $0x33, v2;
	v3 =	vld.idx.msk [tilespmem:v24+s8+$0x0], $0xffff  }
0x24a: {  	v26 =	vor.u32 $0x34, v1;
	_ =	sdelay $0x3  }
0x24b: {  	[tilespmem:v25+s12+$0x0] =	vst.idx.msk $0xffff, v3  }
0x24c: {  	v27 =	vor.u32 $0x34, v2;
	v3 =	vld.idx.msk [tilespmem:v26+s8+$0x0], $0xffff  }
0x24d: {  	v28 =	vor.u32 $0x35, v1;
	_ =	sdelay $0x3  }
0x24e: {  	[tilespmem:v27+s12+$0x0] =	vst.idx.msk $0xffff, v3  }
0x24f: {  	v29 =	vor.u32 $0x35, v2;
	v3 =	vld.idx.msk [tilespmem:v28+s8+$0x0], $0xffff  }
0x250: {  	v30 =	vor.u32 $0x36, v1;
	_ =	sdelay $0x3  }
0x251: {  	[tilespmem:v29+s12+$0x0] =	vst.idx.msk $0xffff, v3  }
0x252: {  	v31 =	vor.u32 $0x36, v2;
	v3 =	vld.idx.msk [tilespmem:v30+s8+$0x0], $0xffff  }
0x253: {  	v32 =	vor.u32 $0x37, v1;
	_ =	sdelay $0x3  }
0x254: {  	[tilespmem:v31+s12+$0x0] =	vst.idx.msk $0xffff, v3  }
0x255: {  	v33 =	vor.u32 $0x37, v2;
	v3 =	vld.idx.msk [tilespmem:v32+s8+$0x0], $0xffff  }
0x256: {  	v34 =	vor.u32 $0x38, v1;
	_ =	sdelay $0x3  }
0x257: {  	[tilespmem:v33+s12+$0x0] =	vst.idx.msk $0xffff, v3  }
0x258: {  	v35 =	vor.u32 $0x38, v2;
	v3 =	vld.idx.msk [tilespmem:v34+s8+$0x0], $0xffff  }
0x259: {  	v36 =	vor.u32 $0x39, v1;
	_ =	sdelay $0x3  }
0x25a: {  	[tilespmem:v35+s12+$0x0] =	vst.idx.msk $0xffff, v3  }
0x25b: {  	v37 =	vor.u32 $0x39, v2;
	v3 =	vld.idx.msk [tilespmem:v36+s8+$0x0], $0xffff  }
0x25c: {  	v38 =	vor.u32 $0x3A, v1;
	_ =	sdelay $0x3  }
0x25d: {  	[tilespmem:v37+s12+$0x0] =	vst.idx.msk $0xffff, v3  }
0x25e: {  	v39 =	vor.u32 $0x3A, v2;
	v3 =	vld.idx.msk [tilespmem:v38+s8+$0x0], $0xffff  }
0x25f: {  	v40 =	vor.u32 $0x3B, v1;
	_ =	sdelay $0x3  }
0x260: {  	[tilespmem:v39+s12+$0x0] =	vst.idx.msk $0xffff, v3  }
0x261: {  	v41 =	vor.u32 $0x3B, v2;
	v3 =	vld.idx.msk [tilespmem:v40+s8+$0x0], $0xffff  }
0x262: {  	v42 =	vor.u32 $0x3C, v1;
	_ =	sdelay $0x3  }
0x263: {  	[tilespmem:v41+s12+$0x0] =	vst.idx.msk $0xffff, v3  }
0x264: {  	v43 =	vor.u32 $0x3C, v2;
	v3 =	vld.idx.msk [tilespmem:v42+s8+$0x0], $0xffff  }
0x265: {  	v44 =	vor.u32 $0x3D, v1;
	_ =	sdelay $0x3  }
0x266: {  	[tilespmem:v43+s12+$0x0] =	vst.idx.msk $0xffff, v3  }
0x267: {  	v45 =	vor.u32 $0x3D, v2;
	v3 =	vld.idx.msk [tilespmem:v44+s8+$0x0], $0xffff  }
0x268: {  	v46 =	vor.u32 $0x3E, v1;
	_ =	sdelay $0x3  }
0x269: {  	[tilespmem:v45+s12+$0x0] =	vst.idx.msk $0xffff, v3  }
0x26a: {  	v47 =	vor.u32 $0x3E, v2;
	v3 =	vld.idx.msk [tilespmem:v46+s8+$0x0], $0xffff  }
0x26b: {  	v48 =	vor.u32 $0x3F, v1;
	_ =	sdelay $0x3  }
0x26c: {  	[tilespmem:v47+s12+$0x0] =	vst.idx.msk $0xffff, v3  }
0x26d: {  	v49 =	vor.u32 $0x3F, v2;
	v3 =	vld.idx.msk [tilespmem:v48+s8+$0x0], $0xffff  }
0x26e: {  	v50 =	vor.u32 $0x40, v1;
	_ =	sdelay $0x3  }
0x26f: {  	[tilespmem:v49+s12+$0x0] =	vst.idx.msk $0xffff, v3  }
0x270: {  	v51 =	vor.u32 $0x40, v2;
	v3 =	vld.idx.msk [tilespmem:v50+s8+$0x0], $0xffff  }
0x271: {  	v52 =	vor.u32 $0x41, v1;
	_ =	sdelay $0x3  }
0x272: {  	[tilespmem:v51+s12+$0x0] =	vst.idx.msk $0xffff, v3  }
0x273: {  	v53 =	vor.u32 $0x41, v2;
	v3 =	vld.idx.msk [tilespmem:v52+s8+$0x0], $0xffff  }
0x274: {  	v54 =	vor.u32 $0x42, v1;
	_ =	sdelay $0x3  }
0x275: {  	[tilespmem:v53+s12+$0x0] =	vst.idx.msk $0xffff, v3  }
0x276: {  	v55 =	vor.u32 $0x42, v2;
	v3 =	vld.idx.msk [tilespmem:v54+s8+$0x0], $0xffff  }
0x277: {  	v56 =	vor.u32 $0x43, v1;
	_ =	sdelay $0x3  }
0x278: {  	[tilespmem:v55+s12+$0x0] =	vst.idx.msk $0xffff, v3  }
0x279: {  	v57 =	vor.u32 $0x43, v2;
	v3 =	vld.idx.msk [tilespmem:v56+s8+$0x0], $0xffff  }
0x27a: {  	v58 =	vor.u32 $0x44, v1;
	_ =	sdelay $0x3  }
0x27b: {  	[tilespmem:v57+s12+$0x0] =	vst.idx.msk $0xffff, v3  }
0x27c: {  	v59 =	vor.u32 $0x44, v2;
	v3 =	vld.idx.msk [tilespmem:v58+s8+$0x0], $0xffff  }
0x27d: {  	v60 =	vor.u32 $0x45, v1;
	_ =	sdelay $0x3  }
0x27e: {  	[tilespmem:v59+s12+$0x0] =	vst.idx.msk $0xffff, v3  }
0x27f: {  	v61 =	vor.u32 $0x45, v2;
	v3 =	vld.idx.msk [tilespmem:v60+s8+$0x0], $0xffff  }
0x280: {  	v62 =	vor.u32 $0x46, v1;
	_ =	sdelay $0x3  }
0x281: {  	[tilespmem:v61+s12+$0x0] =	vst.idx.msk $0xffff, v3  }
0x282: {  	v63 =	vor.u32 $0x46, v2;
	v3 =	vld.idx.msk [tilespmem:v62+s8+$0x0], $0xffff  }
0x283: {  	v8 =	vor.u32 $0x47, v1;
	_ =	sdelay $0x3  }
0x284: {  	[tilespmem:v63+s12+$0x0] =	vst.idx.msk $0xffff, v3  }
0x285: {  	v9 =	vor.u32 $0x47, v2;
	v3 =	vld.idx.msk [tilespmem:v8+s8+$0x0], $0xffff  }
0x286: {  	v10 =	vor.u32 $0x48, v1;
	_ =	sdelay $0x3  }
0x287: {  	[tilespmem:v9+s12+$0x0] =	vst.idx.msk $0xffff, v3  }
0x288: {  	v11 =	vor.u32 $0x48, v2;
	v3 =	vld.idx.msk [tilespmem:v10+s8+$0x0], $0xffff  }
0x289: {  	v12 =	vor.u32 $0x49, v1;
	_ =	sdelay $0x3  }
0x28a: {  	[tilespmem:v11+s12+$0x0] =	vst.idx.msk $0xffff, v3  }
0x28b: {  	v13 =	vor.u32 $0x49, v2;
	v3 =	vld.idx.msk [tilespmem:v12+s8+$0x0], $0xffff  }
0x28c: {  	v14 =	vor.u32 $0x4A, v1;
	_ =	sdelay $0x3  }
0x28d: {  	[tilespmem:v13+s12+$0x0] =	vst.idx.msk $0xffff, v3  }
0x28e: {  	v15 =	vor.u32 $0x4A, v2;
	v3 =	vld.idx.msk [tilespmem:v14+s8+$0x0], $0xffff  }
0x28f: {  	v16 =	vor.u32 $0x4B, v1;
	_ =	sdelay $0x3  }
0x290: {  	[tilespmem:v15+s12+$0x0] =	vst.idx.msk $0xffff, v3  }
0x291: {  	v17 =	vor.u32 $0x4B, v2;
	v3 =	vld.idx.msk [tilespmem:v16+s8+$0x0], $0xffff  }
0x292: {  	v18 =	vor.u32 $0x4C, v1;
	_ =	sdelay $0x3  }
0x293: {  	[tilespmem:v17+s12+$0x0] =	vst.idx.msk $0xffff, v3  }
0x294: {  	v19 =	vor.u32 $0x4C, v2;
	v3 =	vld.idx.msk [tilespmem:v18+s8+$0x0], $0xffff  }
0x295: {  	v20 =	vor.u32 $0x4D, v1;
	_ =	sdelay $0x3  }
0x296: {  	[tilespmem:v19+s12+$0x0] =	vst.idx.msk $0xffff, v3  }
0x297: {  	v21 =	vor.u32 $0x4D, v2;
	v3 =	vld.idx.msk [tilespmem:v20+s8+$0x0], $0xffff  }
0x298: {  	v22 =	vor.u32 $0x4E, v1;
	_ =	sdelay $0x3  }
0x299: {  	[tilespmem:v21+s12+$0x0] =	vst.idx.msk $0xffff, v3  }
0x29a: {  	v23 =	vor.u32 $0x4E, v2;
	v3 =	vld.idx.msk [tilespmem:v22+s8+$0x0], $0xffff  }
0x29b: {  	v24 =	vor.u32 $0x4F, v1;
	_ =	sdelay $0x3  }
0x29c: {  	[tilespmem:v23+s12+$0x0] =	vst.idx.msk $0xffff, v3  }
0x29d: {  	v25 =	vor.u32 $0x4F, v2;
	v3 =	vld.idx.msk [tilespmem:v24+s8+$0x0], $0xffff  }
0x29e: {  	v26 =	vor.u32 $0x50, v1;
	_ =	sdelay $0x3  }
0x29f: {  	[tilespmem:v25+s12+$0x0] =	vst.idx.msk $0xffff, v3  }
0x2a0: {  	v27 =	vor.u32 $0x50, v2;
	v3 =	vld.idx.msk [tilespmem:v26+s8+$0x0], $0xffff  }
0x2a1: {  	v28 =	vor.u32 $0x51, v1;
	_ =	sdelay $0x3  }
0x2a2: {  	[tilespmem:v27+s12+$0x0] =	vst.idx.msk $0xffff, v3  }
0x2a3: {  	v29 =	vor.u32 $0x51, v2;
	v3 =	vld.idx.msk [tilespmem:v28+s8+$0x0], $0xffff  }
0x2a4: {  	v30 =	vor.u32 $0x52, v1;
	_ =	sdelay $0x3  }
0x2a5: {  	[tilespmem:v29+s12+$0x0] =	vst.idx.msk $0xffff, v3  }
0x2a6: {  	v31 =	vor.u32 $0x52, v2;
	v3 =	vld.idx.msk [tilespmem:v30+s8+$0x0], $0xffff  }
0x2a7: {  	v32 =	vor.u32 $0x53, v1;
	_ =	sdelay $0x3  }
0x2a8: {  	[tilespmem:v31+s12+$0x0] =	vst.idx.msk $0xffff, v3  }
0x2a9: {  	v33 =	vor.u32 $0x53, v2;
	v3 =	vld.idx.msk [tilespmem:v32+s8+$0x0], $0xffff  }
0x2aa: {  	v34 =	vor.u32 $0x54, v1;
	_ =	sdelay $0x3  }
0x2ab: {  	[tilespmem:v33+s12+$0x0] =	vst.idx.msk $0xffff, v3  }
0x2ac: {  	v35 =	vor.u32 $0x54, v2;
	v3 =	vld.idx.msk [tilespmem:v34+s8+$0x0], $0xffff  }
0x2ad: {  	v36 =	vor.u32 $0x55, v1;
	_ =	sdelay $0x3  }
0x2ae: {  	[tilespmem:v35+s12+$0x0] =	vst.idx.msk $0xffff, v3  }
0x2af: {  	v37 =	vor.u32 $0x55, v2;
	v3 =	vld.idx.msk [tilespmem:v36+s8+$0x0], $0xffff  }
0x2b0: {  	v38 =	vor.u32 $0x56, v1;
	_ =	sdelay $0x3  }
0x2b1: {  	[tilespmem:v37+s12+$0x0] =	vst.idx.msk $0xffff, v3  }
0x2b2: {  	v39 =	vor.u32 $0x56, v2;
	v3 =	vld.idx.msk [tilespmem:v38+s8+$0x0], $0xffff  }
0x2b3: {  	v40 =	vor.u32 $0x57, v1;
	_ =	sdelay $0x3  }
0x2b4: {  	[tilespmem:v39+s12+$0x0] =	vst.idx.msk $0xffff, v3  }
0x2b5: {  	v41 =	vor.u32 $0x57, v2;
	v3 =	vld.idx.msk [tilespmem:v40+s8+$0x0], $0xffff  }
0x2b6: {  	v42 =	vor.u32 $0x58, v1;
	_ =	sdelay $0x3  }
0x2b7: {  	[tilespmem:v41+s12+$0x0] =	vst.idx.msk $0xffff, v3  }
0x2b8: {  	v43 =	vor.u32 $0x58, v2;
	v3 =	vld.idx.msk [tilespmem:v42+s8+$0x0], $0xffff  }
0x2b9: {  	v44 =	vor.u32 $0x59, v1;
	_ =	sdelay $0x3  }
0x2ba: {  	[tilespmem:v43+s12+$0x0] =	vst.idx.msk $0xffff, v3  }
0x2bb: {  	v45 =	vor.u32 $0x59, v2;
	v3 =	vld.idx.msk [tilespmem:v44+s8+$0x0], $0xffff  }
0x2bc: {  	v46 =	vor.u32 $0x5A, v1;
	_ =	sdelay $0x3  }
0x2bd: {  	[tilespmem:v45+s12+$0x0] =	vst.idx.msk $0xffff, v3  }
0x2be: {  	v47 =	vor.u32 $0x5A, v2;
	v3 =	vld.idx.msk [tilespmem:v46+s8+$0x0], $0xffff  }
0x2bf: {  	v48 =	vor.u32 $0x5B, v1;
	_ =	sdelay $0x3  }
0x2c0: {  	[tilespmem:v47+s12+$0x0] =	vst.idx.msk $0xffff, v3  }
0x2c1: {  	v49 =	vor.u32 $0x5B, v2;
	v3 =	vld.idx.msk [tilespmem:v48+s8+$0x0], $0xffff  }
0x2c2: {  	v50 =	vor.u32 $0x5C, v1;
	_ =	sdelay $0x3  }
0x2c3: {  	[tilespmem:v49+s12+$0x0] =	vst.idx.msk $0xffff, v3  }
0x2c4: {  	v51 =	vor.u32 $0x5C, v2;
	v3 =	vld.idx.msk [tilespmem:v50+s8+$0x0], $0xffff  }
0x2c5: {  	v52 =	vor.u32 $0x5D, v1;
	_ =	sdelay $0x3  }
0x2c6: {  	[tilespmem:v51+s12+$0x0] =	vst.idx.msk $0xffff, v3  }
0x2c7: {  	v53 =	vor.u32 $0x5D, v2;
	v3 =	vld.idx.msk [tilespmem:v52+s8+$0x0], $0xffff  }
0x2c8: {  	v54 =	vor.u32 $0x5E, v1;
	_ =	sdelay $0x3  }
0x2c9: {  	[tilespmem:v53+s12+$0x0] =	vst.idx.msk $0xffff, v3  }
0x2ca: {  	v55 =	vor.u32 $0x5E, v2;
	v3 =	vld.idx.msk [tilespmem:v54+s8+$0x0], $0xffff  }
0x2cb: {  	v56 =	vor.u32 $0x5F, v1;
	_ =	sdelay $0x3  }
0x2cc: {  	[tilespmem:v55+s12+$0x0] =	vst.idx.msk $0xffff, v3  }
0x2cd: {  	v57 =	vor.u32 $0x5F, v2;
	v3 =	vld.idx.msk [tilespmem:v56+s8+$0x0], $0xffff  }
0x2ce: {  	v58 =	vor.u32 $0x60, v1;
	_ =	sdelay $0x3  }
0x2cf: {  	[tilespmem:v57+s12+$0x0] =	vst.idx.msk $0xffff, v3  }
0x2d0: {  	v59 =	vor.u32 $0x60, v2;
	v3 =	vld.idx.msk [tilespmem:v58+s8+$0x0], $0xffff  }
0x2d1: {  	v60 =	vor.u32 $0x61, v1;
	_ =	sdelay $0x3  }
0x2d2: {  	[tilespmem:v59+s12+$0x0] =	vst.idx.msk $0xffff, v3  }
0x2d3: {  	v61 =	vor.u32 $0x61, v2;
	v3 =	vld.idx.msk [tilespmem:v60+s8+$0x0], $0xffff  }
0x2d4: {  	v62 =	vor.u32 $0x62, v1;
	_ =	sdelay $0x3  }
0x2d5: {  	[tilespmem:v61+s12+$0x0] =	vst.idx.msk $0xffff, v3  }
0x2d6: {  	v63 =	vor.u32 $0x62, v2;
	v3 =	vld.idx.msk [tilespmem:v62+s8+$0x0], $0xffff  }
0x2d7: {  	v8 =	vor.u32 $0x63, v1;
	_ =	sdelay $0x3  }
0x2d8: {  	[tilespmem:v63+s12+$0x0] =	vst.idx.msk $0xffff, v3  }
0x2d9: {  	v9 =	vor.u32 $0x63, v2;
	v3 =	vld.idx.msk [tilespmem:v8+s8+$0x0], $0xffff  }
0x2da: {  	v10 =	vor.u32 $0x64, v1;
	_ =	sdelay $0x3  }
0x2db: {  	[tilespmem:v9+s12+$0x0] =	vst.idx.msk $0xffff, v3  }
0x2dc: {  	v11 =	vor.u32 $0x64, v2;
	v3 =	vld.idx.msk [tilespmem:v10+s8+$0x0], $0xffff  }
0x2dd: {  	v12 =	vor.u32 $0x65, v1;
	_ =	sdelay $0x3  }
0x2de: {  	[tilespmem:v11+s12+$0x0] =	vst.idx.msk $0xffff, v3  }
0x2df: {  	v13 =	vor.u32 $0x65, v2;
	v3 =	vld.idx.msk [tilespmem:v12+s8+$0x0], $0xffff  }
0x2e0: {  	v14 =	vor.u32 $0x66, v1;
	_ =	sdelay $0x3  }
0x2e1: {  	[tilespmem:v13+s12+$0x0] =	vst.idx.msk $0xffff, v3  }
0x2e2: {  	v15 =	vor.u32 $0x66, v2;
	v3 =	vld.idx.msk [tilespmem:v14+s8+$0x0], $0xffff  }
0x2e3: {  	v16 =	vor.u32 $0x67, v1;
	_ =	sdelay $0x3  }
0x2e4: {  	[tilespmem:v15+s12+$0x0] =	vst.idx.msk $0xffff, v3  }
0x2e5: {  	v17 =	vor.u32 $0x67, v2;
	v3 =	vld.idx.msk [tilespmem:v16+s8+$0x0], $0xffff  }
0x2e6: {  	v18 =	vor.u32 $0x68, v1;
	_ =	sdelay $0x3  }
0x2e7: {  	[tilespmem:v17+s12+$0x0] =	vst.idx.msk $0xffff, v3  }
0x2e8: {  	v19 =	vor.u32 $0x68, v2;
	v3 =	vld.idx.msk [tilespmem:v18+s8+$0x0], $0xffff  }
0x2e9: {  	v20 =	vor.u32 $0x69, v1;
	_ =	sdelay $0x3  }
0x2ea: {  	[tilespmem:v19+s12+$0x0] =	vst.idx.msk $0xffff, v3  }
0x2eb: {  	v21 =	vor.u32 $0x69, v2;
	v3 =	vld.idx.msk [tilespmem:v20+s8+$0x0], $0xffff  }
0x2ec: {  	v22 =	vor.u32 $0x6A, v1;
	_ =	sdelay $0x3  }
0x2ed: {  	[tilespmem:v21+s12+$0x0] =	vst.idx.msk $0xffff, v3  }
0x2ee: {  	v23 =	vor.u32 $0x6A, v2;
	v3 =	vld.idx.msk [tilespmem:v22+s8+$0x0], $0xffff  }
0x2ef: {  	v24 =	vor.u32 $0x6B, v1;
	_ =	sdelay $0x3  }
0x2f0: {  	[tilespmem:v23+s12+$0x0] =	vst.idx.msk $0xffff, v3  }
0x2f1: {  	v25 =	vor.u32 $0x6B, v2;
	v3 =	vld.idx.msk [tilespmem:v24+s8+$0x0], $0xffff  }
0x2f2: {  	v26 =	vor.u32 $0x6C, v1;
	_ =	sdelay $0x3  }
0x2f3: {  	[tilespmem:v25+s12+$0x0] =	vst.idx.msk $0xffff, v3  }
0x2f4: {  	v27 =	vor.u32 $0x6C, v2;
	v3 =	vld.idx.msk [tilespmem:v26+s8+$0x0], $0xffff  }
0x2f5: {  	v28 =	vor.u32 $0x6D, v1;
	_ =	sdelay $0x3  }
0x2f6: {  	[tilespmem:v27+s12+$0x0] =	vst.idx.msk $0xffff, v3  }
0x2f7: {  	v29 =	vor.u32 $0x6D, v2;
	v3 =	vld.idx.msk [tilespmem:v28+s8+$0x0], $0xffff  }
0x2f8: {  	v30 =	vor.u32 $0x6E, v1;
	_ =	sdelay $0x3  }
0x2f9: {  	[tilespmem:v29+s12+$0x0] =	vst.idx.msk $0xffff, v3  }
0x2fa: {  	v31 =	vor.u32 $0x6E, v2;
	v3 =	vld.idx.msk [tilespmem:v30+s8+$0x0], $0xffff  }
0x2fb: {  	v32 =	vor.u32 $0x6F, v1;
	_ =	sdelay $0x3  }
0x2fc: {  	[tilespmem:v31+s12+$0x0] =	vst.idx.msk $0xffff, v3  }
0x2fd: {  	v33 =	vor.u32 $0x6F, v2;
	v3 =	vld.idx.msk [tilespmem:v32+s8+$0x0], $0xffff  }
0x2fe: {  	v34 =	vor.u32 $0x70, v1;
	_ =	sdelay $0x3  }
0x2ff: {  	[tilespmem:v33+s12+$0x0] =	vst.idx.msk $0xffff, v3  }
0x300: {  	v35 =	vor.u32 $0x70, v2;
	v3 =	vld.idx.msk [tilespmem:v34+s8+$0x0], $0xffff  }
0x301: {  	v36 =	vor.u32 $0x71, v1;
	_ =	sdelay $0x3  }
0x302: {  	[tilespmem:v35+s12+$0x0] =	vst.idx.msk $0xffff, v3  }
0x303: {  	v37 =	vor.u32 $0x71, v2;
	v3 =	vld.idx.msk [tilespmem:v36+s8+$0x0], $0xffff  }
0x304: {  	v38 =	vor.u32 $0x72, v1;
	_ =	sdelay $0x3  }
0x305: {  	[tilespmem:v37+s12+$0x0] =	vst.idx.msk $0xffff, v3  }
0x306: {  	v39 =	vor.u32 $0x72, v2;
	v3 =	vld.idx.msk [tilespmem:v38+s8+$0x0], $0xffff  }
0x307: {  	v40 =	vor.u32 $0x73, v1;
	_ =	sdelay $0x3  }
0x308: {  	[tilespmem:v39+s12+$0x0] =	vst.idx.msk $0xffff, v3  }
0x309: {  	v41 =	vor.u32 $0x73, v2;
	v3 =	vld.idx.msk [tilespmem:v40+s8+$0x0], $0xffff  }
0x30a: {  	v42 =	vor.u32 $0x74, v1;
	_ =	sdelay $0x3  }
0x30b: {  	[tilespmem:v41+s12+$0x0] =	vst.idx.msk $0xffff, v3  }
0x30c: {  	v43 =	vor.u32 $0x74, v2;
	v3 =	vld.idx.msk [tilespmem:v42+s8+$0x0], $0xffff  }
0x30d: {  	v44 =	vor.u32 $0x75, v1;
	_ =	sdelay $0x3  }
0x30e: {  	[tilespmem:v43+s12+$0x0] =	vst.idx.msk $0xffff, v3  }
0x30f: {  	v45 =	vor.u32 $0x75, v2;
	v3 =	vld.idx.msk [tilespmem:v44+s8+$0x0], $0xffff  }
0x310: {  	v46 =	vor.u32 $0x76, v1;
	_ =	sdelay $0x3  }
0x311: {  	[tilespmem:v45+s12+$0x0] =	vst.idx.msk $0xffff, v3  }
0x312: {  	v47 =	vor.u32 $0x76, v2;
	v3 =	vld.idx.msk [tilespmem:v46+s8+$0x0], $0xffff  }
0x313: {  	v48 =	vor.u32 $0x77, v1;
	_ =	sdelay $0x3  }
0x314: {  	[tilespmem:v47+s12+$0x0] =	vst.idx.msk $0xffff, v3  }
0x315: {  	v49 =	vor.u32 $0x77, v2;
	v3 =	vld.idx.msk [tilespmem:v48+s8+$0x0], $0xffff  }
0x316: {  	v50 =	vor.u32 $0x78, v1;
	_ =	sdelay $0x3  }
0x317: {  	[tilespmem:v49+s12+$0x0] =	vst.idx.msk $0xffff, v3  }
0x318: {  	v51 =	vor.u32 $0x78, v2;
	v3 =	vld.idx.msk [tilespmem:v50+s8+$0x0], $0xffff  }
0x319: {  	v52 =	vor.u32 $0x79, v1;
	_ =	sdelay $0x3  }
0x31a: {  	[tilespmem:v51+s12+$0x0] =	vst.idx.msk $0xffff, v3  }
0x31b: {  	v53 =	vor.u32 $0x79, v2;
	v3 =	vld.idx.msk [tilespmem:v52+s8+$0x0], $0xffff  }
0x31c: {  	v54 =	vor.u32 $0x7A, v1;
	_ =	sdelay $0x3  }
0x31d: {  	[tilespmem:v53+s12+$0x0] =	vst.idx.msk $0xffff, v3  }
0x31e: {  	v55 =	vor.u32 $0x7A, v2;
	v3 =	vld.idx.msk [tilespmem:v54+s8+$0x0], $0xffff  }
0x31f: {  	v56 =	vor.u32 $0x7B, v1;
	_ =	sdelay $0x3  }
0x320: {  	[tilespmem:v55+s12+$0x0] =	vst.idx.msk $0xffff, v3  }
0x321: {  	v57 =	vor.u32 $0x7B, v2;
	v3 =	vld.idx.msk [tilespmem:v56+s8+$0x0], $0xffff  }
0x322: {  	v58 =	vor.u32 $0x7C, v1;
	_ =	sdelay $0x3  }
0x323: {  	[tilespmem:v57+s12+$0x0] =	vst.idx.msk $0xffff, v3  }
0x324: {  	v59 =	vor.u32 $0x7C, v2;
	v3 =	vld.idx.msk [tilespmem:v58+s8+$0x0], $0xffff  }
0x325: {  	v60 =	vor.u32 $0x7D, v1;
	_ =	sdelay $0x3  }
0x326: {  	[tilespmem:v59+s12+$0x0] =	vst.idx.msk $0xffff, v3  }
0x327: {  	v61 =	vor.u32 $0x7D, v2;
	v3 =	vld.idx.msk [tilespmem:v60+s8+$0x0], $0xffff  }
0x328: {  	v62 =	vor.u32 $0x7E, v1;
	_ =	sdelay $0x3  }
0x329: {  	[tilespmem:v61+s12+$0x0] =	vst.idx.msk $0xffff, v3  }
0x32a: {  	v63 =	vor.u32 $0x7E, v2;
	v3 =	vld.idx.msk [tilespmem:v62+s8+$0x0], $0xffff  }
0x32b: {  	v1 =	vor.u32 $0x7F, v1;
	_ =	sdelay $0x3  }
0x32c: {  	[tilespmem:v63+s12+$0x0] =	vst.idx.msk $0xffff, v3  }
0x32d: {  	p0 =	sne.s32 s18, $0xF0;
	v2 =	vor.u32 $0x7F, v2;
	v1 =	vld.idx.msk [tilespmem:v1+s8+$0x0], $0xffff  }
.Ltmp1:
0x32e: {  	_ = 	snop;
	(pc) =	sbr.rel @p0 .LBB2_5-.Ltmp1, $2  }
0x32f: {  	_ =	sdelay $0x2  }
0x330: {  	s18 =	sadd.s32 $0x10, s18;
	[tilespmem:v2+s12+$0x0] =	vst.idx.msk $0xffff, v1  }
0x331: {  	s15 =	sadd.s32 $0x1, s15  }
0x332: {  	p0 =	sne.s32 s15, $0x20  }
.Ltmp2:
0x333: {  	_ = 	snop;
	(pc) =	sbr.rel @p0 .LBB2_2-.Ltmp2, $4  }
0x334: {  	_ = 	snop  }
0x335: {  	s16 =	sshll.u32 s16, $0xD  }
0x336: {  	s16 =	sadd.s32 s16, s5  }
0x337: {  	[hbm4b:s16+s10] =	stream.strided.scatter [tilespmem:s12], [sflag:$0x1], $0x8000, s11, s10, $0x38;
	[tilespmem:$0x16000] =	vst v63  }
0x338: {  	s14 =	sadd.s32 $0x1, s14  }
0x339: {  	_ =	swait.ge [sflag:s13], $0x8000;
	p0 =	sne.s32 s14, s6  }
.Ltmp3:
0x33a: {  	[sflag:s13] =	ssyncset.done $0x0;
	(pc) =	sbr.rel @p0 .LBB2_1-.Ltmp3, $4  }
0x33b: {  	[sflag:s13] =	ssyncadd.s32 $0xFFFF8000  }
0x33c: {  	_ =	swait.ge [sflag:s13], $0x8000  }
0x33d: {  	[sflag:s13] =	ssyncset.done $0x0  }
0x33e: {  	[sflag:s13] =	ssyncadd.s32 $0xFFFF8000  }
0x33f: {  	_ =	sfence.sel $0x180000  }
0x340: {  	[bflag:$0x0] =	sbarrier.arrive $0xFFFF  }
0x341: {  	p0 =	sne.s32 s1, $0x0;
	_ =	strace $0x90000047  }
0x342: {  	s0 =	sadd.s32 @!p0 $0x100000, s0;
	[bflag:$0x2] =	sbarrier.arrive $0xFFFF  }
0x343: {  	[sflag:s0] =	ssyncadd.tile.s32 @!p0 $0x1;
	_ =	shalt  }
.Lfunc_end2:
_tile_overlayer_lowered:
.L_overlay_start_2:
0x344: {  	(tag) =	ssettag $0x2  }
0x345: {  	s0 =	rddreg [dreg:$0x0];
	s2 =	stileid.u32  }
0x346: {  	s1 =	rddreg [dreg:$0x1];
	p0 =	sne.s32 s2, $0x0  }
0x347: {  	s3 =	rddreg [dreg:$0x2];
	[bflag:$0x3] =	sbarrier.arrive $0xFFFF;
	s2 =	simm.s32 @!p0 $0x1C02  }
0x348: {  	[timem:s3], [sflag:s2] =	dma.local @!p0 [hbm:s0], s1  }
0x349: {  	s0 =	simm.s32 @!p0 $0x2  }
0x34a: {  	_ =	swait.ge @!p0 [sflag:s0], s1  }
0x34b: {  	s1 =	ssub.s32 @!p0 $0x0, s1;
	[sflag:s0] =	ssyncset.done @!p0 $0x0  }
0x34c: {  	[sflag:s0] =	ssyncadd.s32 @!p0 s1  }
0x34d: {  	[bflag:$0x3] =	sbarrier.arrive $0xFFFF  }
0x34e: {  	_ =	shalt  }

</sc_bundles>
